<compile_context>
chip_gen: v7x
topology: tpu7x:2x2x1
jax: 0.10.2.dev20260603
libtpu: 0.0.44.dev20260713+nightly
codegen_flags: <defaults>
</compile_context>

<pallas_src>
import functools

import jax
import jax.numpy as jnp
from jax import lax
from jax.experimental import pallas as pl
from jax.experimental.pallas import tpu as pltpu
from jax.experimental.pallas import tpu_sc as plsc

B, C, H, W = 64, 8, 128, 128
HW = H * W
M = 128
N = 128
NTILES = 32
BPT = B // NTILES
EPT = BPT * M * C
NVREG = EPT // 16
NCHUNK = EPT // 128

_mesh = plsc.VectorSubcoreMesh(core_axis_name="c", subcore_axis_name="s")


@functools.partial(
    pl.kernel,
    out_type=jax.ShapeDtypeStruct((NTILES, 16), jnp.float32),
    mesh=_mesh,
    compiler_params=pltpu.CompilerParams(needs_layout_passes=False),
    scratch_types=[
        pltpu.VMEM((BPT * M,), jnp.int32),
        pltpu.VMEM((BPT * N,), jnp.int32),
        pltpu.VMEM((BPT * 4 * M,), jnp.int32),
        pltpu.VMEM((BPT * M,), jnp.int32),
        pltpu.VMEM((BPT * N,), jnp.int32),
        pltpu.VMEM((EPT,), jnp.float32),
        pltpu.VMEM((EPT,), jnp.float32),
        pltpu.VMEM((EPT,), jnp.float32),
        pltpu.VMEM((EPT,), jnp.float32),
        pltpu.VMEM((16,), jnp.float32),
        pltpu.SemaphoreType.DMA,
        pltpu.SemaphoreType.DMA,
    ],
)
def _pair_loss_sc(o1_hbm, o2_hbm, i1_hbm, i2_hbm, mk_hbm, mkc_hbm, ctr_hbm,
                  t1_hbm, t2_hbm, out_hbm,
                  ind1_v, ind2_v, ctr_v, mk_v, mkc_v, t1_v, t2_v,
                  pred1_v, pred2_v, part_v, sem, semb):
    wid = lax.axis_index("s") * 2 + lax.axis_index("c")
    b0 = wid * BPT

    c1 = pltpu.async_copy(i1_hbm.at[pl.ds(b0 * M, BPT * M)], ind1_v, sem)
    c2 = pltpu.async_copy(i2_hbm.at[pl.ds(b0 * N, BPT * N)], ind2_v, sem)
    c1.wait()
    c2.wait()

    iota = lax.iota(jnp.int32, 16)

    copies = []
    copies_b1 = []
    for j in range(NCHUNK):
        bb = j >> 3
        ch = j & 7
        base = ((b0 + bb) * C + ch) * HW
        i1row = ind1_v.at[pl.ds(bb * M, M)]
        i2row = ind2_v.at[pl.ds(bb * N, N)]
        grp, gsem = (copies, sem) if bb == 0 else (copies_b1, semb)
        grp.append(pltpu.async_copy(
            o1_hbm.at[pl.ds(base, HW)].at[i1row],
            pred1_v.at[pl.ds(j * 128, 128)], gsem))
        grp.append(pltpu.async_copy(
            o2_hbm.at[pl.ds(base, HW)].at[i2row],
            pred2_v.at[pl.ds(j * 128, 128)], gsem))

    ctr_base = (b0 >> 3) * (4 * 8 * 128) + (b0 & 7) * 128
    for tc in range(4):
        copies.append(pltpu.async_copy(
            ctr_hbm.at[pl.ds(ctr_base + tc * (8 * 128), BPT * 128)],
            ctr_v.at[pl.ds(tc * BPT * 128, BPT * 128)], sem))
    copies.append(pltpu.async_copy(
        mk_hbm.at[pl.ds(b0 * M, BPT * M)], mk_v, sem))
    copies.append(pltpu.async_copy(
        mkc_hbm.at[pl.ds(b0 * N, BPT * N)], mkc_v, sem))
    copies.append(pltpu.async_copy(
        t1_hbm.at[pl.ds(b0 * M * C, EPT)], t1_v, sem))
    copies.append(pltpu.async_copy(
        t2_hbm.at[pl.ds(b0 * N * C, EPT)], t2_v, sem))

    for cp in copies:
        cp.wait()

    zero = jnp.zeros((16,), jnp.float32)

    def _body(i, carry):
        a1, a2, a3, ad = carry
        bb = i >> 6
        ch = (i >> 3) & 7
        m0 = (i & 7) * 16
        mrow = pl.ds(bb * M + m0, 16)
        mkf = mk_v[mrow].astype(jnp.float32)
        mc = mkc_v[mrow]
        jv = ((4 * m0) >> 7) * (BPT * 128) + bb * 128 + ((4 * m0) & 127) \
            + (ch >> 1) + 4 * iota
        cv = plsc.load_gather(ctr_v, [jv])
        q = 2 * cv + (ch & 1)
        src = bb * (N * C) + (q & 7) * M + (q >> 3)
        p2g = plsc.load_gather(pred2_v, [src])
        t2g = plsc.load_gather(t2_v, [src])
        sl = pl.ds(i * 16, 16)
        p1 = pred1_v[sl]
        t1 = t1_v[sl]
        p2 = pred2_v[sl]
        t2 = t2_v[sl]
        delta = (jnp.abs(p1 - t1) + jnp.abs(p2g - t2g)) / (jnp.abs(t1) + 0.0001)
        delta = delta * delta
        dm = jnp.where(delta > 1.0, 0.0, 1.0)
        delta = delta * dm + (1.0 - dm)
        wgt = 1.0 - jnp.exp(-3.14 * delta)
        mw = mkf * wgt
        a1 = a1 + jnp.abs(p1 * mw - t1 * mw)
        a2 = a2 + jnp.abs(p2g * mw - t2g * mw)
        big = jnp.where((t2 == 0.0).astype(jnp.int32) == mc, 1.0, 0.0)
        a3 = a3 + jnp.abs(p2 * big - t2 * big)
        ad = ad + mkf
        return a1, a2, a3, ad

    carry0 = pl.loop(0, NVREG // 2, init_carry=(zero, zero, zero, zero),
                     unroll=2)(_body)

    for cp in copies_b1:
        cp.wait()

    a1, a2, a3, ad = pl.loop(NVREG // 2, NVREG, init_carry=carry0,
                             unroll=2)(_body)
    s1 = jnp.sum(a1)
    s2 = jnp.sum(a2)
    s3 = jnp.sum(a3)
    sd = jnp.sum(ad)
    part = (jnp.where(iota == 0, s1, 0.0) + jnp.where(iota == 1, s2, 0.0)
            + jnp.where(iota == 2, s3, 0.0) + jnp.where(iota == 3, sd, 0.0))
    part_v[...] = part
    pltpu.sync_copy(part_v, out_hbm.at[wid])


def kernel(output1, ind1, output2, ind2, mask, mask_cro, ctr_cro_ind,
           target1, target2, hm_ctxy):
    del hm_ctxy
    parts = _pair_loss_sc(
        output1.reshape(B * C * HW),
        output2.reshape(B * C * HW),
        ind1.reshape(B * M),
        ind2.reshape(B * N),
        mask.reshape(B * M),
        mask_cro.reshape(B * N),
        ctr_cro_ind.reshape(B // 8, 8, 4, 128).transpose(0, 2, 1, 3)
        .reshape(B * 4 * M),
        jnp.transpose(target1, (0, 2, 1)).reshape(B * M * C),
        jnp.transpose(target2, (0, 2, 1)).reshape(B * N * C),
    )
    s = jnp.sum(parts, axis=0)
    denom = s[3] + 0.0001
    loss1 = s[0] / denom
    loss2 = s[1] / denom
    loss3 = s[2] / denom
    return (loss1, 0.5 * loss2 + 0.2 * loss3)

# --- scband reference (transcript-rebuilt; emitter-appended) ---
"""Pipeline reference for scband-pair-loss-63634235457982 (READ-ONLY COPY).

The authoritative reference and input builder live on the scoring server;
editing this copy changes nothing except your own understanding.
"""

import jax, jax.numpy as jnp
import numpy as np

B, C, H, W = 64, 8, 128, 128
M = 128
N = 128


def _tranpose_and_gather_feat(feat, ind):
    b, c, h, w = feat.shape
    feat = jnp.transpose(feat, (0, 2, 3, 1)).reshape(b, h * w, c)
    idx = jnp.broadcast_to(ind[:, :, None], (b, ind.shape[1], c))
    return jnp.take_along_axis(feat, idx, axis=1)


def setup_inputs(seed: int = 0):
    key = jax.random.key(seed)
    ks = jax.random.split(key, 10)
    output1 = jax.random.normal(ks[0], (B, C, H, W), dtype=jnp.float32)
    ind1 = jax.random.randint(ks[1], (B, M), 0, H * W, dtype=jnp.int32)
    output2 = jax.random.normal(ks[2], (B, C, H, W), dtype=jnp.float32)
    ind2 = jax.random.randint(ks[3], (B, N), 0, H * W, dtype=jnp.int32)
    mask = jax.random.randint(ks[4], (B, M), 0, 2, dtype=jnp.int32)
    mask_cro = jax.random.randint(ks[5], (B, N), 0, 2, dtype=jnp.int32)
    ctr_cro_ind = jax.random.randint(ks[6], (B, 4 * M), 0, 4 * N, dtype=jnp.int32)
    target1 = jax.random.normal(ks[7], (B, M, 8), dtype=jnp.float32)
    target2 = jax.random.normal(ks[8], (B, N, 8), dtype=jnp.float32)
    hm_ctxy = jax.random.normal(ks[9], (B, M, 4), dtype=jnp.float32)
    return {"output1": output1, "ind1": ind1, "output2": output2, "ind2": ind2,
            "mask": mask, "mask_cro": mask_cro, "ctr_cro_ind": ctr_cro_ind,
            "target1": target1, "target2": target2, "hm_ctxy": hm_ctxy}


def reference(output1, ind1, output2, ind2, mask, mask_cro, ctr_cro_ind, target1, target2, hm_ctxy):
    pred1 = _tranpose_and_gather_feat(output1, ind1)  # [b, m, 8]
    pred2 = _tranpose_and_gather_feat(output2, ind2)  # [b, n, 8]
    pred2_tmp = pred2
    target2_tmp = target2
    b, m, _ = pred1.shape
    n = pred2.shape[1]
    maskf = jnp.broadcast_to(mask[:, :, None], (b, m, 8)).astype(jnp.float32)
    pred2v = pred2.reshape(b, 4 * n, 2)
    idx = jnp.broadcast_to(ctr_cro_ind[:, :, None], (b, 4 * m, 2))
    pred2g = jnp.take_along_axis(pred2v, idx, axis=1).reshape(b, m, 8)
    target2g = jnp.take_along_axis(target2.reshape(b, 4 * n, 2), idx, axis=1).reshape(b, m, 8)
    delta = (jnp.abs(pred1 - target1) + jnp.abs(pred2g - target2g)) / (jnp.abs(target1) + 0.0001)
    delta = delta * delta
    delta_mask = (~(delta > 1.0)).astype(jnp.float32)
    delta = delta * delta_mask + (1.0 - delta_mask)
    delta = -3.14 * delta
    weight = 1.0 - jnp.exp(delta)
    loss1 = jnp.sum(jnp.abs(pred1 * maskf * weight - target1 * maskf * weight))
    loss2 = jnp.sum(jnp.abs(pred2g * maskf * weight - target2g * maskf * weight))
    denom = jnp.sum(maskf) + 0.0001
    loss1 = loss1 / denom
    loss2 = loss2 / denom
    mask1 = (target2_tmp == 0)
    mask_cro_e = jnp.broadcast_to(mask_cro[:, :, None], (b, n, 8))
    MASK = (mask1.astype(jnp.int32) == mask_cro_e.astype(jnp.int32)).astype(jnp.float32)
    loss3 = jnp.sum(jnp.abs(pred2_tmp * MASK - target2_tmp * MASK)) / denom
    return (loss1, 0.5 * loss2 + 0.2 * loss3)

if __name__ == "__main__":
    import jax
    _d = setup_inputs()
    print(jax.jit(kernel)(*tuple(_d.values())))

</pallas_src>

<mosaic_0001>
#map = affine_map<(d0, d1) -> (0)>
#map1 = affine_map<(d0, d1) -> (0, 0)>
module attributes {stable_mosaic.version = 14 : i64} {
  func.func @_pair_loss_sc(%arg0: i32, %arg1: i32, %arg2: memref<8388608xf32, #tpu.memory_space<hbm>>, %arg3: memref<8388608xf32, #tpu.memory_space<hbm>>, %arg4: memref<8192xi32, #tpu.memory_space<hbm>>, %arg5: memref<8192xi32, #tpu.memory_space<hbm>>, %arg6: memref<8192xi32, #tpu.memory_space<hbm>>, %arg7: memref<8192xi32, #tpu.memory_space<hbm>>, %arg8: memref<32768xi32, #tpu.memory_space<hbm>>, %arg9: memref<65536xf32, #tpu.memory_space<hbm>>, %arg10: memref<65536xf32, #tpu.memory_space<hbm>>, %arg11: memref<32x16xf32, #tpu.memory_space<hbm>>, %arg12: memref<256xi32, #tpu.memory_space<vmem>>, %arg13: memref<256xi32, #tpu.memory_space<vmem>>, %arg14: memref<1024xi32, #tpu.memory_space<vmem>>, %arg15: memref<256xi32, #tpu.memory_space<vmem>>, %arg16: memref<256xi32, #tpu.memory_space<vmem>>, %arg17: memref<2048xf32, #tpu.memory_space<vmem>>, %arg18: memref<2048xf32, #tpu.memory_space<vmem>>, %arg19: memref<2048xf32, #tpu.memory_space<vmem>>, %arg20: memref<2048xf32, #tpu.memory_space<vmem>>, %arg21: memref<16xf32, #tpu.memory_space<vmem>>, %arg22: memref<!tpu.dma_semaphore, #tpu.memory_space<semaphore_mem>>, %arg23: memref<!tpu.dma_semaphore, #tpu.memory_space<semaphore_mem>>) attributes {dimension_semantics = [#tpu.dimension_semantics<core_parallel>, #tpu.dimension_semantics<subcore_parallel>], iteration_bounds = array<i64: 2, 16>, scalar_prefetch = 0 : i64, scratch_operands = 12 : i64, tpu.core_type = #tpu.core_type<sc_vector_subcore>, window_params = [{transform_indices = #map}, {transform_indices = #map}, {transform_indices = #map}, {transform_indices = #map}, {transform_indices = #map}, {transform_indices = #map}, {transform_indices = #map}, {transform_indices = #map}, {transform_indices = #map}, {transform_indices = #map1}]} {
    %mul3A = arith.constant 2 : i32
    %mul3A_0 = arith.muli %arg1, %mul3A : i32
    %add3A = arith.addi %mul3A_0, %arg0 : i32
    %mul3A_1 = arith.constant 2 : i32
    %mul3A_2 = arith.muli %add3A, %mul3A_1 : i32
    %mul3A_3 = arith.constant 128 : i32
    %mul3A_4 = arith.muli %mul3A_2, %mul3A_3 : i32
    %dma_start3A = tpu.memref_slice %arg4[%mul3A_4] : memref<8192xi32, #tpu.memory_space<hbm>> -> memref<256xi32, #tpu.memory_space<hbm>>
    %dma_start3A_5 = tpu.memref_slice %arg4[%mul3A_4] : memref<8192xi32, #tpu.memory_space<hbm>> -> memref<256xi32, #tpu.memory_space<hbm>>
    tpu.enqueue_dma source(%dma_start3A_5 : memref<256xi32, #tpu.memory_space<hbm>>) target(%arg12 : memref<256xi32, #tpu.memory_space<vmem>>) target_semaphore(%arg22 : memref<!tpu.dma_semaphore, #tpu.memory_space<semaphore_mem>>)
    %mul3A_6 = arith.constant 128 : i32
    %mul3A_7 = arith.muli %mul3A_2, %mul3A_6 : i32
    %dma_start3A_8 = tpu.memref_slice %arg5[%mul3A_7] : memref<8192xi32, #tpu.memory_space<hbm>> -> memref<256xi32, #tpu.memory_space<hbm>>
    %dma_start3A_9 = tpu.memref_slice %arg5[%mul3A_7] : memref<8192xi32, #tpu.memory_space<hbm>> -> memref<256xi32, #tpu.memory_space<hbm>>
    tpu.enqueue_dma source(%dma_start3A_9 : memref<256xi32, #tpu.memory_space<hbm>>) target(%arg13 : memref<256xi32, #tpu.memory_space<vmem>>) target_semaphore(%arg22 : memref<!tpu.dma_semaphore, #tpu.memory_space<semaphore_mem>>)
    %dma_wait3A = tpu.memref_slice %arg4[%mul3A_4] : memref<8192xi32, #tpu.memory_space<hbm>> -> memref<256xi32, #tpu.memory_space<hbm>>
    %dma_wait3A_10 = tpu.memref_slice %arg4[%mul3A_4] : memref<8192xi32, #tpu.memory_space<hbm>> -> memref<256xi32, #tpu.memory_space<hbm>>
    tpu.wait_dma2 semaphore(%arg22 : memref<!tpu.dma_semaphore, #tpu.memory_space<semaphore_mem>>) src(%dma_wait3A_10 : memref<256xi32, #tpu.memory_space<hbm>>) dst(%arg12 : memref<256xi32, #tpu.memory_space<vmem>>)
    %dma_wait3A_11 = tpu.memref_slice %arg5[%mul3A_7] : memref<8192xi32, #tpu.memory_space<hbm>> -> memref<256xi32, #tpu.memory_space<hbm>>
    %dma_wait3A_12 = tpu.memref_slice %arg5[%mul3A_7] : memref<8192xi32, #tpu.memory_space<hbm>> -> memref<256xi32, #tpu.memory_space<hbm>>
    tpu.wait_dma2 semaphore(%arg22 : memref<!tpu.dma_semaphore, #tpu.memory_space<semaphore_mem>>) src(%dma_wait3A_12 : memref<256xi32, #tpu.memory_space<hbm>>) dst(%arg13 : memref<256xi32, #tpu.memory_space<vmem>>)
    %iota3A = tpu.iota {dimensions = array<i32: 0>} : vector<16xi32>
    %add3A_13 = arith.constant 0 : i32
    %add3A_14 = arith.addi %mul3A_2, %add3A_13 : i32
    %mul3A_15 = arith.constant 8 : i32
    %mul3A_16 = arith.muli %add3A_14, %mul3A_15 : i32
    %add3A_17 = arith.constant 0 : i32
    %add3A_18 = arith.addi %mul3A_16, %add3A_17 : i32
    %mul3A_19 = arith.constant 16384 : i32
    %mul3A_20 = arith.muli %add3A_18, %mul3A_19 : i32
    %dma_start3A_21 = arith.constant 0 : i32
    %dma_start3A_22 = tpu.memref_slice %arg19[%dma_start3A_21] : memref<2048xf32, #tpu.memory_space<vmem>> -> memref<128xf32, #tpu.memory_space<vmem>>
    %dma_start3A_23 = arith.constant 0 : i32
    %dma_start3A_24 = tpu.memref_slice %arg12[%dma_start3A_23] : memref<256xi32, #tpu.memory_space<vmem>> -> memref<128xi32, #tpu.memory_space<vmem>>
    %dma_start3A_25 = tpu.memref_slice %arg2[%mul3A_20] : memref<8388608xf32, #tpu.memory_space<hbm>> -> memref<16384xf32, #tpu.memory_space<hbm>>
    %dma_start3A_26 = arith.constant 0 : i32
    %dma_start3A_27 = tpu.memref_slice %dma_start3A_25[%dma_start3A_26] : memref<16384xf32, #tpu.memory_space<hbm>> -> memref<16384xf32, #tpu.memory_space<hbm>>
    tpu.enqueue_indirect_dma source(%dma_start3A_27 : memref<16384xf32, #tpu.memory_space<hbm>>) target(%dma_start3A_22 : memref<128xf32, #tpu.memory_space<vmem>>) offsets(%dma_start3A_24 : memref<128xi32, #tpu.memory_space<vmem>>) semaphore(%arg22 : memref<!tpu.dma_semaphore, #tpu.memory_space<semaphore_mem>>)
    %dma_start3A_28 = arith.constant 0 : i32
    %dma_start3A_29 = tpu.memref_slice %arg20[%dma_start3A_28] : memref<2048xf32, #tpu.memory_space<vmem>> -> memref<128xf32, #tpu.memory_space<vmem>>
    %dma_start3A_30 = arith.constant 0 : i32
    %dma_start3A_31 = tpu.memref_slice %arg13[%dma_start3A_30] : memref<256xi32, #tpu.memory_space<vmem>> -> memref<128xi32, #tpu.memory_space<vmem>>
    %dma_start3A_32 = tpu.memref_slice %arg3[%mul3A_20] : memref<8388608xf32, #tpu.memory_space<hbm>> -> memref<16384xf32, #tpu.memory_space<hbm>>
    %dma_start3A_33 = arith.constant 0 : i32
    %dma_start3A_34 = tpu.memref_slice %dma_start3A_32[%dma_start3A_33] : memref<16384xf32, #tpu.memory_space<hbm>> -> memref<16384xf32, #tpu.memory_space<hbm>>
    tpu.enqueue_indirect_dma source(%dma_start3A_34 : memref<16384xf32, #tpu.memory_space<hbm>>) target(%dma_start3A_29 : memref<128xf32, #tpu.memory_space<vmem>>) offsets(%dma_start3A_31 : memref<128xi32, #tpu.memory_space<vmem>>) semaphore(%arg22 : memref<!tpu.dma_semaphore, #tpu.memory_space<semaphore_mem>>)
    %add3A_35 = arith.constant 0 : i32
    %add3A_36 = arith.addi %mul3A_2, %add3A_35 : i32
    %mul3A_37 = arith.constant 8 : i32
    %mul3A_38 = arith.muli %add3A_36, %mul3A_37 : i32
    %add3A_39 = arith.constant 1 : i32
    %add3A_40 = arith.addi %mul3A_38, %add3A_39 : i32
    %mul3A_41 = arith.constant 16384 : i32
    %mul3A_42 = arith.muli %add3A_40, %mul3A_41 : i32
    %dma_start3A_43 = arith.constant 128 : i32
    %dma_start3A_44 = tpu.memref_slice %arg19[%dma_start3A_43] : memref<2048xf32, #tpu.memory_space<vmem>> -> memref<128xf32, #tpu.memory_space<vmem>>
    %dma_start3A_45 = arith.constant 0 : i32
    %dma_start3A_46 = tpu.memref_slice %arg12[%dma_start3A_45] : memref<256xi32, #tpu.memory_space<vmem>> -> memref<128xi32, #tpu.memory_space<vmem>>
    %dma_start3A_47 = tpu.memref_slice %arg2[%mul3A_42] : memref<8388608xf32, #tpu.memory_space<hbm>> -> memref<16384xf32, #tpu.memory_space<hbm>>
    %dma_start3A_48 = arith.constant 0 : i32
    %dma_start3A_49 = tpu.memref_slice %dma_start3A_47[%dma_start3A_48] : memref<16384xf32, #tpu.memory_space<hbm>> -> memref<16384xf32, #tpu.memory_space<hbm>>
    tpu.enqueue_indirect_dma source(%dma_start3A_49 : memref<16384xf32, #tpu.memory_space<hbm>>) target(%dma_start3A_44 : memref<128xf32, #tpu.memory_space<vmem>>) offsets(%dma_start3A_46 : memref<128xi32, #tpu.memory_space<vmem>>) semaphore(%arg22 : memref<!tpu.dma_semaphore, #tpu.memory_space<semaphore_mem>>)
    %dma_start3A_50 = arith.constant 128 : i32
    %dma_start3A_51 = tpu.memref_slice %arg20[%dma_start3A_50] : memref<2048xf32, #tpu.memory_space<vmem>> -> memref<128xf32, #tpu.memory_space<vmem>>
    %dma_start3A_52 = arith.constant 0 : i32
    %dma_start3A_53 = tpu.memref_slice %arg13[%dma_start3A_52] : memref<256xi32, #tpu.memory_space<vmem>> -> memref<128xi32, #tpu.memory_space<vmem>>
    %dma_start3A_54 = tpu.memref_slice %arg3[%mul3A_42] : memref<8388608xf32, #tpu.memory_space<hbm>> -> memref<16384xf32, #tpu.memory_space<hbm>>
    %dma_start3A_55 = arith.constant 0 : i32
    %dma_start3A_56 = tpu.memref_slice %dma_start3A_54[%dma_start3A_55] : memref<16384xf32, #tpu.memory_space<hbm>> -> memref<16384xf32, #tpu.memory_space<hbm>>
    tpu.enqueue_indirect_dma source(%dma_start3A_56 : memref<16384xf32, #tpu.memory_space<hbm>>) target(%dma_start3A_51 : memref<128xf32, #tpu.memory_space<vmem>>) offsets(%dma_start3A_53 : memref<128xi32, #tpu.memory_space<vmem>>) semaphore(%arg22 : memref<!tpu.dma_semaphore, #tpu.memory_space<semaphore_mem>>)
    %add3A_57 = arith.constant 0 : i32
    %add3A_58 = arith.addi %mul3A_2, %add3A_57 : i32
    %mul3A_59 = arith.constant 8 : i32
    %mul3A_60 = arith.muli %add3A_58, %mul3A_59 : i32
    %add3A_61 = arith.constant 2 : i32
    %add3A_62 = arith.addi %mul3A_60, %add3A_61 : i32
    %mul3A_63 = arith.constant 16384 : i32
    %mul3A_64 = arith.muli %add3A_62, %mul3A_63 : i32
    %dma_start3A_65 = arith.constant 256 : i32
    %dma_start3A_66 = tpu.memref_slice %arg19[%dma_start3A_65] : memref<2048xf32, #tpu.memory_space<vmem>> -> memref<128xf32, #tpu.memory_space<vmem>>
    %dma_start3A_67 = arith.constant 0 : i32
    %dma_start3A_68 = tpu.memref_slice %arg12[%dma_start3A_67] : memref<256xi32, #tpu.memory_space<vmem>> -> memref<128xi32, #tpu.memory_space<vmem>>
    %dma_start3A_69 = tpu.memref_slice %arg2[%mul3A_64] : memref<8388608xf32, #tpu.memory_space<hbm>> -> memref<16384xf32, #tpu.memory_space<hbm>>
    %dma_start3A_70 = arith.constant 0 : i32
    %dma_start3A_71 = tpu.memref_slice %dma_start3A_69[%dma_start3A_70] : memref<16384xf32, #tpu.memory_space<hbm>> -> memref<16384xf32, #tpu.memory_space<hbm>>
    tpu.enqueue_indirect_dma source(%dma_start3A_71 : memref<16384xf32, #tpu.memory_space<hbm>>) target(%dma_start3A_66 : memref<128xf32, #tpu.memory_space<vmem>>) offsets(%dma_start3A_68 : memref<128xi32, #tpu.memory_space<vmem>>) semaphore(%arg22 : memref<!tpu.dma_semaphore, #tpu.memory_space<semaphore_mem>>)
    %dma_start3A_72 = arith.constant 256 : i32
    %dma_start3A_73 = tpu.memref_slice %arg20[%dma_start3A_72] : memref<2048xf32, #tpu.memory_space<vmem>> -> memref<128xf32, #tpu.memory_space<vmem>>
    %dma_start3A_74 = arith.constant 0 : i32
    %dma_start3A_75 = tpu.memref_slice %arg13[%dma_start3A_74] : memref<256xi32, #tpu.memory_space<vmem>> -> memref<128xi32, #tpu.memory_space<vmem>>
    %dma_start3A_76 = tpu.memref_slice %arg3[%mul3A_64] : memref<8388608xf32, #tpu.memory_space<hbm>> -> memref<16384xf32, #tpu.memory_space<hbm>>
    %dma_start3A_77 = arith.constant 0 : i32
    %dma_start3A_78 = tpu.memref_slice %dma_start3A_76[%dma_start3A_77] : memref<16384xf32, #tpu.memory_space<hbm>> -> memref<16384xf32, #tpu.memory_space<hbm>>
    tpu.enqueue_indirect_dma source(%dma_start3A_78 : memref<16384xf32, #tpu.memory_space<hbm>>) target(%dma_start3A_73 : memref<128xf32, #tpu.memory_space<vmem>>) offsets(%dma_start3A_75 : memref<128xi32, #tpu.memory_space<vmem>>) semaphore(%arg22 : memref<!tpu.dma_semaphore, #tpu.memory_space<semaphore_mem>>)
    %add3A_79 = arith.constant 0 : i32
    %add3A_80 = arith.addi %mul3A_2, %add3A_79 : i32
    %mul3A_81 = arith.constant 8 : i32
    %mul3A_82 = arith.muli %add3A_80, %mul3A_81 : i32
    %add3A_83 = arith.constant 3 : i32
    %add3A_84 = arith.addi %mul3A_82, %add3A_83 : i32
    %mul3A_85 = arith.constant 16384 : i32
    %mul3A_86 = arith.muli %add3A_84, %mul3A_85 : i32
    %dma_start3A_87 = arith.constant 384 : i32
    %dma_start3A_88 = tpu.memref_slice %arg19[%dma_start3A_87] : memref<2048xf32, #tpu.memory_space<vmem>> -> memref<128xf32, #tpu.memory_space<vmem>>
    %dma_start3A_89 = arith.constant 0 : i32
    %dma_start3A_90 = tpu.memref_slice %arg12[%dma_start3A_89] : memref<256xi32, #tpu.memory_space<vmem>> -> memref<128xi32, #tpu.memory_space<vmem>>
    %dma_start3A_91 = tpu.memref_slice %arg2[%mul3A_86] : memref<8388608xf32, #tpu.memory_space<hbm>> -> memref<16384xf32, #tpu.memory_space<hbm>>
    %dma_start3A_92 = arith.constant 0 : i32
    %dma_start3A_93 = tpu.memref_slice %dma_start3A_91[%dma_start3A_92] : memref<16384xf32, #tpu.memory_space<hbm>> -> memref<16384xf32, #tpu.memory_space<hbm>>
    tpu.enqueue_indirect_dma source(%dma_start3A_93 : memref<16384xf32, #tpu.memory_space<hbm>>) target(%dma_start3A_88 : memref<128xf32, #tpu.memory_space<vmem>>) offsets(%dma_start3A_90 : memref<128xi32, #tpu.memory_space<vmem>>) semaphore(%arg22 : memref<!tpu.dma_semaphore, #tpu.memory_space<semaphore_mem>>)
    %dma_start3A_94 = arith.constant 384 : i32
    %dma_start3A_95 = tpu.memref_slice %arg20[%dma_start3A_94] : memref<2048xf32, #tpu.memory_space<vmem>> -> memref<128xf32, #tpu.memory_space<vmem>>
    %dma_start3A_96 = arith.constant 0 : i32
    %dma_start3A_97 = tpu.memref_slice %arg13[%dma_start3A_96] : memref<256xi32, #tpu.memory_space<vmem>> -> memref<128xi32, #tpu.memory_space<vmem>>
    %dma_start3A_98 = tpu.memref_slice %arg3[%mul3A_86] : memref<8388608xf32, #tpu.memory_space<hbm>> -> memref<16384xf32, #tpu.memory_space<hbm>>
    %dma_start3A_99 = arith.constant 0 : i32
    %dma_start3A_100 = tpu.memref_slice %dma_start3A_98[%dma_start3A_99] : memref<16384xf32, #tpu.memory_space<hbm>> -> memref<16384xf32, #tpu.memory_space<hbm>>
    tpu.enqueue_indirect_dma source(%dma_start3A_100 : memref<16384xf32, #tpu.memory_space<hbm>>) target(%dma_start3A_95 : memref<128xf32, #tpu.memory_space<vmem>>) offsets(%dma_start3A_97 : memref<128xi32, #tpu.memory_space<vmem>>) semaphore(%arg22 : memref<!tpu.dma_semaphore, #tpu.memory_space<semaphore_mem>>)
    %add3A_101 = arith.constant 0 : i32
    %add3A_102 = arith.addi %mul3A_2, %add3A_101 : i32
    %mul3A_103 = arith.constant 8 : i32
    %mul3A_104 = arith.muli %add3A_102, %mul3A_103 : i32
    %add3A_105 = arith.constant 4 : i32
    %add3A_106 = arith.addi %mul3A_104, %add3A_105 : i32
    %mul3A_107 = arith.constant 16384 : i32
    %mul3A_108 = arith.muli %add3A_106, %mul3A_107 : i32
    %dma_start3A_109 = arith.constant 512 : i32
    %dma_start3A_110 = tpu.memref_slice %arg19[%dma_start3A_109] : memref<2048xf32, #tpu.memory_space<vmem>> -> memref<128xf32, #tpu.memory_space<vmem>>
    %dma_start3A_111 = arith.constant 0 : i32
    %dma_start3A_112 = tpu.memref_slice %arg12[%dma_start3A_111] : memref<256xi32, #tpu.memory_space<vmem>> -> memref<128xi32, #tpu.memory_space<vmem>>
    %dma_start3A_113 = tpu.memref_slice %arg2[%mul3A_108] : memref<8388608xf32, #tpu.memory_space<hbm>> -> memref<16384xf32, #tpu.memory_space<hbm>>
    %dma_start3A_114 = arith.constant 0 : i32
    %dma_start3A_115 = tpu.memref_slice %dma_start3A_113[%dma_start3A_114] : memref<16384xf32, #tpu.memory_space<hbm>> -> memref<16384xf32, #tpu.memory_space<hbm>>
    tpu.enqueue_indirect_dma source(%dma_start3A_115 : memref<16384xf32, #tpu.memory_space<hbm>>) target(%dma_start3A_110 : memref<128xf32, #tpu.memory_space<vmem>>) offsets(%dma_start3A_112 : memref<128xi32, #tpu.memory_space<vmem>>) semaphore(%arg22 : memref<!tpu.dma_semaphore, #tpu.memory_space<semaphore_mem>>)
    %dma_start3A_116 = arith.constant 512 : i32
    %dma_start3A_117 = tpu.memref_slice %arg20[%dma_start3A_116] : memref<2048xf32, #tpu.memory_space<vmem>> -> memref<128xf32, #tpu.memory_space<vmem>>
    %dma_start3A_118 = arith.constant 0 : i32
    %dma_start3A_119 = tpu.memref_slice %arg13[%dma_start3A_118] : memref<256xi32, #tpu.memory_space<vmem>> -> memref<128xi32, #tpu.memory_space<vmem>>
    %dma_start3A_120 = tpu.memref_slice %arg3[%mul3A_108] : memref<8388608xf32, #tpu.memory_space<hbm>> -> memref<16384xf32, #tpu.memory_space<hbm>>
    %dma_start3A_121 = arith.constant 0 : i32
    %dma_start3A_122 = tpu.memref_slice %dma_start3A_120[%dma_start3A_121] : memref<16384xf32, #tpu.memory_space<hbm>> -> memref<16384xf32, #tpu.memory_space<hbm>>
    tpu.enqueue_indirect_dma source(%dma_start3A_122 : memref<16384xf32, #tpu.memory_space<hbm>>) target(%dma_start3A_117 : memref<128xf32, #tpu.memory_space<vmem>>) offsets(%dma_start3A_119 : memref<128xi32, #tpu.memory_space<vmem>>) semaphore(%arg22 : memref<!tpu.dma_semaphore, #tpu.memory_space<semaphore_mem>>)
    %add3A_123 = arith.constant 0 : i32
    %add3A_124 = arith.addi %mul3A_2, %add3A_123 : i32
    %mul3A_125 = arith.constant 8 : i32
    %mul3A_126 = arith.muli %add3A_124, %mul3A_125 : i32
    %add3A_127 = arith.constant 5 : i32
    %add3A_128 = arith.addi %mul3A_126, %add3A_127 : i32
    %mul3A_129 = arith.constant 16384 : i32
    %mul3A_130 = arith.muli %add3A_128, %mul3A_129 : i32
    %dma_start3A_131 = arith.constant 640 : i32
    %dma_start3A_132 = tpu.memref_slice %arg19[%dma_start3A_131] : memref<2048xf32, #tpu.memory_space<vmem>> -> memref<128xf32, #tpu.memory_space<vmem>>
    %dma_start3A_133 = arith.constant 0 : i32
    %dma_start3A_134 = tpu.memref_slice %arg12[%dma_start3A_133] : memref<256xi32, #tpu.memory_space<vmem>> -> memref<128xi32, #tpu.memory_space<vmem>>
    %dma_start3A_135 = tpu.memref_slice %arg2[%mul3A_130] : memref<8388608xf32, #tpu.memory_space<hbm>> -> memref<16384xf32, #tpu.memory_space<hbm>>
    %dma_start3A_136 = arith.constant 0 : i32
    %dma_start3A_137 = tpu.memref_slice %dma_start3A_135[%dma_start3A_136] : memref<16384xf32, #tpu.memory_space<hbm>> -> memref<16384xf32, #tpu.memory_space<hbm>>
    tpu.enqueue_indirect_dma source(%dma_start3A_137 : memref<16384xf32, #tpu.memory_space<hbm>>) target(%dma_start3A_132 : memref<128xf32, #tpu.memory_space<vmem>>) offsets(%dma_start3A_134 : memref<128xi32, #tpu.memory_space<vmem>>) semaphore(%arg22 : memref<!tpu.dma_semaphore, #tpu.memory_space<semaphore_mem>>)
    %dma_start3A_138 = arith.constant 640 : i32
    %dma_start3A_139 = tpu.memref_slice %arg20[%dma_start3A_138] : memref<2048xf32, #tpu.memory_space<vmem>> -> memref<128xf32, #tpu.memory_space<vmem>>
    %dma_start3A_140 = arith.constant 0 : i32
    %dma_start3A_141 = tpu.memref_slice %arg13[%dma_start3A_140] : memref<256xi32, #tpu.memory_space<vmem>> -> memref<128xi32, #tpu.memory_space<vmem>>
    %dma_start3A_142 = tpu.memref_slice %arg3[%mul3A_130] : memref<8388608xf32, #tpu.memory_space<hbm>> -> memref<16384xf32, #tpu.memory_space<hbm>>
    %dma_start3A_143 = arith.constant 0 : i32
    %dma_start3A_144 = tpu.memref_slice %dma_start3A_142[%dma_start3A_143] : memref<16384xf32, #tpu.memory_space<hbm>> -> memref<16384xf32, #tpu.memory_space<hbm>>
    tpu.enqueue_indirect_dma source(%dma_start3A_144 : memref<16384xf32, #tpu.memory_space<hbm>>) target(%dma_start3A_139 : memref<128xf32, #tpu.memory_space<vmem>>) offsets(%dma_start3A_141 : memref<128xi32, #tpu.memory_space<vmem>>) semaphore(%arg22 : memref<!tpu.dma_semaphore, #tpu.memory_space<semaphore_mem>>)
    %add3A_145 = arith.constant 0 : i32
    %add3A_146 = arith.addi %mul3A_2, %add3A_145 : i32
    %mul3A_147 = arith.constant 8 : i32
    %mul3A_148 = arith.muli %add3A_146, %mul3A_147 : i32
    %add3A_149 = arith.constant 6 : i32
    %add3A_150 = arith.addi %mul3A_148, %add3A_149 : i32
    %mul3A_151 = arith.constant 16384 : i32
    %mul3A_152 = arith.muli %add3A_150, %mul3A_151 : i32
    %dma_start3A_153 = arith.constant 768 : i32
    %dma_start3A_154 = tpu.memref_slice %arg19[%dma_start3A_153] : memref<2048xf32, #tpu.memory_space<vmem>> -> memref<128xf32, #tpu.memory_space<vmem>>
    %dma_start3A_155 = arith.constant 0 : i32
    %dma_start3A_156 = tpu.memref_slice %arg12[%dma_start3A_155] : memref<256xi32, #tpu.memory_space<vmem>> -> memref<128xi32, #tpu.memory_space<vmem>>
    %dma_start3A_157 = tpu.memref_slice %arg2[%mul3A_152] : memref<8388608xf32, #tpu.memory_space<hbm>> -> memref<16384xf32, #tpu.memory_space<hbm>>
    %dma_start3A_158 = arith.constant 0 : i32
    %dma_start3A_159 = tpu.memref_slice %dma_start3A_157[%dma_start3A_158] : memref<16384xf32, #tpu.memory_space<hbm>> -> memref<16384xf32, #tpu.memory_space<hbm>>
    tpu.enqueue_indirect_dma source(%dma_start3A_159 : memref<16384xf32, #tpu.memory_space<hbm>>) target(%dma_start3A_154 : memref<128xf32, #tpu.memory_space<vmem>>) offsets(%dma_start3A_156 : memref<128xi32, #tpu.memory_space<vmem>>) semaphore(%arg22 : memref<!tpu.dma_semaphore, #tpu.memory_space<semaphore_mem>>)
    %dma_start3A_160 = arith.constant 768 : i32
    %dma_start3A_161 = tpu.memref_slice %arg20[%dma_start3A_160] : memref<2048xf32, #tpu.memory_space<vmem>> -> memref<128xf32, #tpu.memory_space<vmem>>
    %dma_start3A_162 = arith.constant 0 : i32
    %dma_start3A_163 = tpu.memref_slice %arg13[%dma_start3A_162] : memref<256xi32, #tpu.memory_space<vmem>> -> memref<128xi32, #tpu.memory_space<vmem>>
    %dma_start3A_164 = tpu.memref_slice %arg3[%mul3A_152] : memref<8388608xf32, #tpu.memory_space<hbm>> -> memref<16384xf32, #tpu.memory_space<hbm>>
    %dma_start3A_165 = arith.constant 0 : i32
    %dma_start3A_166 = tpu.memref_slice %dma_start3A_164[%dma_start3A_165] : memref<16384xf32, #tpu.memory_space<hbm>> -> memref<16384xf32, #tpu.memory_space<hbm>>
    tpu.enqueue_indirect_dma source(%dma_start3A_166 : memref<16384xf32, #tpu.memory_space<hbm>>) target(%dma_start3A_161 : memref<128xf32, #tpu.memory_space<vmem>>) offsets(%dma_start3A_163 : memref<128xi32, #tpu.memory_space<vmem>>) semaphore(%arg22 : memref<!tpu.dma_semaphore, #tpu.memory_space<semaphore_mem>>)
    %add3A_167 = arith.constant 0 : i32
    %add3A_168 = arith.addi %mul3A_2, %add3A_167 : i32
    %mul3A_169 = arith.constant 8 : i32
    %mul3A_170 = arith.muli %add3A_168, %mul3A_169 : i32
    %add3A_171 = arith.constant 7 : i32
    %add3A_172 = arith.addi %mul3A_170, %add3A_171 : i32
    %mul3A_173 = arith.constant 16384 : i32
    %mul3A_174 = arith.muli %add3A_172, %mul3A_173 : i32
    %dma_start3A_175 = arith.constant 896 : i32
    %dma_start3A_176 = tpu.memref_slice %arg19[%dma_start3A_175] : memref<2048xf32, #tpu.memory_space<vmem>> -> memref<128xf32, #tpu.memory_space<vmem>>
    %dma_start3A_177 = arith.constant 0 : i32
    %dma_start3A_178 = tpu.memref_slice %arg12[%dma_start3A_177] : memref<256xi32, #tpu.memory_space<vmem>> -> memref<128xi32, #tpu.memory_space<vmem>>
    %dma_start3A_179 = tpu.memref_slice %arg2[%mul3A_174] : memref<8388608xf32, #tpu.memory_space<hbm>> -> memref<16384xf32, #tpu.memory_space<hbm>>
    %dma_start3A_180 = arith.constant 0 : i32
    %dma_start3A_181 = tpu.memref_slice %dma_start3A_179[%dma_start3A_180] : memref<16384xf32, #tpu.memory_space<hbm>> -> memref<16384xf32, #tpu.memory_space<hbm>>
    tpu.enqueue_indirect_dma source(%dma_start3A_181 : memref<16384xf32, #tpu.memory_space<hbm>>) target(%dma_start3A_176 : memref<128xf32, #tpu.memory_space<vmem>>) offsets(%dma_start3A_178 : memref<128xi32, #tpu.memory_space<vmem>>) semaphore(%arg22 : memref<!tpu.dma_semaphore, #tpu.memory_space<semaphore_mem>>)
    %dma_start3A_182 = arith.constant 896 : i32
    %dma_start3A_183 = tpu.memref_slice %arg20[%dma_start3A_182] : memref<2048xf32, #tpu.memory_space<vmem>> -> memref<128xf32, #tpu.memory_space<vmem>>
    %dma_start3A_184 = arith.constant 0 : i32
    %dma_start3A_185 = tpu.memref_slice %arg13[%dma_start3A_184] : memref<256xi32, #tpu.memory_space<vmem>> -> memref<128xi32, #tpu.memory_space<vmem>>
    %dma_start3A_186 = tpu.memref_slice %arg3[%mul3A_174] : memref<8388608xf32, #tpu.memory_space<hbm>> -> memref<16384xf32, #tpu.memory_space<hbm>>
    %dma_start3A_187 = arith.constant 0 : i32
    %dma_start3A_188 = tpu.memref_slice %dma_start3A_186[%dma_start3A_187] : memref<16384xf32, #tpu.memory_space<hbm>> -> memref<16384xf32, #tpu.memory_space<hbm>>
    tpu.enqueue_indirect_dma source(%dma_start3A_188 : memref<16384xf32, #tpu.memory_space<hbm>>) target(%dma_start3A_183 : memref<128xf32, #tpu.memory_space<vmem>>) offsets(%dma_start3A_185 : memref<128xi32, #tpu.memory_space<vmem>>) semaphore(%arg22 : memref<!tpu.dma_semaphore, #tpu.memory_space<semaphore_mem>>)
    %add3A_189 = arith.constant 1 : i32
    %add3A_190 = arith.addi %mul3A_2, %add3A_189 : i32
    %mul3A_191 = arith.constant 8 : i32
    %mul3A_192 = arith.muli %add3A_190, %mul3A_191 : i32
    %add3A_193 = arith.constant 0 : i32
    %add3A_194 = arith.addi %mul3A_192, %add3A_193 : i32
    %mul3A_195 = arith.constant 16384 : i32
    %mul3A_196 = arith.muli %add3A_194, %mul3A_195 : i32
    %dma_start3A_197 = arith.constant 1024 : i32
    %dma_start3A_198 = tpu.memref_slice %arg19[%dma_start3A_197] : memref<2048xf32, #tpu.memory_space<vmem>> -> memref<128xf32, #tpu.memory_space<vmem>>
    %dma_start3A_199 = arith.constant 128 : i32
    %dma_start3A_200 = tpu.memref_slice %arg12[%dma_start3A_199] : memref<256xi32, #tpu.memory_space<vmem>> -> memref<128xi32, #tpu.memory_space<vmem>>
    %dma_start3A_201 = tpu.memref_slice %arg2[%mul3A_196] : memref<8388608xf32, #tpu.memory_space<hbm>> -> memref<16384xf32, #tpu.memory_space<hbm>>
    %dma_start3A_202 = arith.constant 0 : i32
    %dma_start3A_203 = tpu.memref_slice %dma_start3A_201[%dma_start3A_202] : memref<16384xf32, #tpu.memory_space<hbm>> -> memref<16384xf32, #tpu.memory_space<hbm>>
    tpu.enqueue_indirect_dma source(%dma_start3A_203 : memref<16384xf32, #tpu.memory_space<hbm>>) target(%dma_start3A_198 : memref<128xf32, #tpu.memory_space<vmem>>) offsets(%dma_start3A_200 : memref<128xi32, #tpu.memory_space<vmem>>) semaphore(%arg23 : memref<!tpu.dma_semaphore, #tpu.memory_space<semaphore_mem>>)
    %dma_start3A_204 = arith.constant 1024 : i32
    %dma_start3A_205 = tpu.memref_slice %arg20[%dma_start3A_204] : memref<2048xf32, #tpu.memory_space<vmem>> -> memref<128xf32, #tpu.memory_space<vmem>>
    %dma_start3A_206 = arith.constant 128 : i32
    %dma_start3A_207 = tpu.memref_slice %arg13[%dma_start3A_206] : memref<256xi32, #tpu.memory_space<vmem>> -> memref<128xi32, #tpu.memory_space<vmem>>
    %dma_start3A_208 = tpu.memref_slice %arg3[%mul3A_196] : memref<8388608xf32, #tpu.memory_space<hbm>> -> memref<16384xf32, #tpu.memory_space<hbm>>
    %dma_start3A_209 = arith.constant 0 : i32
    %dma_start3A_210 = tpu.memref_slice %dma_start3A_208[%dma_start3A_209] : memref<16384xf32, #tpu.memory_space<hbm>> -> memref<16384xf32, #tpu.memory_space<hbm>>
    tpu.enqueue_indirect_dma source(%dma_start3A_210 : memref<16384xf32, #tpu.memory_space<hbm>>) target(%dma_start3A_205 : memref<128xf32, #tpu.memory_space<vmem>>) offsets(%dma_start3A_207 : memref<128xi32, #tpu.memory_space<vmem>>) semaphore(%arg23 : memref<!tpu.dma_semaphore, #tpu.memory_space<semaphore_mem>>)
    %add3A_211 = arith.constant 1 : i32
    %add3A_212 = arith.addi %mul3A_2, %add3A_211 : i32
    %mul3A_213 = arith.constant 8 : i32
    %mul3A_214 = arith.muli %add3A_212, %mul3A_213 : i32
    %add3A_215 = arith.constant 1 : i32
    %add3A_216 = arith.addi %mul3A_214, %add3A_215 : i32
    %mul3A_217 = arith.constant 16384 : i32
    %mul3A_218 = arith.muli %add3A_216, %mul3A_217 : i32
    %dma_start3A_219 = arith.constant 1152 : i32
    %dma_start3A_220 = tpu.memref_slice %arg19[%dma_start3A_219] : memref<2048xf32, #tpu.memory_space<vmem>> -> memref<128xf32, #tpu.memory_space<vmem>>
    %dma_start3A_221 = arith.constant 128 : i32
    %dma_start3A_222 = tpu.memref_slice %arg12[%dma_start3A_221] : memref<256xi32, #tpu.memory_space<vmem>> -> memref<128xi32, #tpu.memory_space<vmem>>
    %dma_start3A_223 = tpu.memref_slice %arg2[%mul3A_218] : memref<8388608xf32, #tpu.memory_space<hbm>> -> memref<16384xf32, #tpu.memory_space<hbm>>
    %dma_start3A_224 = arith.constant 0 : i32
    %dma_start3A_225 = tpu.memref_slice %dma_start3A_223[%dma_start3A_224] : memref<16384xf32, #tpu.memory_space<hbm>> -> memref<16384xf32, #tpu.memory_space<hbm>>
    tpu.enqueue_indirect_dma source(%dma_start3A_225 : memref<16384xf32, #tpu.memory_space<hbm>>) target(%dma_start3A_220 : memref<128xf32, #tpu.memory_space<vmem>>) offsets(%dma_start3A_222 : memref<128xi32, #tpu.memory_space<vmem>>) semaphore(%arg23 : memref<!tpu.dma_semaphore, #tpu.memory_space<semaphore_mem>>)
    %dma_start3A_226 = arith.constant 1152 : i32
    %dma_start3A_227 = tpu.memref_slice %arg20[%dma_start3A_226] : memref<2048xf32, #tpu.memory_space<vmem>> -> memref<128xf32, #tpu.memory_space<vmem>>
    %dma_start3A_228 = arith.constant 128 : i32
    %dma_start3A_229 = tpu.memref_slice %arg13[%dma_start3A_228] : memref<256xi32, #tpu.memory_space<vmem>> -> memref<128xi32, #tpu.memory_space<vmem>>
    %dma_start3A_230 = tpu.memref_slice %arg3[%mul3A_218] : memref<8388608xf32, #tpu.memory_space<hbm>> -> memref<16384xf32, #tpu.memory_space<hbm>>
    %dma_start3A_231 = arith.constant 0 : i32
    %dma_start3A_232 = tpu.memref_slice %dma_start3A_230[%dma_start3A_231] : memref<16384xf32, #tpu.memory_space<hbm>> -> memref<16384xf32, #tpu.memory_space<hbm>>
    tpu.enqueue_indirect_dma source(%dma_start3A_232 : memref<16384xf32, #tpu.memory_space<hbm>>) target(%dma_start3A_227 : memref<128xf32, #tpu.memory_space<vmem>>) offsets(%dma_start3A_229 : memref<128xi32, #tpu.memory_space<vmem>>) semaphore(%arg23 : memref<!tpu.dma_semaphore, #tpu.memory_space<semaphore_mem>>)
    %add3A_233 = arith.constant 1 : i32
    %add3A_234 = arith.addi %mul3A_2, %add3A_233 : i32
    %mul3A_235 = arith.constant 8 : i32
    %mul3A_236 = arith.muli %add3A_234, %mul3A_235 : i32
    %add3A_237 = arith.constant 2 : i32
    %add3A_238 = arith.addi %mul3A_236, %add3A_237 : i32
    %mul3A_239 = arith.constant 16384 : i32
    %mul3A_240 = arith.muli %add3A_238, %mul3A_239 : i32
    %dma_start3A_241 = arith.constant 1280 : i32
    %dma_start3A_242 = tpu.memref_slice %arg19[%dma_start3A_241] : memref<2048xf32, #tpu.memory_space<vmem>> -> memref<128xf32, #tpu.memory_space<vmem>>
    %dma_start3A_243 = arith.constant 128 : i32
    %dma_start3A_244 = tpu.memref_slice %arg12[%dma_start3A_243] : memref<256xi32, #tpu.memory_space<vmem>> -> memref<128xi32, #tpu.memory_space<vmem>>
    %dma_start3A_245 = tpu.memref_slice %arg2[%mul3A_240] : memref<8388608xf32, #tpu.memory_space<hbm>> -> memref<16384xf32, #tpu.memory_space<hbm>>
    %dma_start3A_246 = arith.constant 0 : i32
    %dma_start3A_247 = tpu.memref_slice %dma_start3A_245[%dma_start3A_246] : memref<16384xf32, #tpu.memory_space<hbm>> -> memref<16384xf32, #tpu.memory_space<hbm>>
    tpu.enqueue_indirect_dma source(%dma_start3A_247 : memref<16384xf32, #tpu.memory_space<hbm>>) target(%dma_start3A_242 : memref<128xf32, #tpu.memory_space<vmem>>) offsets(%dma_start3A_244 : memref<128xi32, #tpu.memory_space<vmem>>) semaphore(%arg23 : memref<!tpu.dma_semaphore, #tpu.memory_space<semaphore_mem>>)
    %dma_start3A_248 = arith.constant 1280 : i32
    %dma_start3A_249 = tpu.memref_slice %arg20[%dma_start3A_248] : memref<2048xf32, #tpu.memory_space<vmem>> -> memref<128xf32, #tpu.memory_space<vmem>>
    %dma_start3A_250 = arith.constant 128 : i32
    %dma_start3A_251 = tpu.memref_slice %arg13[%dma_start3A_250] : memref<256xi32, #tpu.memory_space<vmem>> -> memref<128xi32, #tpu.memory_space<vmem>>
    %dma_start3A_252 = tpu.memref_slice %arg3[%mul3A_240] : memref<8388608xf32, #tpu.memory_space<hbm>> -> memref<16384xf32, #tpu.memory_space<hbm>>
    %dma_start3A_253 = arith.constant 0 : i32
    %dma_start3A_254 = tpu.memref_slice %dma_start3A_252[%dma_start3A_253] : memref<16384xf32, #tpu.memory_space<hbm>> -> memref<16384xf32, #tpu.memory_space<hbm>>
    tpu.enqueue_indirect_dma source(%dma_start3A_254 : memref<16384xf32, #tpu.memory_space<hbm>>) target(%dma_start3A_249 : memref<128xf32, #tpu.memory_space<vmem>>) offsets(%dma_start3A_251 : memref<128xi32, #tpu.memory_space<vmem>>) semaphore(%arg23 : memref<!tpu.dma_semaphore, #tpu.memory_space<semaphore_mem>>)
    %add3A_255 = arith.constant 1 : i32
    %add3A_256 = arith.addi %mul3A_2, %add3A_255 : i32
    %mul3A_257 = arith.constant 8 : i32
    %mul3A_258 = arith.muli %add3A_256, %mul3A_257 : i32
    %add3A_259 = arith.constant 3 : i32
    %add3A_260 = arith.addi %mul3A_258, %add3A_259 : i32
    %mul3A_261 = arith.constant 16384 : i32
    %mul3A_262 = arith.muli %add3A_260, %mul3A_261 : i32
    %dma_start3A_263 = arith.constant 1408 : i32
    %dma_start3A_264 = tpu.memref_slice %arg19[%dma_start3A_263] : memref<2048xf32, #tpu.memory_space<vmem>> -> memref<128xf32, #tpu.memory_space<vmem>>
    %dma_start3A_265 = arith.constant 128 : i32
    %dma_start3A_266 = tpu.memref_slice %arg12[%dma_start3A_265] : memref<256xi32, #tpu.memory_space<vmem>> -> memref<128xi32, #tpu.memory_space<vmem>>
    %dma_start3A_267 = tpu.memref_slice %arg2[%mul3A_262] : memref<8388608xf32, #tpu.memory_space<hbm>> -> memref<16384xf32, #tpu.memory_space<hbm>>
    %dma_start3A_268 = arith.constant 0 : i32
    %dma_start3A_269 = tpu.memref_slice %dma_start3A_267[%dma_start3A_268] : memref<16384xf32, #tpu.memory_space<hbm>> -> memref<16384xf32, #tpu.memory_space<hbm>>
    tpu.enqueue_indirect_dma source(%dma_start3A_269 : memref<16384xf32, #tpu.memory_space<hbm>>) target(%dma_start3A_264 : memref<128xf32, #tpu.memory_space<vmem>>) offsets(%dma_start3A_266 : memref<128xi32, #tpu.memory_space<vmem>>) semaphore(%arg23 : memref<!tpu.dma_semaphore, #tpu.memory_space<semaphore_mem>>)
    %dma_start3A_270 = arith.constant 1408 : i32
    %dma_start3A_271 = tpu.memref_slice %arg20[%dma_start3A_270] : memref<2048xf32, #tpu.memory_space<vmem>> -> memref<128xf32, #tpu.memory_space<vmem>>
    %dma_start3A_272 = arith.constant 128 : i32
    %dma_start3A_273 = tpu.memref_slice %arg13[%dma_start3A_272] : memref<256xi32, #tpu.memory_space<vmem>> -> memref<128xi32, #tpu.memory_space<vmem>>
    %dma_start3A_274 = tpu.memref_slice %arg3[%mul3A_262] : memref<8388608xf32, #tpu.memory_space<hbm>> -> memref<16384xf32, #tpu.memory_space<hbm>>
    %dma_start3A_275 = arith.constant 0 : i32
    %dma_start3A_276 = tpu.memref_slice %dma_start3A_274[%dma_start3A_275] : memref<16384xf32, #tpu.memory_space<hbm>> -> memref<16384xf32, #tpu.memory_space<hbm>>
    tpu.enqueue_indirect_dma source(%dma_start3A_276 : memref<16384xf32, #tpu.memory_space<hbm>>) target(%dma_start3A_271 : memref<128xf32, #tpu.memory_space<vmem>>) offsets(%dma_start3A_273 : memref<128xi32, #tpu.memory_space<vmem>>) semaphore(%arg23 : memref<!tpu.dma_semaphore, #tpu.memory_space<semaphore_mem>>)
    %add3A_277 = arith.constant 1 : i32
    %add3A_278 = arith.addi %mul3A_2, %add3A_277 : i32
    %mul3A_279 = arith.constant 8 : i32
    %mul3A_280 = arith.muli %add3A_278, %mul3A_279 : i32
    %add3A_281 = arith.constant 4 : i32
    %add3A_282 = arith.addi %mul3A_280, %add3A_281 : i32
    %mul3A_283 = arith.constant 16384 : i32
    %mul3A_284 = arith.muli %add3A_282, %mul3A_283 : i32
    %dma_start3A_285 = arith.constant 1536 : i32
    %dma_start3A_286 = tpu.memref_slice %arg19[%dma_start3A_285] : memref<2048xf32, #tpu.memory_space<vmem>> -> memref<128xf32, #tpu.memory_space<vmem>>
    %dma_start3A_287 = arith.constant 128 : i32
    %dma_start3A_288 = tpu.memref_slice %arg12[%dma_start3A_287] : memref<256xi32, #tpu.memory_space<vmem>> -> memref<128xi32, #tpu.memory_space<vmem>>
    %dma_start3A_289 = tpu.memref_slice %arg2[%mul3A_284] : memref<8388608xf32, #tpu.memory_space<hbm>> -> memref<16384xf32, #tpu.memory_space<hbm>>
    %dma_start3A_290 = arith.constant 0 : i32
    %dma_start3A_291 = tpu.memref_slice %dma_start3A_289[%dma_start3A_290] : memref<16384xf32, #tpu.memory_space<hbm>> -> memref<16384xf32, #tpu.memory_space<hbm>>
    tpu.enqueue_indirect_dma source(%dma_start3A_291 : memref<16384xf32, #tpu.memory_space<hbm>>) target(%dma_start3A_286 : memref<128xf32, #tpu.memory_space<vmem>>) offsets(%dma_start3A_288 : memref<128xi32, #tpu.memory_space<vmem>>) semaphore(%arg23 : memref<!tpu.dma_semaphore, #tpu.memory_space<semaphore_mem>>)
    %dma_start3A_292 = arith.constant 1536 : i32
    %dma_start3A_293 = tpu.memref_slice %arg20[%dma_start3A_292] : memref<2048xf32, #tpu.memory_space<vmem>> -> memref<128xf32, #tpu.memory_space<vmem>>
    %dma_start3A_294 = arith.constant 128 : i32
    %dma_start3A_295 = tpu.memref_slice %arg13[%dma_start3A_294] : memref<256xi32, #tpu.memory_space<vmem>> -> memref<128xi32, #tpu.memory_space<vmem>>
    %dma_start3A_296 = tpu.memref_slice %arg3[%mul3A_284] : memref<8388608xf32, #tpu.memory_space<hbm>> -> memref<16384xf32, #tpu.memory_space<hbm>>
    %dma_start3A_297 = arith.constant 0 : i32
    %dma_start3A_298 = tpu.memref_slice %dma_start3A_296[%dma_start3A_297] : memref<16384xf32, #tpu.memory_space<hbm>> -> memref<16384xf32, #tpu.memory_space<hbm>>
    tpu.enqueue_indirect_dma source(%dma_start3A_298 : memref<16384xf32, #tpu.memory_space<hbm>>) target(%dma_start3A_293 : memref<128xf32, #tpu.memory_space<vmem>>) offsets(%dma_start3A_295 : memref<128xi32, #tpu.memory_space<vmem>>) semaphore(%arg23 : memref<!tpu.dma_semaphore, #tpu.memory_space<semaphore_mem>>)
    %add3A_299 = arith.constant 1 : i32
    %add3A_300 = arith.addi %mul3A_2, %add3A_299 : i32
    %mul3A_301 = arith.constant 8 : i32
    %mul3A_302 = arith.muli %add3A_300, %mul3A_301 : i32
    %add3A_303 = arith.constant 5 : i32
    %add3A_304 = arith.addi %mul3A_302, %add3A_303 : i32
    %mul3A_305 = arith.constant 16384 : i32
    %mul3A_306 = arith.muli %add3A_304, %mul3A_305 : i32
    %dma_start3A_307 = arith.constant 1664 : i32
    %dma_start3A_308 = tpu.memref_slice %arg19[%dma_start3A_307] : memref<2048xf32, #tpu.memory_space<vmem>> -> memref<128xf32, #tpu.memory_space<vmem>>
    %dma_start3A_309 = arith.constant 128 : i32
    %dma_start3A_310 = tpu.memref_slice %arg12[%dma_start3A_309] : memref<256xi32, #tpu.memory_space<vmem>> -> memref<128xi32, #tpu.memory_space<vmem>>
    %dma_start3A_311 = tpu.memref_slice %arg2[%mul3A_306] : memref<8388608xf32, #tpu.memory_space<hbm>> -> memref<16384xf32, #tpu.memory_space<hbm>>
    %dma_start3A_312 = arith.constant 0 : i32
    %dma_start3A_313 = tpu.memref_slice %dma_start3A_311[%dma_start3A_312] : memref<16384xf32, #tpu.memory_space<hbm>> -> memref<16384xf32, #tpu.memory_space<hbm>>
    tpu.enqueue_indirect_dma source(%dma_start3A_313 : memref<16384xf32, #tpu.memory_space<hbm>>) target(%dma_start3A_308 : memref<128xf32, #tpu.memory_space<vmem>>) offsets(%dma_start3A_310 : memref<128xi32, #tpu.memory_space<vmem>>) semaphore(%arg23 : memref<!tpu.dma_semaphore, #tpu.memory_space<semaphore_mem>>)
    %dma_start3A_314 = arith.constant 1664 : i32
    %dma_start3A_315 = tpu.memref_slice %arg20[%dma_start3A_314] : memref<2048xf32, #tpu.memory_space<vmem>> -> memref<128xf32, #tpu.memory_space<vmem>>
    %dma_start3A_316 = arith.constant 128 : i32
    %dma_start3A_317 = tpu.memref_slice %arg13[%dma_start3A_316] : memref<256xi32, #tpu.memory_space<vmem>> -> memref<128xi32, #tpu.memory_space<vmem>>
    %dma_start3A_318 = tpu.memref_slice %arg3[%mul3A_306] : memref<8388608xf32, #tpu.memory_space<hbm>> -> memref<16384xf32, #tpu.memory_space<hbm>>
    %dma_start3A_319 = arith.constant 0 : i32
    %dma_start3A_320 = tpu.memref_slice %dma_start3A_318[%dma_start3A_319] : memref<16384xf32, #tpu.memory_space<hbm>> -> memref<16384xf32, #tpu.memory_space<hbm>>
    tpu.enqueue_indirect_dma source(%dma_start3A_320 : memref<16384xf32, #tpu.memory_space<hbm>>) target(%dma_start3A_315 : memref<128xf32, #tpu.memory_space<vmem>>) offsets(%dma_start3A_317 : memref<128xi32, #tpu.memory_space<vmem>>) semaphore(%arg23 : memref<!tpu.dma_semaphore, #tpu.memory_space<semaphore_mem>>)
    %add3A_321 = arith.constant 1 : i32
    %add3A_322 = arith.addi %mul3A_2, %add3A_321 : i32
    %mul3A_323 = arith.constant 8 : i32
    %mul3A_324 = arith.muli %add3A_322, %mul3A_323 : i32
    %add3A_325 = arith.constant 6 : i32
    %add3A_326 = arith.addi %mul3A_324, %add3A_325 : i32
    %mul3A_327 = arith.constant 16384 : i32
    %mul3A_328 = arith.muli %add3A_326, %mul3A_327 : i32
    %dma_start3A_329 = arith.constant 1792 : i32
    %dma_start3A_330 = tpu.memref_slice %arg19[%dma_start3A_329] : memref<2048xf32, #tpu.memory_space<vmem>> -> memref<128xf32, #tpu.memory_space<vmem>>
    %dma_start3A_331 = arith.constant 128 : i32
    %dma_start3A_332 = tpu.memref_slice %arg12[%dma_start3A_331] : memref<256xi32, #tpu.memory_space<vmem>> -> memref<128xi32, #tpu.memory_space<vmem>>
    %dma_start3A_333 = tpu.memref_slice %arg2[%mul3A_328] : memref<8388608xf32, #tpu.memory_space<hbm>> -> memref<16384xf32, #tpu.memory_space<hbm>>
    %dma_start3A_334 = arith.constant 0 : i32
    %dma_start3A_335 = tpu.memref_slice %dma_start3A_333[%dma_start3A_334] : memref<16384xf32, #tpu.memory_space<hbm>> -> memref<16384xf32, #tpu.memory_space<hbm>>
    tpu.enqueue_indirect_dma source(%dma_start3A_335 : memref<16384xf32, #tpu.memory_space<hbm>>) target(%dma_start3A_330 : memref<128xf32, #tpu.memory_space<vmem>>) offsets(%dma_start3A_332 : memref<128xi32, #tpu.memory_space<vmem>>) semaphore(%arg23 : memref<!tpu.dma_semaphore, #tpu.memory_space<semaphore_mem>>)
    %dma_start3A_336 = arith.constant 1792 : i32
    %dma_start3A_337 = tpu.memref_slice %arg20[%dma_start3A_336] : memref<2048xf32, #tpu.memory_space<vmem>> -> memref<128xf32, #tpu.memory_space<vmem>>
    %dma_start3A_338 = arith.constant 128 : i32
    %dma_start3A_339 = tpu.memref_slice %arg13[%dma_start3A_338] : memref<256xi32, #tpu.memory_space<vmem>> -> memref<128xi32, #tpu.memory_space<vmem>>
    %dma_start3A_340 = tpu.memref_slice %arg3[%mul3A_328] : memref<8388608xf32, #tpu.memory_space<hbm>> -> memref<16384xf32, #tpu.memory_space<hbm>>
    %dma_start3A_341 = arith.constant 0 : i32
    %dma_start3A_342 = tpu.memref_slice %dma_start3A_340[%dma_start3A_341] : memref<16384xf32, #tpu.memory_space<hbm>> -> memref<16384xf32, #tpu.memory_space<hbm>>
    tpu.enqueue_indirect_dma source(%dma_start3A_342 : memref<16384xf32, #tpu.memory_space<hbm>>) target(%dma_start3A_337 : memref<128xf32, #tpu.memory_space<vmem>>) offsets(%dma_start3A_339 : memref<128xi32, #tpu.memory_space<vmem>>) semaphore(%arg23 : memref<!tpu.dma_semaphore, #tpu.memory_space<semaphore_mem>>)
    %add3A_343 = arith.constant 1 : i32
    %add3A_344 = arith.addi %mul3A_2, %add3A_343 : i32
    %mul3A_345 = arith.constant 8 : i32
    %mul3A_346 = arith.muli %add3A_344, %mul3A_345 : i32
    %add3A_347 = arith.constant 7 : i32
    %add3A_348 = arith.addi %mul3A_346, %add3A_347 : i32
    %mul3A_349 = arith.constant 16384 : i32
    %mul3A_350 = arith.muli %add3A_348, %mul3A_349 : i32
    %dma_start3A_351 = arith.constant 1920 : i32
    %dma_start3A_352 = tpu.memref_slice %arg19[%dma_start3A_351] : memref<2048xf32, #tpu.memory_space<vmem>> -> memref<128xf32, #tpu.memory_space<vmem>>
    %dma_start3A_353 = arith.constant 128 : i32
    %dma_start3A_354 = tpu.memref_slice %arg12[%dma_start3A_353] : memref<256xi32, #tpu.memory_space<vmem>> -> memref<128xi32, #tpu.memory_space<vmem>>
    %dma_start3A_355 = tpu.memref_slice %arg2[%mul3A_350] : memref<8388608xf32, #tpu.memory_space<hbm>> -> memref<16384xf32, #tpu.memory_space<hbm>>
    %dma_start3A_356 = arith.constant 0 : i32
    %dma_start3A_357 = tpu.memref_slice %dma_start3A_355[%dma_start3A_356] : memref<16384xf32, #tpu.memory_space<hbm>> -> memref<16384xf32, #tpu.memory_space<hbm>>
    tpu.enqueue_indirect_dma source(%dma_start3A_357 : memref<16384xf32, #tpu.memory_space<hbm>>) target(%dma_start3A_352 : memref<128xf32, #tpu.memory_space<vmem>>) offsets(%dma_start3A_354 : memref<128xi32, #tpu.memory_space<vmem>>) semaphore(%arg23 : memref<!tpu.dma_semaphore, #tpu.memory_space<semaphore_mem>>)
    %dma_start3A_358 = arith.constant 1920 : i32
    %dma_start3A_359 = tpu.memref_slice %arg20[%dma_start3A_358] : memref<2048xf32, #tpu.memory_space<vmem>> -> memref<128xf32, #tpu.memory_space<vmem>>
    %dma_start3A_360 = arith.constant 128 : i32
    %dma_start3A_361 = tpu.memref_slice %arg13[%dma_start3A_360] : memref<256xi32, #tpu.memory_space<vmem>> -> memref<128xi32, #tpu.memory_space<vmem>>
    %dma_start3A_362 = tpu.memref_slice %arg3[%mul3A_350] : memref<8388608xf32, #tpu.memory_space<hbm>> -> memref<16384xf32, #tpu.memory_space<hbm>>
    %dma_start3A_363 = arith.constant 0 : i32
    %dma_start3A_364 = tpu.memref_slice %dma_start3A_362[%dma_start3A_363] : memref<16384xf32, #tpu.memory_space<hbm>> -> memref<16384xf32, #tpu.memory_space<hbm>>
    tpu.enqueue_indirect_dma source(%dma_start3A_364 : memref<16384xf32, #tpu.memory_space<hbm>>) target(%dma_start3A_359 : memref<128xf32, #tpu.memory_space<vmem>>) offsets(%dma_start3A_361 : memref<128xi32, #tpu.memory_space<vmem>>) semaphore(%arg23 : memref<!tpu.dma_semaphore, #tpu.memory_space<semaphore_mem>>)
    %shift_right_arithmetic3A = arith.constant 3 : i32
    %shift_right_arithmetic3A_365 = arith.shrsi %mul3A_2, %shift_right_arithmetic3A : i32
    %mul3A_366 = arith.constant 4096 : i32
    %mul3A_367 = arith.muli %shift_right_arithmetic3A_365, %mul3A_366 : i32
    %and3A = arith.constant 7 : i32
    %and3A_368 = arith.andi %mul3A_2, %and3A : i32
    %mul3A_369 = arith.constant 128 : i32
    %mul3A_370 = arith.muli %and3A_368, %mul3A_369 : i32
    %add3A_371 = arith.addi %mul3A_367, %mul3A_370 : i32
    %add3A_372 = arith.constant 0 : i32
    %add3A_373 = arith.addi %add3A_371, %add3A_372 : i32
    %dma_start3A_374 = arith.constant 0 : i32
    %dma_start3A_375 = tpu.memref_slice %arg14[%dma_start3A_374] : memref<1024xi32, #tpu.memory_space<vmem>> -> memref<256xi32, #tpu.memory_space<vmem>>
    %dma_start3A_376 = tpu.memref_slice %arg8[%add3A_373] : memref<32768xi32, #tpu.memory_space<hbm>> -> memref<256xi32, #tpu.memory_space<hbm>>
    %dma_start3A_377 = arith.constant 0 : i32
    %dma_start3A_378 = tpu.memref_slice %arg14[%dma_start3A_377] : memref<1024xi32, #tpu.memory_space<vmem>> -> memref<256xi32, #tpu.memory_space<vmem>>
    %dma_start3A_379 = tpu.memref_slice %arg8[%add3A_373] : memref<32768xi32, #tpu.memory_space<hbm>> -> memref<256xi32, #tpu.memory_space<hbm>>
    tpu.enqueue_dma source(%dma_start3A_379 : memref<256xi32, #tpu.memory_space<hbm>>) target(%dma_start3A_378 : memref<256xi32, #tpu.memory_space<vmem>>) target_semaphore(%arg22 : memref<!tpu.dma_semaphore, #tpu.memory_space<semaphore_mem>>)
    %add3A_380 = arith.constant 1024 : i32
    %add3A_381 = arith.addi %add3A_371, %add3A_380 : i32
    %dma_start3A_382 = arith.constant 256 : i32
    %dma_start3A_383 = tpu.memref_slice %arg14[%dma_start3A_382] : memref<1024xi32, #tpu.memory_space<vmem>> -> memref<256xi32, #tpu.memory_space<vmem>>
    %dma_start3A_384 = tpu.memref_slice %arg8[%add3A_381] : memref<32768xi32, #tpu.memory_space<hbm>> -> memref<256xi32, #tpu.memory_space<hbm>>
    %dma_start3A_385 = arith.constant 256 : i32
    %dma_start3A_386 = tpu.memref_slice %arg14[%dma_start3A_385] : memref<1024xi32, #tpu.memory_space<vmem>> -> memref<256xi32, #tpu.memory_space<vmem>>
    %dma_start3A_387 = tpu.memref_slice %arg8[%add3A_381] : memref<32768xi32, #tpu.memory_space<hbm>> -> memref<256xi32, #tpu.memory_space<hbm>>
    tpu.enqueue_dma source(%dma_start3A_387 : memref<256xi32, #tpu.memory_space<hbm>>) target(%dma_start3A_386 : memref<256xi32, #tpu.memory_space<vmem>>) target_semaphore(%arg22 : memref<!tpu.dma_semaphore, #tpu.memory_space<semaphore_mem>>)
    %add3A_388 = arith.constant 2048 : i32
    %add3A_389 = arith.addi %add3A_371, %add3A_388 : i32
    %dma_start3A_390 = arith.constant 512 : i32
    %dma_start3A_391 = tpu.memref_slice %arg14[%dma_start3A_390] : memref<1024xi32, #tpu.memory_space<vmem>> -> memref<256xi32, #tpu.memory_space<vmem>>
    %dma_start3A_392 = tpu.memref_slice %arg8[%add3A_389] : memref<32768xi32, #tpu.memory_space<hbm>> -> memref<256xi32, #tpu.memory_space<hbm>>
    %dma_start3A_393 = arith.constant 512 : i32
    %dma_start3A_394 = tpu.memref_slice %arg14[%dma_start3A_393] : memref<1024xi32, #tpu.memory_space<vmem>> -> memref<256xi32, #tpu.memory_space<vmem>>
    %dma_start3A_395 = tpu.memref_slice %arg8[%add3A_389] : memref<32768xi32, #tpu.memory_space<hbm>> -> memref<256xi32, #tpu.memory_space<hbm>>
    tpu.enqueue_dma source(%dma_start3A_395 : memref<256xi32, #tpu.memory_space<hbm>>) target(%dma_start3A_394 : memref<256xi32, #tpu.memory_space<vmem>>) target_semaphore(%arg22 : memref<!tpu.dma_semaphore, #tpu.memory_space<semaphore_mem>>)
    %add3A_396 = arith.constant 3072 : i32
    %add3A_397 = arith.addi %add3A_371, %add3A_396 : i32
    %dma_start3A_398 = arith.constant 768 : i32
    %dma_start3A_399 = tpu.memref_slice %arg14[%dma_start3A_398] : memref<1024xi32, #tpu.memory_space<vmem>> -> memref<256xi32, #tpu.memory_space<vmem>>
    %dma_start3A_400 = tpu.memref_slice %arg8[%add3A_397] : memref<32768xi32, #tpu.memory_space<hbm>> -> memref<256xi32, #tpu.memory_space<hbm>>
    %dma_start3A_401 = arith.constant 768 : i32
    %dma_start3A_402 = tpu.memref_slice %arg14[%dma_start3A_401] : memref<1024xi32, #tpu.memory_space<vmem>> -> memref<256xi32, #tpu.memory_space<vmem>>
    %dma_start3A_403 = tpu.memref_slice %arg8[%add3A_397] : memref<32768xi32, #tpu.memory_space<hbm>> -> memref<256xi32, #tpu.memory_space<hbm>>
    tpu.enqueue_dma source(%dma_start3A_403 : memref<256xi32, #tpu.memory_space<hbm>>) target(%dma_start3A_402 : memref<256xi32, #tpu.memory_space<vmem>>) target_semaphore(%arg22 : memref<!tpu.dma_semaphore, #tpu.memory_space<semaphore_mem>>)
    %mul3A_404 = arith.constant 128 : i32
    %mul3A_405 = arith.muli %mul3A_2, %mul3A_404 : i32
    %dma_start3A_406 = tpu.memref_slice %arg6[%mul3A_405] : memref<8192xi32, #tpu.memory_space<hbm>> -> memref<256xi32, #tpu.memory_space<hbm>>
    %dma_start3A_407 = tpu.memref_slice %arg6[%mul3A_405] : memref<8192xi32, #tpu.memory_space<hbm>> -> memref<256xi32, #tpu.memory_space<hbm>>
    tpu.enqueue_dma source(%dma_start3A_407 : memref<256xi32, #tpu.memory_space<hbm>>) target(%arg15 : memref<256xi32, #tpu.memory_space<vmem>>) target_semaphore(%arg22 : memref<!tpu.dma_semaphore, #tpu.memory_space<semaphore_mem>>)
    %mul3A_408 = arith.constant 128 : i32
    %mul3A_409 = arith.muli %mul3A_2, %mul3A_408 : i32
    %dma_start3A_410 = tpu.memref_slice %arg7[%mul3A_409] : memref<8192xi32, #tpu.memory_space<hbm>> -> memref<256xi32, #tpu.memory_space<hbm>>
    %dma_start3A_411 = tpu.memref_slice %arg7[%mul3A_409] : memref<8192xi32, #tpu.memory_space<hbm>> -> memref<256xi32, #tpu.memory_space<hbm>>
    tpu.enqueue_dma source(%dma_start3A_411 : memref<256xi32, #tpu.memory_space<hbm>>) target(%arg16 : memref<256xi32, #tpu.memory_space<vmem>>) target_semaphore(%arg22 : memref<!tpu.dma_semaphore, #tpu.memory_space<semaphore_mem>>)
    %mul3A_412 = arith.constant 128 : i32
    %mul3A_413 = arith.muli %mul3A_2, %mul3A_412 : i32
    %mul3A_414 = arith.constant 8 : i32
    %mul3A_415 = arith.muli %mul3A_413, %mul3A_414 : i32
    %dma_start3A_416 = tpu.memref_slice %arg9[%mul3A_415] : memref<65536xf32, #tpu.memory_space<hbm>> -> memref<2048xf32, #tpu.memory_space<hbm>>
    %dma_start3A_417 = tpu.memref_slice %arg9[%mul3A_415] : memref<65536xf32, #tpu.memory_space<hbm>> -> memref<2048xf32, #tpu.memory_space<hbm>>
    tpu.enqueue_dma source(%dma_start3A_417 : memref<2048xf32, #tpu.memory_space<hbm>>) target(%arg17 : memref<2048xf32, #tpu.memory_space<vmem>>) target_semaphore(%arg22 : memref<!tpu.dma_semaphore, #tpu.memory_space<semaphore_mem>>)
    %mul3A_418 = arith.constant 128 : i32
    %mul3A_419 = arith.muli %mul3A_2, %mul3A_418 : i32
    %mul3A_420 = arith.constant 8 : i32
    %mul3A_421 = arith.muli %mul3A_419, %mul3A_420 : i32
    %dma_start3A_422 = tpu.memref_slice %arg10[%mul3A_421] : memref<65536xf32, #tpu.memory_space<hbm>> -> memref<2048xf32, #tpu.memory_space<hbm>>
    %dma_start3A_423 = tpu.memref_slice %arg10[%mul3A_421] : memref<65536xf32, #tpu.memory_space<hbm>> -> memref<2048xf32, #tpu.memory_space<hbm>>
    tpu.enqueue_dma source(%dma_start3A_423 : memref<2048xf32, #tpu.memory_space<hbm>>) target(%arg18 : memref<2048xf32, #tpu.memory_space<vmem>>) target_semaphore(%arg22 : memref<!tpu.dma_semaphore, #tpu.memory_space<semaphore_mem>>)
    %dma_wait3A_424 = arith.constant 0 : i32
    %dma_wait3A_425 = tpu.memref_slice %arg19[%dma_wait3A_424] : memref<2048xf32, #tpu.memory_space<vmem>> -> memref<128xf32, #tpu.memory_space<vmem>>
    %dma_wait3A_426 = arith.constant 0 : i32
    %dma_wait3A_427 = tpu.memref_slice %arg12[%dma_wait3A_426] : memref<256xi32, #tpu.memory_space<vmem>> -> memref<128xi32, #tpu.memory_space<vmem>>
    %dma_wait3A_428 = tpu.memref_slice %arg2[%mul3A_20] : memref<8388608xf32, #tpu.memory_space<hbm>> -> memref<16384xf32, #tpu.memory_space<hbm>>
    %dma_wait3A_429 = arith.constant 0 : i32
    %dma_wait3A_430 = tpu.memref_slice %dma_wait3A_428[%dma_wait3A_429] : memref<16384xf32, #tpu.memory_space<hbm>> -> memref<16384xf32, #tpu.memory_space<hbm>>
    tpu.wait_indirect_dma semaphore(%arg22 : memref<!tpu.dma_semaphore, #tpu.memory_space<semaphore_mem>>) src(%dma_wait3A_430 : memref<16384xf32, #tpu.memory_space<hbm>>) dst(%dma_wait3A_425 : memref<128xf32, #tpu.memory_space<vmem>>)
    %dma_wait3A_431 = arith.constant 0 : i32
    %dma_wait3A_432 = tpu.memref_slice %arg20[%dma_wait3A_431] : memref<2048xf32, #tpu.memory_space<vmem>> -> memref<128xf32, #tpu.memory_space<vmem>>
    %dma_wait3A_433 = arith.constant 0 : i32
    %dma_wait3A_434 = tpu.memref_slice %arg13[%dma_wait3A_433] : memref<256xi32, #tpu.memory_space<vmem>> -> memref<128xi32, #tpu.memory_space<vmem>>
    %dma_wait3A_435 = tpu.memref_slice %arg3[%mul3A_20] : memref<8388608xf32, #tpu.memory_space<hbm>> -> memref<16384xf32, #tpu.memory_space<hbm>>
    %dma_wait3A_436 = arith.constant 0 : i32
    %dma_wait3A_437 = tpu.memref_slice %dma_wait3A_435[%dma_wait3A_436] : memref<16384xf32, #tpu.memory_space<hbm>> -> memref<16384xf32, #tpu.memory_space<hbm>>
    tpu.wait_indirect_dma semaphore(%arg22 : memref<!tpu.dma_semaphore, #tpu.memory_space<semaphore_mem>>) src(%dma_wait3A_437 : memref<16384xf32, #tpu.memory_space<hbm>>) dst(%dma_wait3A_432 : memref<128xf32, #tpu.memory_space<vmem>>)
    %dma_wait3A_438 = arith.constant 128 : i32
    %dma_wait3A_439 = tpu.memref_slice %arg19[%dma_wait3A_438] : memref<2048xf32, #tpu.memory_space<vmem>> -> memref<128xf32, #tpu.memory_space<vmem>>
    %dma_wait3A_440 = arith.constant 0 : i32
    %dma_wait3A_441 = tpu.memref_slice %arg12[%dma_wait3A_440] : memref<256xi32, #tpu.memory_space<vmem>> -> memref<128xi32, #tpu.memory_space<vmem>>
    %dma_wait3A_442 = tpu.memref_slice %arg2[%mul3A_42] : memref<8388608xf32, #tpu.memory_space<hbm>> -> memref<16384xf32, #tpu.memory_space<hbm>>
    %dma_wait3A_443 = arith.constant 0 : i32
    %dma_wait3A_444 = tpu.memref_slice %dma_wait3A_442[%dma_wait3A_443] : memref<16384xf32, #tpu.memory_space<hbm>> -> memref<16384xf32, #tpu.memory_space<hbm>>
    tpu.wait_indirect_dma semaphore(%arg22 : memref<!tpu.dma_semaphore, #tpu.memory_space<semaphore_mem>>) src(%dma_wait3A_444 : memref<16384xf32, #tpu.memory_space<hbm>>) dst(%dma_wait3A_439 : memref<128xf32, #tpu.memory_space<vmem>>)
    %dma_wait3A_445 = arith.constant 128 : i32
    %dma_wait3A_446 = tpu.memref_slice %arg20[%dma_wait3A_445] : memref<2048xf32, #tpu.memory_space<vmem>> -> memref<128xf32, #tpu.memory_space<vmem>>
    %dma_wait3A_447 = arith.constant 0 : i32
    %dma_wait3A_448 = tpu.memref_slice %arg13[%dma_wait3A_447] : memref<256xi32, #tpu.memory_space<vmem>> -> memref<128xi32, #tpu.memory_space<vmem>>
    %dma_wait3A_449 = tpu.memref_slice %arg3[%mul3A_42] : memref<8388608xf32, #tpu.memory_space<hbm>> -> memref<16384xf32, #tpu.memory_space<hbm>>
    %dma_wait3A_450 = arith.constant 0 : i32
    %dma_wait3A_451 = tpu.memref_slice %dma_wait3A_449[%dma_wait3A_450] : memref<16384xf32, #tpu.memory_space<hbm>> -> memref<16384xf32, #tpu.memory_space<hbm>>
    tpu.wait_indirect_dma semaphore(%arg22 : memref<!tpu.dma_semaphore, #tpu.memory_space<semaphore_mem>>) src(%dma_wait3A_451 : memref<16384xf32, #tpu.memory_space<hbm>>) dst(%dma_wait3A_446 : memref<128xf32, #tpu.memory_space<vmem>>)
    %dma_wait3A_452 = arith.constant 256 : i32
    %dma_wait3A_453 = tpu.memref_slice %arg19[%dma_wait3A_452] : memref<2048xf32, #tpu.memory_space<vmem>> -> memref<128xf32, #tpu.memory_space<vmem>>
    %dma_wait3A_454 = arith.constant 0 : i32
    %dma_wait3A_455 = tpu.memref_slice %arg12[%dma_wait3A_454] : memref<256xi32, #tpu.memory_space<vmem>> -> memref<128xi32, #tpu.memory_space<vmem>>
    %dma_wait3A_456 = tpu.memref_slice %arg2[%mul3A_64] : memref<8388608xf32, #tpu.memory_space<hbm>> -> memref<16384xf32, #tpu.memory_space<hbm>>
    %dma_wait3A_457 = arith.constant 0 : i32
    %dma_wait3A_458 = tpu.memref_slice %dma_wait3A_456[%dma_wait3A_457] : memref<16384xf32, #tpu.memory_space<hbm>> -> memref<16384xf32, #tpu.memory_space<hbm>>
    tpu.wait_indirect_dma semaphore(%arg22 : memref<!tpu.dma_semaphore, #tpu.memory_space<semaphore_mem>>) src(%dma_wait3A_458 : memref<16384xf32, #tpu.memory_space<hbm>>) dst(%dma_wait3A_453 : memref<128xf32, #tpu.memory_space<vmem>>)
    %dma_wait3A_459 = arith.constant 256 : i32
    %dma_wait3A_460 = tpu.memref_slice %arg20[%dma_wait3A_459] : memref<2048xf32, #tpu.memory_space<vmem>> -> memref<128xf32, #tpu.memory_space<vmem>>
    %dma_wait3A_461 = arith.constant 0 : i32
    %dma_wait3A_462 = tpu.memref_slice %arg13[%dma_wait3A_461] : memref<256xi32, #tpu.memory_space<vmem>> -> memref<128xi32, #tpu.memory_space<vmem>>
    %dma_wait3A_463 = tpu.memref_slice %arg3[%mul3A_64] : memref<8388608xf32, #tpu.memory_space<hbm>> -> memref<16384xf32, #tpu.memory_space<hbm>>
    %dma_wait3A_464 = arith.constant 0 : i32
    %dma_wait3A_465 = tpu.memref_slice %dma_wait3A_463[%dma_wait3A_464] : memref<16384xf32, #tpu.memory_space<hbm>> -> memref<16384xf32, #tpu.memory_space<hbm>>
    tpu.wait_indirect_dma semaphore(%arg22 : memref<!tpu.dma_semaphore, #tpu.memory_space<semaphore_mem>>) src(%dma_wait3A_465 : memref<16384xf32, #tpu.memory_space<hbm>>) dst(%dma_wait3A_460 : memref<128xf32, #tpu.memory_space<vmem>>)
    %dma_wait3A_466 = arith.constant 384 : i32
    %dma_wait3A_467 = tpu.memref_slice %arg19[%dma_wait3A_466] : memref<2048xf32, #tpu.memory_space<vmem>> -> memref<128xf32, #tpu.memory_space<vmem>>
    %dma_wait3A_468 = arith.constant 0 : i32
    %dma_wait3A_469 = tpu.memref_slice %arg12[%dma_wait3A_468] : memref<256xi32, #tpu.memory_space<vmem>> -> memref<128xi32, #tpu.memory_space<vmem>>
    %dma_wait3A_470 = tpu.memref_slice %arg2[%mul3A_86] : memref<8388608xf32, #tpu.memory_space<hbm>> -> memref<16384xf32, #tpu.memory_space<hbm>>
    %dma_wait3A_471 = arith.constant 0 : i32
    %dma_wait3A_472 = tpu.memref_slice %dma_wait3A_470[%dma_wait3A_471] : memref<16384xf32, #tpu.memory_space<hbm>> -> memref<16384xf32, #tpu.memory_space<hbm>>
    tpu.wait_indirect_dma semaphore(%arg22 : memref<!tpu.dma_semaphore, #tpu.memory_space<semaphore_mem>>) src(%dma_wait3A_472 : memref<16384xf32, #tpu.memory_space<hbm>>) dst(%dma_wait3A_467 : memref<128xf32, #tpu.memory_space<vmem>>)
    %dma_wait3A_473 = arith.constant 384 : i32
    %dma_wait3A_474 = tpu.memref_slice %arg20[%dma_wait3A_473] : memref<2048xf32, #tpu.memory_space<vmem>> -> memref<128xf32, #tpu.memory_space<vmem>>
    %dma_wait3A_475 = arith.constant 0 : i32
    %dma_wait3A_476 = tpu.memref_slice %arg13[%dma_wait3A_475] : memref<256xi32, #tpu.memory_space<vmem>> -> memref<128xi32, #tpu.memory_space<vmem>>
    %dma_wait3A_477 = tpu.memref_slice %arg3[%mul3A_86] : memref<8388608xf32, #tpu.memory_space<hbm>> -> memref<16384xf32, #tpu.memory_space<hbm>>
    %dma_wait3A_478 = arith.constant 0 : i32
    %dma_wait3A_479 = tpu.memref_slice %dma_wait3A_477[%dma_wait3A_478] : memref<16384xf32, #tpu.memory_space<hbm>> -> memref<16384xf32, #tpu.memory_space<hbm>>
    tpu.wait_indirect_dma semaphore(%arg22 : memref<!tpu.dma_semaphore, #tpu.memory_space<semaphore_mem>>) src(%dma_wait3A_479 : memref<16384xf32, #tpu.memory_space<hbm>>) dst(%dma_wait3A_474 : memref<128xf32, #tpu.memory_space<vmem>>)
    %dma_wait3A_480 = arith.constant 512 : i32
    %dma_wait3A_481 = tpu.memref_slice %arg19[%dma_wait3A_480] : memref<2048xf32, #tpu.memory_space<vmem>> -> memref<128xf32, #tpu.memory_space<vmem>>
    %dma_wait3A_482 = arith.constant 0 : i32
    %dma_wait3A_483 = tpu.memref_slice %arg12[%dma_wait3A_482] : memref<256xi32, #tpu.memory_space<vmem>> -> memref<128xi32, #tpu.memory_space<vmem>>
    %dma_wait3A_484 = tpu.memref_slice %arg2[%mul3A_108] : memref<8388608xf32, #tpu.memory_space<hbm>> -> memref<16384xf32, #tpu.memory_space<hbm>>
    %dma_wait3A_485 = arith.constant 0 : i32
    %dma_wait3A_486 = tpu.memref_slice %dma_wait3A_484[%dma_wait3A_485] : memref<16384xf32, #tpu.memory_space<hbm>> -> memref<16384xf32, #tpu.memory_space<hbm>>
    tpu.wait_indirect_dma semaphore(%arg22 : memref<!tpu.dma_semaphore, #tpu.memory_space<semaphore_mem>>) src(%dma_wait3A_486 : memref<16384xf32, #tpu.memory_space<hbm>>) dst(%dma_wait3A_481 : memref<128xf32, #tpu.memory_space<vmem>>)
    %dma_wait3A_487 = arith.constant 512 : i32
    %dma_wait3A_488 = tpu.memref_slice %arg20[%dma_wait3A_487] : memref<2048xf32, #tpu.memory_space<vmem>> -> memref<128xf32, #tpu.memory_space<vmem>>
    %dma_wait3A_489 = arith.constant 0 : i32
    %dma_wait3A_490 = tpu.memref_slice %arg13[%dma_wait3A_489] : memref<256xi32, #tpu.memory_space<vmem>> -> memref<128xi32, #tpu.memory_space<vmem>>
    %dma_wait3A_491 = tpu.memref_slice %arg3[%mul3A_108] : memref<8388608xf32, #tpu.memory_space<hbm>> -> memref<16384xf32, #tpu.memory_space<hbm>>
    %dma_wait3A_492 = arith.constant 0 : i32
    %dma_wait3A_493 = tpu.memref_slice %dma_wait3A_491[%dma_wait3A_492] : memref<16384xf32, #tpu.memory_space<hbm>> -> memref<16384xf32, #tpu.memory_space<hbm>>
    tpu.wait_indirect_dma semaphore(%arg22 : memref<!tpu.dma_semaphore, #tpu.memory_space<semaphore_mem>>) src(%dma_wait3A_493 : memref<16384xf32, #tpu.memory_space<hbm>>) dst(%dma_wait3A_488 : memref<128xf32, #tpu.memory_space<vmem>>)
    %dma_wait3A_494 = arith.constant 640 : i32
    %dma_wait3A_495 = tpu.memref_slice %arg19[%dma_wait3A_494] : memref<2048xf32, #tpu.memory_space<vmem>> -> memref<128xf32, #tpu.memory_space<vmem>>
    %dma_wait3A_496 = arith.constant 0 : i32
    %dma_wait3A_497 = tpu.memref_slice %arg12[%dma_wait3A_496] : memref<256xi32, #tpu.memory_space<vmem>> -> memref<128xi32, #tpu.memory_space<vmem>>
    %dma_wait3A_498 = tpu.memref_slice %arg2[%mul3A_130] : memref<8388608xf32, #tpu.memory_space<hbm>> -> memref<16384xf32, #tpu.memory_space<hbm>>
    %dma_wait3A_499 = arith.constant 0 : i32
    %dma_wait3A_500 = tpu.memref_slice %dma_wait3A_498[%dma_wait3A_499] : memref<16384xf32, #tpu.memory_space<hbm>> -> memref<16384xf32, #tpu.memory_space<hbm>>
    tpu.wait_indirect_dma semaphore(%arg22 : memref<!tpu.dma_semaphore, #tpu.memory_space<semaphore_mem>>) src(%dma_wait3A_500 : memref<16384xf32, #tpu.memory_space<hbm>>) dst(%dma_wait3A_495 : memref<128xf32, #tpu.memory_space<vmem>>)
    %dma_wait3A_501 = arith.constant 640 : i32
    %dma_wait3A_502 = tpu.memref_slice %arg20[%dma_wait3A_501] : memref<2048xf32, #tpu.memory_space<vmem>> -> memref<128xf32, #tpu.memory_space<vmem>>
    %dma_wait3A_503 = arith.constant 0 : i32
    %dma_wait3A_504 = tpu.memref_slice %arg13[%dma_wait3A_503] : memref<256xi32, #tpu.memory_space<vmem>> -> memref<128xi32, #tpu.memory_space<vmem>>
    %dma_wait3A_505 = tpu.memref_slice %arg3[%mul3A_130] : memref<8388608xf32, #tpu.memory_space<hbm>> -> memref<16384xf32, #tpu.memory_space<hbm>>
    %dma_wait3A_506 = arith.constant 0 : i32
    %dma_wait3A_507 = tpu.memref_slice %dma_wait3A_505[%dma_wait3A_506] : memref<16384xf32, #tpu.memory_space<hbm>> -> memref<16384xf32, #tpu.memory_space<hbm>>
    tpu.wait_indirect_dma semaphore(%arg22 : memref<!tpu.dma_semaphore, #tpu.memory_space<semaphore_mem>>) src(%dma_wait3A_507 : memref<16384xf32, #tpu.memory_space<hbm>>) dst(%dma_wait3A_502 : memref<128xf32, #tpu.memory_space<vmem>>)
    %dma_wait3A_508 = arith.constant 768 : i32
    %dma_wait3A_509 = tpu.memref_slice %arg19[%dma_wait3A_508] : memref<2048xf32, #tpu.memory_space<vmem>> -> memref<128xf32, #tpu.memory_space<vmem>>
    %dma_wait3A_510 = arith.constant 0 : i32
    %dma_wait3A_511 = tpu.memref_slice %arg12[%dma_wait3A_510] : memref<256xi32, #tpu.memory_space<vmem>> -> memref<128xi32, #tpu.memory_space<vmem>>
    %dma_wait3A_512 = tpu.memref_slice %arg2[%mul3A_152] : memref<8388608xf32, #tpu.memory_space<hbm>> -> memref<16384xf32, #tpu.memory_space<hbm>>
    %dma_wait3A_513 = arith.constant 0 : i32
    %dma_wait3A_514 = tpu.memref_slice %dma_wait3A_512[%dma_wait3A_513] : memref<16384xf32, #tpu.memory_space<hbm>> -> memref<16384xf32, #tpu.memory_space<hbm>>
    tpu.wait_indirect_dma semaphore(%arg22 : memref<!tpu.dma_semaphore, #tpu.memory_space<semaphore_mem>>) src(%dma_wait3A_514 : memref<16384xf32, #tpu.memory_space<hbm>>) dst(%dma_wait3A_509 : memref<128xf32, #tpu.memory_space<vmem>>)
    %dma_wait3A_515 = arith.constant 768 : i32
    %dma_wait3A_516 = tpu.memref_slice %arg20[%dma_wait3A_515] : memref<2048xf32, #tpu.memory_space<vmem>> -> memref<128xf32, #tpu.memory_space<vmem>>
    %dma_wait3A_517 = arith.constant 0 : i32
    %dma_wait3A_518 = tpu.memref_slice %arg13[%dma_wait3A_517] : memref<256xi32, #tpu.memory_space<vmem>> -> memref<128xi32, #tpu.memory_space<vmem>>
    %dma_wait3A_519 = tpu.memref_slice %arg3[%mul3A_152] : memref<8388608xf32, #tpu.memory_space<hbm>> -> memref<16384xf32, #tpu.memory_space<hbm>>
    %dma_wait3A_520 = arith.constant 0 : i32
    %dma_wait3A_521 = tpu.memref_slice %dma_wait3A_519[%dma_wait3A_520] : memref<16384xf32, #tpu.memory_space<hbm>> -> memref<16384xf32, #tpu.memory_space<hbm>>
    tpu.wait_indirect_dma semaphore(%arg22 : memref<!tpu.dma_semaphore, #tpu.memory_space<semaphore_mem>>) src(%dma_wait3A_521 : memref<16384xf32, #tpu.memory_space<hbm>>) dst(%dma_wait3A_516 : memref<128xf32, #tpu.memory_space<vmem>>)
    %dma_wait3A_522 = arith.constant 896 : i32
    %dma_wait3A_523 = tpu.memref_slice %arg19[%dma_wait3A_522] : memref<2048xf32, #tpu.memory_space<vmem>> -> memref<128xf32, #tpu.memory_space<vmem>>
    %dma_wait3A_524 = arith.constant 0 : i32
    %dma_wait3A_525 = tpu.memref_slice %arg12[%dma_wait3A_524] : memref<256xi32, #tpu.memory_space<vmem>> -> memref<128xi32, #tpu.memory_space<vmem>>
    %dma_wait3A_526 = tpu.memref_slice %arg2[%mul3A_174] : memref<8388608xf32, #tpu.memory_space<hbm>> -> memref<16384xf32, #tpu.memory_space<hbm>>
    %dma_wait3A_527 = arith.constant 0 : i32
    %dma_wait3A_528 = tpu.memref_slice %dma_wait3A_526[%dma_wait3A_527] : memref<16384xf32, #tpu.memory_space<hbm>> -> memref<16384xf32, #tpu.memory_space<hbm>>
    tpu.wait_indirect_dma semaphore(%arg22 : memref<!tpu.dma_semaphore, #tpu.memory_space<semaphore_mem>>) src(%dma_wait3A_528 : memref<16384xf32, #tpu.memory_space<hbm>>) dst(%dma_wait3A_523 : memref<128xf32, #tpu.memory_space<vmem>>)
    %dma_wait3A_529 = arith.constant 896 : i32
    %dma_wait3A_530 = tpu.memref_slice %arg20[%dma_wait3A_529] : memref<2048xf32, #tpu.memory_space<vmem>> -> memref<128xf32, #tpu.memory_space<vmem>>
    %dma_wait3A_531 = arith.constant 0 : i32
    %dma_wait3A_532 = tpu.memref_slice %arg13[%dma_wait3A_531] : memref<256xi32, #tpu.memory_space<vmem>> -> memref<128xi32, #tpu.memory_space<vmem>>
    %dma_wait3A_533 = tpu.memref_slice %arg3[%mul3A_174] : memref<8388608xf32, #tpu.memory_space<hbm>> -> memref<16384xf32, #tpu.memory_space<hbm>>
    %dma_wait3A_534 = arith.constant 0 : i32
    %dma_wait3A_535 = tpu.memref_slice %dma_wait3A_533[%dma_wait3A_534] : memref<16384xf32, #tpu.memory_space<hbm>> -> memref<16384xf32, #tpu.memory_space<hbm>>
    tpu.wait_indirect_dma semaphore(%arg22 : memref<!tpu.dma_semaphore, #tpu.memory_space<semaphore_mem>>) src(%dma_wait3A_535 : memref<16384xf32, #tpu.memory_space<hbm>>) dst(%dma_wait3A_530 : memref<128xf32, #tpu.memory_space<vmem>>)
    %dma_wait3A_536 = arith.constant 0 : i32
    %dma_wait3A_537 = tpu.memref_slice %arg14[%dma_wait3A_536] : memref<1024xi32, #tpu.memory_space<vmem>> -> memref<256xi32, #tpu.memory_space<vmem>>
    %dma_wait3A_538 = tpu.memref_slice %arg8[%add3A_373] : memref<32768xi32, #tpu.memory_space<hbm>> -> memref<256xi32, #tpu.memory_space<hbm>>
    %dma_wait3A_539 = arith.constant 0 : i32
    %dma_wait3A_540 = tpu.memref_slice %arg14[%dma_wait3A_539] : memref<1024xi32, #tpu.memory_space<vmem>> -> memref<256xi32, #tpu.memory_space<vmem>>
    %dma_wait3A_541 = tpu.memref_slice %arg8[%add3A_373] : memref<32768xi32, #tpu.memory_space<hbm>> -> memref<256xi32, #tpu.memory_space<hbm>>
    tpu.wait_dma2 semaphore(%arg22 : memref<!tpu.dma_semaphore, #tpu.memory_space<semaphore_mem>>) src(%dma_wait3A_541 : memref<256xi32, #tpu.memory_space<hbm>>) dst(%dma_wait3A_540 : memref<256xi32, #tpu.memory_space<vmem>>)
    %dma_wait3A_542 = arith.constant 256 : i32
    %dma_wait3A_543 = tpu.memref_slice %arg14[%dma_wait3A_542] : memref<1024xi32, #tpu.memory_space<vmem>> -> memref<256xi32, #tpu.memory_space<vmem>>
    %dma_wait3A_544 = tpu.memref_slice %arg8[%add3A_381] : memref<32768xi32, #tpu.memory_space<hbm>> -> memref<256xi32, #tpu.memory_space<hbm>>
    %dma_wait3A_545 = arith.constant 256 : i32
    %dma_wait3A_546 = tpu.memref_slice %arg14[%dma_wait3A_545] : memref<1024xi32, #tpu.memory_space<vmem>> -> memref<256xi32, #tpu.memory_space<vmem>>
    %dma_wait3A_547 = tpu.memref_slice %arg8[%add3A_381] : memref<32768xi32, #tpu.memory_space<hbm>> -> memref<256xi32, #tpu.memory_space<hbm>>
    tpu.wait_dma2 semaphore(%arg22 : memref<!tpu.dma_semaphore, #tpu.memory_space<semaphore_mem>>) src(%dma_wait3A_547 : memref<256xi32, #tpu.memory_space<hbm>>) dst(%dma_wait3A_546 : memref<256xi32, #tpu.memory_space<vmem>>)
    %dma_wait3A_548 = arith.constant 512 : i32
    %dma_wait3A_549 = tpu.memref_slice %arg14[%dma_wait3A_548] : memref<1024xi32, #tpu.memory_space<vmem>> -> memref<256xi32, #tpu.memory_space<vmem>>
    %dma_wait3A_550 = tpu.memref_slice %arg8[%add3A_389] : memref<32768xi32, #tpu.memory_space<hbm>> -> memref<256xi32, #tpu.memory_space<hbm>>
    %dma_wait3A_551 = arith.constant 512 : i32
    %dma_wait3A_552 = tpu.memref_slice %arg14[%dma_wait3A_551] : memref<1024xi32, #tpu.memory_space<vmem>> -> memref<256xi32, #tpu.memory_space<vmem>>
    %dma_wait3A_553 = tpu.memref_slice %arg8[%add3A_389] : memref<32768xi32, #tpu.memory_space<hbm>> -> memref<256xi32, #tpu.memory_space<hbm>>
    tpu.wait_dma2 semaphore(%arg22 : memref<!tpu.dma_semaphore, #tpu.memory_space<semaphore_mem>>) src(%dma_wait3A_553 : memref<256xi32, #tpu.memory_space<hbm>>) dst(%dma_wait3A_552 : memref<256xi32, #tpu.memory_space<vmem>>)
    %dma_wait3A_554 = arith.constant 768 : i32
    %dma_wait3A_555 = tpu.memref_slice %arg14[%dma_wait3A_554] : memref<1024xi32, #tpu.memory_space<vmem>> -> memref<256xi32, #tpu.memory_space<vmem>>
    %dma_wait3A_556 = tpu.memref_slice %arg8[%add3A_397] : memref<32768xi32, #tpu.memory_space<hbm>> -> memref<256xi32, #tpu.memory_space<hbm>>
    %dma_wait3A_557 = arith.constant 768 : i32
    %dma_wait3A_558 = tpu.memref_slice %arg14[%dma_wait3A_557] : memref<1024xi32, #tpu.memory_space<vmem>> -> memref<256xi32, #tpu.memory_space<vmem>>
    %dma_wait3A_559 = tpu.memref_slice %arg8[%add3A_397] : memref<32768xi32, #tpu.memory_space<hbm>> -> memref<256xi32, #tpu.memory_space<hbm>>
    tpu.wait_dma2 semaphore(%arg22 : memref<!tpu.dma_semaphore, #tpu.memory_space<semaphore_mem>>) src(%dma_wait3A_559 : memref<256xi32, #tpu.memory_space<hbm>>) dst(%dma_wait3A_558 : memref<256xi32, #tpu.memory_space<vmem>>)
    %dma_wait3A_560 = tpu.memref_slice %arg6[%mul3A_405] : memref<8192xi32, #tpu.memory_space<hbm>> -> memref<256xi32, #tpu.memory_space<hbm>>
    %dma_wait3A_561 = tpu.memref_slice %arg6[%mul3A_405] : memref<8192xi32, #tpu.memory_space<hbm>> -> memref<256xi32, #tpu.memory_space<hbm>>
    tpu.wait_dma2 semaphore(%arg22 : memref<!tpu.dma_semaphore, #tpu.memory_space<semaphore_mem>>) src(%dma_wait3A_561 : memref<256xi32, #tpu.memory_space<hbm>>) dst(%arg15 : memref<256xi32, #tpu.memory_space<vmem>>)
    %dma_wait3A_562 = tpu.memref_slice %arg7[%mul3A_409] : memref<8192xi32, #tpu.memory_space<hbm>> -> memref<256xi32, #tpu.memory_space<hbm>>
    %dma_wait3A_563 = tpu.memref_slice %arg7[%mul3A_409] : memref<8192xi32, #tpu.memory_space<hbm>> -> memref<256xi32, #tpu.memory_space<hbm>>
    tpu.wait_dma2 semaphore(%arg22 : memref<!tpu.dma_semaphore, #tpu.memory_space<semaphore_mem>>) src(%dma_wait3A_563 : memref<256xi32, #tpu.memory_space<hbm>>) dst(%arg16 : memref<256xi32, #tpu.memory_space<vmem>>)
    %dma_wait3A_564 = tpu.memref_slice %arg9[%mul3A_415] : memref<65536xf32, #tpu.memory_space<hbm>> -> memref<2048xf32, #tpu.memory_space<hbm>>
    %dma_wait3A_565 = tpu.memref_slice %arg9[%mul3A_415] : memref<65536xf32, #tpu.memory_space<hbm>> -> memref<2048xf32, #tpu.memory_space<hbm>>
    tpu.wait_dma2 semaphore(%arg22 : memref<!tpu.dma_semaphore, #tpu.memory_space<semaphore_mem>>) src(%dma_wait3A_565 : memref<2048xf32, #tpu.memory_space<hbm>>) dst(%arg17 : memref<2048xf32, #tpu.memory_space<vmem>>)
    %dma_wait3A_566 = tpu.memref_slice %arg10[%mul3A_421] : memref<65536xf32, #tpu.memory_space<hbm>> -> memref<2048xf32, #tpu.memory_space<hbm>>
    %dma_wait3A_567 = tpu.memref_slice %arg10[%mul3A_421] : memref<65536xf32, #tpu.memory_space<hbm>> -> memref<2048xf32, #tpu.memory_space<hbm>>
    tpu.wait_dma2 semaphore(%arg22 : memref<!tpu.dma_semaphore, #tpu.memory_space<semaphore_mem>>) src(%dma_wait3A_567 : memref<2048xf32, #tpu.memory_space<hbm>>) dst(%arg18 : memref<2048xf32, #tpu.memory_space<vmem>>)
    %broadcast_in_dim3A = arith.constant 0.000000e+00 : f32
    %broadcast_in_dim3A_568 = vector.broadcast %broadcast_in_dim3A : f32 to vector<16xf32>
    %scan3A = arith.constant 0 : i32
    %scan3A_569 = arith.constant 64 : i32
    %scan3A_570 = arith.addi %scan3A, %scan3A_569 : i32
    %scan3A_571 = arith.constant 2 : i32
    %scan3A_572:4 = scf.for %scan3A_736 = %scan3A to %scan3A_570 step %scan3A_571 iter_args(%scan3A_737 = %broadcast_in_dim3A_568, %scan3A_738 = %broadcast_in_dim3A_568, %scan3A_739 = %broadcast_in_dim3A_568, %scan3A_740 = %broadcast_in_dim3A_568) -> (vector<16xf32>, vector<16xf32>, vector<16xf32>, vector<16xf32>)  : i32 {
      %mul3A_741 = arith.constant 1 : i32
      %mul3A_742 = arith.muli %scan3A_736, %mul3A_741 : i32
      %add3A_743 = arith.constant 0 : i32
      %add3A_744 = arith.addi %add3A_743, %mul3A_742 : i32
      %shift_right_arithmetic3A_745 = arith.constant 6 : i32
      %shift_right_arithmetic3A_746 = arith.shrsi %add3A_744, %shift_right_arithmetic3A_745 : i32
      %shift_right_arithmetic3A_747 = arith.constant 3 : i32
      %shift_right_arithmetic3A_748 = arith.shrsi %add3A_744, %shift_right_arithmetic3A_747 : i32
      %and3A_749 = arith.constant 7 : i32
      %and3A_750 = arith.andi %shift_right_arithmetic3A_748, %and3A_749 : i32
      %and3A_751 = arith.constant 7 : i32
      %and3A_752 = arith.andi %add3A_744, %and3A_751 : i32
      %mul3A_753 = arith.constant 16 : i32
      %mul3A_754 = arith.muli %and3A_752, %mul3A_753 : i32
      %mul3A_755 = arith.constant 128 : i32
      %mul3A_756 = arith.muli %shift_right_arithmetic3A_746, %mul3A_755 : i32
      %add3A_757 = arith.addi %mul3A_756, %mul3A_754 : i32
      %get3A = arith.index_cast %add3A_757 : i32 to index
      %get3A_758 = tpu.vector_load %arg15[%get3A] {strides = array<i32>} : memref<256xi32, #tpu.memory_space<vmem>>, vector<16xi32>,
      %convert_element_type3A = arith.sitofp %get3A_758 : vector<16xi32> to vector<16xf32>
      %get3A_759 = arith.index_cast %add3A_757 : i32 to index
      %get3A_760 = tpu.vector_load %arg16[%get3A_759] {strides = array<i32>} : memref<256xi32, #tpu.memory_space<vmem>>, vector<16xi32>,
      %mul3A_761 = arith.constant 4 : i32
      %mul3A_762 = arith.muli %mul3A_761, %mul3A_754 : i32
      %shift_right_arithmetic3A_763 = arith.constant 7 : i32
      %shift_right_arithmetic3A_764 = arith.shrsi %mul3A_762, %shift_right_arithmetic3A_763 : i32
      %mul3A_765 = arith.constant 256 : i32
      %mul3A_766 = arith.muli %shift_right_arithmetic3A_764, %mul3A_765 : i32
      %mul3A_767 = arith.constant 128 : i32
      %mul3A_768 = arith.muli %shift_right_arithmetic3A_746, %mul3A_767 : i32
      %add3A_769 = arith.addi %mul3A_766, %mul3A_768 : i32
      %mul3A_770 = arith.constant 4 : i32
      %mul3A_771 = arith.muli %mul3A_770, %mul3A_754 : i32
      %and3A_772 = arith.constant 127 : i32
      %and3A_773 = arith.andi %mul3A_771, %and3A_772 : i32
      %add3A_774 = arith.addi %add3A_769, %and3A_773 : i32
      %shift_right_arithmetic3A_775 = arith.constant 1 : i32
      %shift_right_arithmetic3A_776 = arith.shrsi %and3A_750, %shift_right_arithmetic3A_775 : i32
      %add3A_777 = arith.addi %add3A_774, %shift_right_arithmetic3A_776 : i32
      %mul3A_778 = arith.constant 4 : i32
      %mul3A_779 = vector.broadcast %mul3A_778 : i32 to vector<16xi32>
      %mul3A_780 = arith.muli %mul3A_779, %iota3A : vector<16xi32>
      %add3A_781 = vector.broadcast %add3A_777 : i32 to vector<16xi32>
      %add3A_782 = arith.addi %add3A_781, %mul3A_780 : vector<16xi32>
      %gather3A = tpu.vector_load_idx %arg14[%add3A_782] : memref<1024xi32, #tpu.memory_space<vmem>>[vector<16xi32>], vector<16xi32>,
      %mul3A_783 = arith.constant 2 : i32
      %mul3A_784 = vector.broadcast %mul3A_783 : i32 to vector<16xi32>
      %mul3A_785 = arith.muli %mul3A_784, %gather3A : vector<16xi32>
      %and3A_786 = arith.constant 1 : i32
      %and3A_787 = arith.andi %and3A_750, %and3A_786 : i32
      %add3A_788 = vector.broadcast %and3A_787 : i32 to vector<16xi32>
      %add3A_789 = arith.addi %mul3A_785, %add3A_788 : vector<16xi32>
      %mul3A_790 = arith.constant 1024 : i32
      %mul3A_791 = arith.muli %shift_right_arithmetic3A_746, %mul3A_790 : i32
      %and3A_792 = arith.constant 7 : i32
      %and3A_793 = vector.broadcast %and3A_792 : i32 to vector<16xi32>
      %and3A_794 = arith.andi %add3A_789, %and3A_793 : vector<16xi32>
      %mul3A_795 = arith.constant 128 : i32
      %mul3A_796 = vector.broadcast %mul3A_795 : i32 to vector<16xi32>
      %mul3A_797 = arith.muli %and3A_794, %mul3A_796 : vector<16xi32>
      %add3A_798 = vector.broadcast %mul3A_791 : i32 to vector<16xi32>
      %add3A_799 = arith.addi %add3A_798, %mul3A_797 : vector<16xi32>
      %shift_right_arithmetic3A_800 = arith.constant 3 : i32
      %shift_right_arithmetic3A_801 = vector.broadcast %shift_right_arithmetic3A_800 : i32 to vector<16xi32>
      %shift_right_arithmetic3A_802 = arith.shrsi %add3A_789, %shift_right_arithmetic3A_801 : vector<16xi32>
      %add3A_803 = arith.addi %add3A_799, %shift_right_arithmetic3A_802 : vector<16xi32>
      %gather3A_804 = tpu.vector_load_idx %arg20[%add3A_803] : memref<2048xf32, #tpu.memory_space<vmem>>[vector<16xi32>], vector<16xf32>,
      %gather3A_805 = tpu.vector_load_idx %arg18[%add3A_803] : memref<2048xf32, #tpu.memory_space<vmem>>[vector<16xi32>], vector<16xf32>,
      %mul3A_806 = arith.constant 16 : i32
      %mul3A_807 = arith.muli %add3A_744, %mul3A_806 : i32
      %get3A_808 = arith.index_cast %mul3A_807 : i32 to index
      %get3A_809 = tpu.vector_load %arg19[%get3A_808] {strides = array<i32>} : memref<2048xf32, #tpu.memory_space<vmem>>, vector<16xf32>,
      %get3A_810 = arith.index_cast %mul3A_807 : i32 to index
      %get3A_811 = tpu.vector_load %arg17[%get3A_810] {strides = array<i32>} : memref<2048xf32, #tpu.memory_space<vmem>>, vector<16xf32>,
      %get3A_812 = arith.index_cast %mul3A_807 : i32 to index
      %get3A_813 = tpu.vector_load %arg20[%get3A_812] {strides = array<i32>} : memref<2048xf32, #tpu.memory_space<vmem>>, vector<16xf32>,
      %get3A_814 = arith.index_cast %mul3A_807 : i32 to index
      %get3A_815 = tpu.vector_load %arg18[%get3A_814] {strides = array<i32>} : memref<2048xf32, #tpu.memory_space<vmem>>, vector<16xf32>,
      %sub3A = arith.subf %get3A_809, %get3A_811 : vector<16xf32>
      %abs3A = math.absf %sub3A : vector<16xf32>
      %sub3A_816 = arith.subf %gather3A_804, %gather3A_805 : vector<16xf32>
      %abs3A_817 = math.absf %sub3A_816 : vector<16xf32>
      %add3A_818 = arith.addf %abs3A, %abs3A_817 : vector<16xf32>
      %abs3A_819 = math.absf %get3A_811 : vector<16xf32>
      %add3A_820 = arith.constant 9.99999974E-5 : f32
      %add3A_821 = vector.broadcast %add3A_820 : f32 to vector<16xf32>
      %add3A_822 = arith.addf %abs3A_819, %add3A_821 : vector<16xf32>
      %div3A = arith.divf %add3A_818, %add3A_822 : vector<16xf32>
      %mul3A_823 = arith.mulf %div3A, %div3A : vector<16xf32>
      %gt3A = arith.constant 1.000000e+00 : f32
      %gt3A_824 = vector.broadcast %gt3A : f32 to vector<16xf32>
      %gt3A_825 = arith.cmpf ogt, %mul3A_823, %gt3A_824 : vector<16xf32>
      %jit3A_826 = arith.constant 0.000000e+00 : f32
      %jit3A_827 = arith.constant 1.000000e+00 : f32
      %broadcast_in_dim3A_828 = vector.broadcast %jit3A_826 : f32 to vector<16xf32>
      %broadcast_in_dim3A_829 = vector.broadcast %jit3A_827 : f32 to vector<16xf32>
      %select_n3A_830 = arith.select %gt3A_825, %broadcast_in_dim3A_828, %broadcast_in_dim3A_829 : vector<16xi1>, vector<16xf32>
      %mul3A_831 = arith.mulf %mul3A_823, %select_n3A_830 : vector<16xf32>
      %sub3A_832 = arith.constant 1.000000e+00 : f32
      %sub3A_833 = vector.broadcast %sub3A_832 : f32 to vector<16xf32>
      %sub3A_834 = arith.subf %sub3A_833, %select_n3A_830 : vector<16xf32>
      %add3A_835 = arith.addf %mul3A_831, %sub3A_834 : vector<16xf32>
      %mul3A_836 = arith.constant -3.140000e+00 : f32
      %mul3A_837 = vector.broadcast %mul3A_836 : f32 to vector<16xf32>
      %mul3A_838 = arith.mulf %mul3A_837, %add3A_835 : vector<16xf32>
      %exp3A = math.exp %mul3A_838 : vector<16xf32>
      %sub3A_839 = arith.constant 1.000000e+00 : f32
      %sub3A_840 = vector.broadcast %sub3A_839 : f32 to vector<16xf32>
      %sub3A_841 = arith.subf %sub3A_840, %exp3A : vector<16xf32>
      %mul3A_842 = arith.mulf %convert_element_type3A, %sub3A_841 : vector<16xf32>
      %mul3A_843 = arith.mulf %get3A_809, %mul3A_842 : vector<16xf32>
      %mul3A_844 = arith.mulf %get3A_811, %mul3A_842 : vector<16xf32>
      %sub3A_845 = arith.subf %mul3A_843, %mul3A_844 : vector<16xf32>
      %abs3A_846 = math.absf %sub3A_845 : vector<16xf32>
      %add3A_847 = arith.addf %scan3A_737, %abs3A_846 : vector<16xf32>
      %mul3A_848 = arith.mulf %gather3A_804, %mul3A_842 : vector<16xf32>
      %mul3A_849 = arith.mulf %gather3A_805, %mul3A_842 : vector<16xf32>
      %sub3A_850 = arith.subf %mul3A_848, %mul3A_849 : vector<16xf32>
      %abs3A_851 = math.absf %sub3A_850 : vector<16xf32>
      %add3A_852 = arith.addf %scan3A_738, %abs3A_851 : vector<16xf32>
      %eq3A_853 = arith.constant 0.000000e+00 : f32
      %eq3A_854 = vector.broadcast %eq3A_853 : f32 to vector<16xf32>
      %eq3A_855 = arith.cmpf oeq, %get3A_815, %eq3A_854 : vector<16xf32>
      %convert_element_type3A_856 = arith.extui %eq3A_855 : vector<16xi1> to vector<16xi32>
      %eq3A_857 = arith.cmpi eq, %convert_element_type3A_856, %get3A_760 : vector<16xi32>
      %jit3A_858 = arith.constant 1.000000e+00 : f32
      %jit3A_859 = arith.constant 0.000000e+00 : f32
      %broadcast_in_dim3A_860 = vector.broadcast %jit3A_858 : f32 to vector<16xf32>
      %broadcast_in_dim3A_861 = vector.broadcast %jit3A_859 : f32 to vector<16xf32>
      %select_n3A_862 = arith.select %eq3A_857, %broadcast_in_dim3A_860, %broadcast_in_dim3A_861 : vector<16xi1>, vector<16xf32>
      %mul3A_863 = arith.mulf %get3A_813, %select_n3A_862 : vector<16xf32>
      %mul3A_864 = arith.mulf %get3A_815, %select_n3A_862 : vector<16xf32>
      %sub3A_865 = arith.subf %mul3A_863, %mul3A_864 : vector<16xf32>
      %abs3A_866 = math.absf %sub3A_865 : vector<16xf32>
      %add3A_867 = arith.addf %scan3A_739, %abs3A_866 : vector<16xf32>
      %add3A_868 = arith.addf %scan3A_740, %convert_element_type3A : vector<16xf32>
      %scan3A_869 = arith.constant 1 : i32
      %scan3A_870 = arith.addi %scan3A_736, %scan3A_869 : i32
      %mul3A_871 = arith.constant 1 : i32
      %mul3A_872 = arith.muli %scan3A_870, %mul3A_871 : i32
      %add3A_873 = arith.constant 0 : i32
      %add3A_874 = arith.addi %add3A_873, %mul3A_872 : i32
      %shift_right_arithmetic3A_875 = arith.constant 6 : i32
      %shift_right_arithmetic3A_876 = arith.shrsi %add3A_874, %shift_right_arithmetic3A_875 : i32
      %shift_right_arithmetic3A_877 = arith.constant 3 : i32
      %shift_right_arithmetic3A_878 = arith.shrsi %add3A_874, %shift_right_arithmetic3A_877 : i32
      %and3A_879 = arith.constant 7 : i32
      %and3A_880 = arith.andi %shift_right_arithmetic3A_878, %and3A_879 : i32
      %and3A_881 = arith.constant 7 : i32
      %and3A_882 = arith.andi %add3A_874, %and3A_881 : i32
      %mul3A_883 = arith.constant 16 : i32
      %mul3A_884 = arith.muli %and3A_882, %mul3A_883 : i32
      %mul3A_885 = arith.constant 128 : i32
      %mul3A_886 = arith.muli %shift_right_arithmetic3A_876, %mul3A_885 : i32
      %add3A_887 = arith.addi %mul3A_886, %mul3A_884 : i32
      %get3A_888 = arith.index_cast %add3A_887 : i32 to index
      %get3A_889 = tpu.vector_load %arg15[%get3A_888] {strides = array<i32>} : memref<256xi32, #tpu.memory_space<vmem>>, vector<16xi32>,
      %convert_element_type3A_890 = arith.sitofp %get3A_889 : vector<16xi32> to vector<16xf32>
      %get3A_891 = arith.index_cast %add3A_887 : i32 to index
      %get3A_892 = tpu.vector_load %arg16[%get3A_891] {strides = array<i32>} : memref<256xi32, #tpu.memory_space<vmem>>, vector<16xi32>,
      %mul3A_893 = arith.constant 4 : i32
      %mul3A_894 = arith.muli %mul3A_893, %mul3A_884 : i32
      %shift_right_arithmetic3A_895 = arith.constant 7 : i32
      %shift_right_arithmetic3A_896 = arith.shrsi %mul3A_894, %shift_right_arithmetic3A_895 : i32
      %mul3A_897 = arith.constant 256 : i32
      %mul3A_898 = arith.muli %shift_right_arithmetic3A_896, %mul3A_897 : i32
      %mul3A_899 = arith.constant 128 : i32
      %mul3A_900 = arith.muli %shift_right_arithmetic3A_876, %mul3A_899 : i32
      %add3A_901 = arith.addi %mul3A_898, %mul3A_900 : i32
      %mul3A_902 = arith.constant 4 : i32
      %mul3A_903 = arith.muli %mul3A_902, %mul3A_884 : i32
      %and3A_904 = arith.constant 127 : i32
      %and3A_905 = arith.andi %mul3A_903, %and3A_904 : i32
      %add3A_906 = arith.addi %add3A_901, %and3A_905 : i32
      %shift_right_arithmetic3A_907 = arith.constant 1 : i32
      %shift_right_arithmetic3A_908 = arith.shrsi %and3A_880, %shift_right_arithmetic3A_907 : i32
      %add3A_909 = arith.addi %add3A_906, %shift_right_arithmetic3A_908 : i32
      %mul3A_910 = arith.constant 4 : i32
      %mul3A_911 = vector.broadcast %mul3A_910 : i32 to vector<16xi32>
      %mul3A_912 = arith.muli %mul3A_911, %iota3A : vector<16xi32>
      %add3A_913 = vector.broadcast %add3A_909 : i32 to vector<16xi32>
      %add3A_914 = arith.addi %add3A_913, %mul3A_912 : vector<16xi32>
      %gather3A_915 = tpu.vector_load_idx %arg14[%add3A_914] : memref<1024xi32, #tpu.memory_space<vmem>>[vector<16xi32>], vector<16xi32>,
      %mul3A_916 = arith.constant 2 : i32
      %mul3A_917 = vector.broadcast %mul3A_916 : i32 to vector<16xi32>
      %mul3A_918 = arith.muli %mul3A_917, %gather3A_915 : vector<16xi32>
      %and3A_919 = arith.constant 1 : i32
      %and3A_920 = arith.andi %and3A_880, %and3A_919 : i32
      %add3A_921 = vector.broadcast %and3A_920 : i32 to vector<16xi32>
      %add3A_922 = arith.addi %mul3A_918, %add3A_921 : vector<16xi32>
      %mul3A_923 = arith.constant 1024 : i32
      %mul3A_924 = arith.muli %shift_right_arithmetic3A_876, %mul3A_923 : i32
      %and3A_925 = arith.constant 7 : i32
      %and3A_926 = vector.broadcast %and3A_925 : i32 to vector<16xi32>
      %and3A_927 = arith.andi %add3A_922, %and3A_926 : vector<16xi32>
      %mul3A_928 = arith.constant 128 : i32
      %mul3A_929 = vector.broadcast %mul3A_928 : i32 to vector<16xi32>
      %mul3A_930 = arith.muli %and3A_927, %mul3A_929 : vector<16xi32>
      %add3A_931 = vector.broadcast %mul3A_924 : i32 to vector<16xi32>
      %add3A_932 = arith.addi %add3A_931, %mul3A_930 : vector<16xi32>
      %shift_right_arithmetic3A_933 = arith.constant 3 : i32
      %shift_right_arithmetic3A_934 = vector.broadcast %shift_right_arithmetic3A_933 : i32 to vector<16xi32>
      %shift_right_arithmetic3A_935 = arith.shrsi %add3A_922, %shift_right_arithmetic3A_934 : vector<16xi32>
      %add3A_936 = arith.addi %add3A_932, %shift_right_arithmetic3A_935 : vector<16xi32>
      %gather3A_937 = tpu.vector_load_idx %arg20[%add3A_936] : memref<2048xf32, #tpu.memory_space<vmem>>[vector<16xi32>], vector<16xf32>,
      %gather3A_938 = tpu.vector_load_idx %arg18[%add3A_936] : memref<2048xf32, #tpu.memory_space<vmem>>[vector<16xi32>], vector<16xf32>,
      %mul3A_939 = arith.constant 16 : i32
      %mul3A_940 = arith.muli %add3A_874, %mul3A_939 : i32
      %get3A_941 = arith.index_cast %mul3A_940 : i32 to index
      %get3A_942 = tpu.vector_load %arg19[%get3A_941] {strides = array<i32>} : memref<2048xf32, #tpu.memory_space<vmem>>, vector<16xf32>,
      %get3A_943 = arith.index_cast %mul3A_940 : i32 to index
      %get3A_944 = tpu.vector_load %arg17[%get3A_943] {strides = array<i32>} : memref<2048xf32, #tpu.memory_space<vmem>>, vector<16xf32>,
      %get3A_945 = arith.index_cast %mul3A_940 : i32 to index
      %get3A_946 = tpu.vector_load %arg20[%get3A_945] {strides = array<i32>} : memref<2048xf32, #tpu.memory_space<vmem>>, vector<16xf32>,
      %get3A_947 = arith.index_cast %mul3A_940 : i32 to index
      %get3A_948 = tpu.vector_load %arg18[%get3A_947] {strides = array<i32>} : memref<2048xf32, #tpu.memory_space<vmem>>, vector<16xf32>,
      %sub3A_949 = arith.subf %get3A_942, %get3A_944 : vector<16xf32>
      %abs3A_950 = math.absf %sub3A_949 : vector<16xf32>
      %sub3A_951 = arith.subf %gather3A_937, %gather3A_938 : vector<16xf32>
      %abs3A_952 = math.absf %sub3A_951 : vector<16xf32>
      %add3A_953 = arith.addf %abs3A_950, %abs3A_952 : vector<16xf32>
      %abs3A_954 = math.absf %get3A_944 : vector<16xf32>
      %add3A_955 = arith.constant 9.99999974E-5 : f32
      %add3A_956 = vector.broadcast %add3A_955 : f32 to vector<16xf32>
      %add3A_957 = arith.addf %abs3A_954, %add3A_956 : vector<16xf32>
      %div3A_958 = arith.divf %add3A_953, %add3A_957 : vector<16xf32>
      %mul3A_959 = arith.mulf %div3A_958, %div3A_958 : vector<16xf32>
      %gt3A_960 = arith.constant 1.000000e+00 : f32
      %gt3A_961 = vector.broadcast %gt3A_960 : f32 to vector<16xf32>
      %gt3A_962 = arith.cmpf ogt, %mul3A_959, %gt3A_961 : vector<16xf32>
      %jit3A_963 = arith.constant 0.000000e+00 : f32
      %jit3A_964 = arith.constant 1.000000e+00 : f32
      %broadcast_in_dim3A_965 = vector.broadcast %jit3A_963 : f32 to vector<16xf32>
      %broadcast_in_dim3A_966 = vector.broadcast %jit3A_964 : f32 to vector<16xf32>
      %select_n3A_967 = arith.select %gt3A_962, %broadcast_in_dim3A_965, %broadcast_in_dim3A_966 : vector<16xi1>, vector<16xf32>
      %mul3A_968 = arith.mulf %mul3A_959, %select_n3A_967 : vector<16xf32>
      %sub3A_969 = arith.constant 1.000000e+00 : f32
      %sub3A_970 = vector.broadcast %sub3A_969 : f32 to vector<16xf32>
      %sub3A_971 = arith.subf %sub3A_970, %select_n3A_967 : vector<16xf32>
      %add3A_972 = arith.addf %mul3A_968, %sub3A_971 : vector<16xf32>
      %mul3A_973 = arith.constant -3.140000e+00 : f32
      %mul3A_974 = vector.broadcast %mul3A_973 : f32 to vector<16xf32>
      %mul3A_975 = arith.mulf %mul3A_974, %add3A_972 : vector<16xf32>
      %exp3A_976 = math.exp %mul3A_975 : vector<16xf32>
      %sub3A_977 = arith.constant 1.000000e+00 : f32
      %sub3A_978 = vector.broadcast %sub3A_977 : f32 to vector<16xf32>
      %sub3A_979 = arith.subf %sub3A_978, %exp3A_976 : vector<16xf32>
      %mul3A_980 = arith.mulf %convert_element_type3A_890, %sub3A_979 : vector<16xf32>
      %mul3A_981 = arith.mulf %get3A_942, %mul3A_980 : vector<16xf32>
      %mul3A_982 = arith.mulf %get3A_944, %mul3A_980 : vector<16xf32>
      %sub3A_983 = arith.subf %mul3A_981, %mul3A_982 : vector<16xf32>
      %abs3A_984 = math.absf %sub3A_983 : vector<16xf32>
      %add3A_985 = arith.addf %add3A_847, %abs3A_984 : vector<16xf32>
      %mul3A_986 = arith.mulf %gather3A_937, %mul3A_980 : vector<16xf32>
      %mul3A_987 = arith.mulf %gather3A_938, %mul3A_980 : vector<16xf32>
      %sub3A_988 = arith.subf %mul3A_986, %mul3A_987 : vector<16xf32>
      %abs3A_989 = math.absf %sub3A_988 : vector<16xf32>
      %add3A_990 = arith.addf %add3A_852, %abs3A_989 : vector<16xf32>
      %eq3A_991 = arith.constant 0.000000e+00 : f32
      %eq3A_992 = vector.broadcast %eq3A_991 : f32 to vector<16xf32>
      %eq3A_993 = arith.cmpf oeq, %get3A_948, %eq3A_992 : vector<16xf32>
      %convert_element_type3A_994 = arith.extui %eq3A_993 : vector<16xi1> to vector<16xi32>
      %eq3A_995 = arith.cmpi eq, %convert_element_type3A_994, %get3A_892 : vector<16xi32>
      %jit3A_996 = arith.constant 1.000000e+00 : f32
      %jit3A_997 = arith.constant 0.000000e+00 : f32
      %broadcast_in_dim3A_998 = vector.broadcast %jit3A_996 : f32 to vector<16xf32>
      %broadcast_in_dim3A_999 = vector.broadcast %jit3A_997 : f32 to vector<16xf32>
      %select_n3A_1000 = arith.select %eq3A_995, %broadcast_in_dim3A_998, %broadcast_in_dim3A_999 : vector<16xi1>, vector<16xf32>
      %mul3A_1001 = arith.mulf %get3A_946, %select_n3A_1000 : vector<16xf32>
      %mul3A_1002 = arith.mulf %get3A_948, %select_n3A_1000 : vector<16xf32>
      %sub3A_1003 = arith.subf %mul3A_1001, %mul3A_1002 : vector<16xf32>
      %abs3A_1004 = math.absf %sub3A_1003 : vector<16xf32>
      %add3A_1005 = arith.addf %add3A_867, %abs3A_1004 : vector<16xf32>
      %add3A_1006 = arith.addf %add3A_868, %convert_element_type3A_890 : vector<16xf32>
      scf.yield %add3A_985, %add3A_990, %add3A_1005, %add3A_1006 : vector<16xf32>, vector<16xf32>, vector<16xf32>, vector<16xf32>
    }
    %scan3A_573 = arith.constant 64 : i32
    %dma_wait3A_574 = arith.constant 1024 : i32
    %dma_wait3A_575 = tpu.memref_slice %arg19[%dma_wait3A_574] : memref<2048xf32, #tpu.memory_space<vmem>> -> memref<128xf32, #tpu.memory_space<vmem>>
    %dma_wait3A_576 = arith.constant 128 : i32
    %dma_wait3A_577 = tpu.memref_slice %arg12[%dma_wait3A_576] : memref<256xi32, #tpu.memory_space<vmem>> -> memref<128xi32, #tpu.memory_space<vmem>>
    %dma_wait3A_578 = tpu.memref_slice %arg2[%mul3A_196] : memref<8388608xf32, #tpu.memory_space<hbm>> -> memref<16384xf32, #tpu.memory_space<hbm>>
    %dma_wait3A_579 = arith.constant 0 : i32
    %dma_wait3A_580 = tpu.memref_slice %dma_wait3A_578[%dma_wait3A_579] : memref<16384xf32, #tpu.memory_space<hbm>> -> memref<16384xf32, #tpu.memory_space<hbm>>
    tpu.wait_indirect_dma semaphore(%arg23 : memref<!tpu.dma_semaphore, #tpu.memory_space<semaphore_mem>>) src(%dma_wait3A_580 : memref<16384xf32, #tpu.memory_space<hbm>>) dst(%dma_wait3A_575 : memref<128xf32, #tpu.memory_space<vmem>>)
    %dma_wait3A_581 = arith.constant 1024 : i32
    %dma_wait3A_582 = tpu.memref_slice %arg20[%dma_wait3A_581] : memref<2048xf32, #tpu.memory_space<vmem>> -> memref<128xf32, #tpu.memory_space<vmem>>
    %dma_wait3A_583 = arith.constant 128 : i32
    %dma_wait3A_584 = tpu.memref_slice %arg13[%dma_wait3A_583] : memref<256xi32, #tpu.memory_space<vmem>> -> memref<128xi32, #tpu.memory_space<vmem>>
    %dma_wait3A_585 = tpu.memref_slice %arg3[%mul3A_196] : memref<8388608xf32, #tpu.memory_space<hbm>> -> memref<16384xf32, #tpu.memory_space<hbm>>
    %dma_wait3A_586 = arith.constant 0 : i32
    %dma_wait3A_587 = tpu.memref_slice %dma_wait3A_585[%dma_wait3A_586] : memref<16384xf32, #tpu.memory_space<hbm>> -> memref<16384xf32, #tpu.memory_space<hbm>>
    tpu.wait_indirect_dma semaphore(%arg23 : memref<!tpu.dma_semaphore, #tpu.memory_space<semaphore_mem>>) src(%dma_wait3A_587 : memref<16384xf32, #tpu.memory_space<hbm>>) dst(%dma_wait3A_582 : memref<128xf32, #tpu.memory_space<vmem>>)
    %dma_wait3A_588 = arith.constant 1152 : i32
    %dma_wait3A_589 = tpu.memref_slice %arg19[%dma_wait3A_588] : memref<2048xf32, #tpu.memory_space<vmem>> -> memref<128xf32, #tpu.memory_space<vmem>>
    %dma_wait3A_590 = arith.constant 128 : i32
    %dma_wait3A_591 = tpu.memref_slice %arg12[%dma_wait3A_590] : memref<256xi32, #tpu.memory_space<vmem>> -> memref<128xi32, #tpu.memory_space<vmem>>
    %dma_wait3A_592 = tpu.memref_slice %arg2[%mul3A_218] : memref<8388608xf32, #tpu.memory_space<hbm>> -> memref<16384xf32, #tpu.memory_space<hbm>>
    %dma_wait3A_593 = arith.constant 0 : i32
    %dma_wait3A_594 = tpu.memref_slice %dma_wait3A_592[%dma_wait3A_593] : memref<16384xf32, #tpu.memory_space<hbm>> -> memref<16384xf32, #tpu.memory_space<hbm>>
    tpu.wait_indirect_dma semaphore(%arg23 : memref<!tpu.dma_semaphore, #tpu.memory_space<semaphore_mem>>) src(%dma_wait3A_594 : memref<16384xf32, #tpu.memory_space<hbm>>) dst(%dma_wait3A_589 : memref<128xf32, #tpu.memory_space<vmem>>)
    %dma_wait3A_595 = arith.constant 1152 : i32
    %dma_wait3A_596 = tpu.memref_slice %arg20[%dma_wait3A_595] : memref<2048xf32, #tpu.memory_space<vmem>> -> memref<128xf32, #tpu.memory_space<vmem>>
    %dma_wait3A_597 = arith.constant 128 : i32
    %dma_wait3A_598 = tpu.memref_slice %arg13[%dma_wait3A_597] : memref<256xi32, #tpu.memory_space<vmem>> -> memref<128xi32, #tpu.memory_space<vmem>>
    %dma_wait3A_599 = tpu.memref_slice %arg3[%mul3A_218] : memref<8388608xf32, #tpu.memory_space<hbm>> -> memref<16384xf32, #tpu.memory_space<hbm>>
    %dma_wait3A_600 = arith.constant 0 : i32
    %dma_wait3A_601 = tpu.memref_slice %dma_wait3A_599[%dma_wait3A_600] : memref<16384xf32, #tpu.memory_space<hbm>> -> memref<16384xf32, #tpu.memory_space<hbm>>
    tpu.wait_indirect_dma semaphore(%arg23 : memref<!tpu.dma_semaphore, #tpu.memory_space<semaphore_mem>>) src(%dma_wait3A_601 : memref<16384xf32, #tpu.memory_space<hbm>>) dst(%dma_wait3A_596 : memref<128xf32, #tpu.memory_space<vmem>>)
    %dma_wait3A_602 = arith.constant 1280 : i32
    %dma_wait3A_603 = tpu.memref_slice %arg19[%dma_wait3A_602] : memref<2048xf32, #tpu.memory_space<vmem>> -> memref<128xf32, #tpu.memory_space<vmem>>
    %dma_wait3A_604 = arith.constant 128 : i32
    %dma_wait3A_605 = tpu.memref_slice %arg12[%dma_wait3A_604] : memref<256xi32, #tpu.memory_space<vmem>> -> memref<128xi32, #tpu.memory_space<vmem>>
    %dma_wait3A_606 = tpu.memref_slice %arg2[%mul3A_240] : memref<8388608xf32, #tpu.memory_space<hbm>> -> memref<16384xf32, #tpu.memory_space<hbm>>
    %dma_wait3A_607 = arith.constant 0 : i32
    %dma_wait3A_608 = tpu.memref_slice %dma_wait3A_606[%dma_wait3A_607] : memref<16384xf32, #tpu.memory_space<hbm>> -> memref<16384xf32, #tpu.memory_space<hbm>>
    tpu.wait_indirect_dma semaphore(%arg23 : memref<!tpu.dma_semaphore, #tpu.memory_space<semaphore_mem>>) src(%dma_wait3A_608 : memref<16384xf32, #tpu.memory_space<hbm>>) dst(%dma_wait3A_603 : memref<128xf32, #tpu.memory_space<vmem>>)
    %dma_wait3A_609 = arith.constant 1280 : i32
    %dma_wait3A_610 = tpu.memref_slice %arg20[%dma_wait3A_609] : memref<2048xf32, #tpu.memory_space<vmem>> -> memref<128xf32, #tpu.memory_space<vmem>>
    %dma_wait3A_611 = arith.constant 128 : i32
    %dma_wait3A_612 = tpu.memref_slice %arg13[%dma_wait3A_611] : memref<256xi32, #tpu.memory_space<vmem>> -> memref<128xi32, #tpu.memory_space<vmem>>
    %dma_wait3A_613 = tpu.memref_slice %arg3[%mul3A_240] : memref<8388608xf32, #tpu.memory_space<hbm>> -> memref<16384xf32, #tpu.memory_space<hbm>>
    %dma_wait3A_614 = arith.constant 0 : i32
    %dma_wait3A_615 = tpu.memref_slice %dma_wait3A_613[%dma_wait3A_614] : memref<16384xf32, #tpu.memory_space<hbm>> -> memref<16384xf32, #tpu.memory_space<hbm>>
    tpu.wait_indirect_dma semaphore(%arg23 : memref<!tpu.dma_semaphore, #tpu.memory_space<semaphore_mem>>) src(%dma_wait3A_615 : memref<16384xf32, #tpu.memory_space<hbm>>) dst(%dma_wait3A_610 : memref<128xf32, #tpu.memory_space<vmem>>)
    %dma_wait3A_616 = arith.constant 1408 : i32
    %dma_wait3A_617 = tpu.memref_slice %arg19[%dma_wait3A_616] : memref<2048xf32, #tpu.memory_space<vmem>> -> memref<128xf32, #tpu.memory_space<vmem>>
    %dma_wait3A_618 = arith.constant 128 : i32
    %dma_wait3A_619 = tpu.memref_slice %arg12[%dma_wait3A_618] : memref<256xi32, #tpu.memory_space<vmem>> -> memref<128xi32, #tpu.memory_space<vmem>>
    %dma_wait3A_620 = tpu.memref_slice %arg2[%mul3A_262] : memref<8388608xf32, #tpu.memory_space<hbm>> -> memref<16384xf32, #tpu.memory_space<hbm>>
    %dma_wait3A_621 = arith.constant 0 : i32
    %dma_wait3A_622 = tpu.memref_slice %dma_wait3A_620[%dma_wait3A_621] : memref<16384xf32, #tpu.memory_space<hbm>> -> memref<16384xf32, #tpu.memory_space<hbm>>
    tpu.wait_indirect_dma semaphore(%arg23 : memref<!tpu.dma_semaphore, #tpu.memory_space<semaphore_mem>>) src(%dma_wait3A_622 : memref<16384xf32, #tpu.memory_space<hbm>>) dst(%dma_wait3A_617 : memref<128xf32, #tpu.memory_space<vmem>>)
    %dma_wait3A_623 = arith.constant 1408 : i32
    %dma_wait3A_624 = tpu.memref_slice %arg20[%dma_wait3A_623] : memref<2048xf32, #tpu.memory_space<vmem>> -> memref<128xf32, #tpu.memory_space<vmem>>
    %dma_wait3A_625 = arith.constant 128 : i32
    %dma_wait3A_626 = tpu.memref_slice %arg13[%dma_wait3A_625] : memref<256xi32, #tpu.memory_space<vmem>> -> memref<128xi32, #tpu.memory_space<vmem>>
    %dma_wait3A_627 = tpu.memref_slice %arg3[%mul3A_262] : memref<8388608xf32, #tpu.memory_space<hbm>> -> memref<16384xf32, #tpu.memory_space<hbm>>
    %dma_wait3A_628 = arith.constant 0 : i32
    %dma_wait3A_629 = tpu.memref_slice %dma_wait3A_627[%dma_wait3A_628] : memref<16384xf32, #tpu.memory_space<hbm>> -> memref<16384xf32, #tpu.memory_space<hbm>>
    tpu.wait_indirect_dma semaphore(%arg23 : memref<!tpu.dma_semaphore, #tpu.memory_space<semaphore_mem>>) src(%dma_wait3A_629 : memref<16384xf32, #tpu.memory_space<hbm>>) dst(%dma_wait3A_624 : memref<128xf32, #tpu.memory_space<vmem>>)
    %dma_wait3A_630 = arith.constant 1536 : i32
    %dma_wait3A_631 = tpu.memref_slice %arg19[%dma_wait3A_630] : memref<2048xf32, #tpu.memory_space<vmem>> -> memref<128xf32, #tpu.memory_space<vmem>>
    %dma_wait3A_632 = arith.constant 128 : i32
    %dma_wait3A_633 = tpu.memref_slice %arg12[%dma_wait3A_632] : memref<256xi32, #tpu.memory_space<vmem>> -> memref<128xi32, #tpu.memory_space<vmem>>
    %dma_wait3A_634 = tpu.memref_slice %arg2[%mul3A_284] : memref<8388608xf32, #tpu.memory_space<hbm>> -> memref<16384xf32, #tpu.memory_space<hbm>>
    %dma_wait3A_635 = arith.constant 0 : i32
    %dma_wait3A_636 = tpu.memref_slice %dma_wait3A_634[%dma_wait3A_635] : memref<16384xf32, #tpu.memory_space<hbm>> -> memref<16384xf32, #tpu.memory_space<hbm>>
    tpu.wait_indirect_dma semaphore(%arg23 : memref<!tpu.dma_semaphore, #tpu.memory_space<semaphore_mem>>) src(%dma_wait3A_636 : memref<16384xf32, #tpu.memory_space<hbm>>) dst(%dma_wait3A_631 : memref<128xf32, #tpu.memory_space<vmem>>)
    %dma_wait3A_637 = arith.constant 1536 : i32
    %dma_wait3A_638 = tpu.memref_slice %arg20[%dma_wait3A_637] : memref<2048xf32, #tpu.memory_space<vmem>> -> memref<128xf32, #tpu.memory_space<vmem>>
    %dma_wait3A_639 = arith.constant 128 : i32
    %dma_wait3A_640 = tpu.memref_slice %arg13[%dma_wait3A_639] : memref<256xi32, #tpu.memory_space<vmem>> -> memref<128xi32, #tpu.memory_space<vmem>>
    %dma_wait3A_641 = tpu.memref_slice %arg3[%mul3A_284] : memref<8388608xf32, #tpu.memory_space<hbm>> -> memref<16384xf32, #tpu.memory_space<hbm>>
    %dma_wait3A_642 = arith.constant 0 : i32
    %dma_wait3A_643 = tpu.memref_slice %dma_wait3A_641[%dma_wait3A_642] : memref<16384xf32, #tpu.memory_space<hbm>> -> memref<16384xf32, #tpu.memory_space<hbm>>
    tpu.wait_indirect_dma semaphore(%arg23 : memref<!tpu.dma_semaphore, #tpu.memory_space<semaphore_mem>>) src(%dma_wait3A_643 : memref<16384xf32, #tpu.memory_space<hbm>>) dst(%dma_wait3A_638 : memref<128xf32, #tpu.memory_space<vmem>>)
    %dma_wait3A_644 = arith.constant 1664 : i32
    %dma_wait3A_645 = tpu.memref_slice %arg19[%dma_wait3A_644] : memref<2048xf32, #tpu.memory_space<vmem>> -> memref<128xf32, #tpu.memory_space<vmem>>
    %dma_wait3A_646 = arith.constant 128 : i32
    %dma_wait3A_647 = tpu.memref_slice %arg12[%dma_wait3A_646] : memref<256xi32, #tpu.memory_space<vmem>> -> memref<128xi32, #tpu.memory_space<vmem>>
    %dma_wait3A_648 = tpu.memref_slice %arg2[%mul3A_306] : memref<8388608xf32, #tpu.memory_space<hbm>> -> memref<16384xf32, #tpu.memory_space<hbm>>
    %dma_wait3A_649 = arith.constant 0 : i32
    %dma_wait3A_650 = tpu.memref_slice %dma_wait3A_648[%dma_wait3A_649] : memref<16384xf32, #tpu.memory_space<hbm>> -> memref<16384xf32, #tpu.memory_space<hbm>>
    tpu.wait_indirect_dma semaphore(%arg23 : memref<!tpu.dma_semaphore, #tpu.memory_space<semaphore_mem>>) src(%dma_wait3A_650 : memref<16384xf32, #tpu.memory_space<hbm>>) dst(%dma_wait3A_645 : memref<128xf32, #tpu.memory_space<vmem>>)
    %dma_wait3A_651 = arith.constant 1664 : i32
    %dma_wait3A_652 = tpu.memref_slice %arg20[%dma_wait3A_651] : memref<2048xf32, #tpu.memory_space<vmem>> -> memref<128xf32, #tpu.memory_space<vmem>>
    %dma_wait3A_653 = arith.constant 128 : i32
    %dma_wait3A_654 = tpu.memref_slice %arg13[%dma_wait3A_653] : memref<256xi32, #tpu.memory_space<vmem>> -> memref<128xi32, #tpu.memory_space<vmem>>
    %dma_wait3A_655 = tpu.memref_slice %arg3[%mul3A_306] : memref<8388608xf32, #tpu.memory_space<hbm>> -> memref<16384xf32, #tpu.memory_space<hbm>>
    %dma_wait3A_656 = arith.constant 0 : i32
    %dma_wait3A_657 = tpu.memref_slice %dma_wait3A_655[%dma_wait3A_656] : memref<16384xf32, #tpu.memory_space<hbm>> -> memref<16384xf32, #tpu.memory_space<hbm>>
    tpu.wait_indirect_dma semaphore(%arg23 : memref<!tpu.dma_semaphore, #tpu.memory_space<semaphore_mem>>) src(%dma_wait3A_657 : memref<16384xf32, #tpu.memory_space<hbm>>) dst(%dma_wait3A_652 : memref<128xf32, #tpu.memory_space<vmem>>)
    %dma_wait3A_658 = arith.constant 1792 : i32
    %dma_wait3A_659 = tpu.memref_slice %arg19[%dma_wait3A_658] : memref<2048xf32, #tpu.memory_space<vmem>> -> memref<128xf32, #tpu.memory_space<vmem>>
    %dma_wait3A_660 = arith.constant 128 : i32
    %dma_wait3A_661 = tpu.memref_slice %arg12[%dma_wait3A_660] : memref<256xi32, #tpu.memory_space<vmem>> -> memref<128xi32, #tpu.memory_space<vmem>>
    %dma_wait3A_662 = tpu.memref_slice %arg2[%mul3A_328] : memref<8388608xf32, #tpu.memory_space<hbm>> -> memref<16384xf32, #tpu.memory_space<hbm>>
    %dma_wait3A_663 = arith.constant 0 : i32
    %dma_wait3A_664 = tpu.memref_slice %dma_wait3A_662[%dma_wait3A_663] : memref<16384xf32, #tpu.memory_space<hbm>> -> memref<16384xf32, #tpu.memory_space<hbm>>
    tpu.wait_indirect_dma semaphore(%arg23 : memref<!tpu.dma_semaphore, #tpu.memory_space<semaphore_mem>>) src(%dma_wait3A_664 : memref<16384xf32, #tpu.memory_space<hbm>>) dst(%dma_wait3A_659 : memref<128xf32, #tpu.memory_space<vmem>>)
    %dma_wait3A_665 = arith.constant 1792 : i32
    %dma_wait3A_666 = tpu.memref_slice %arg20[%dma_wait3A_665] : memref<2048xf32, #tpu.memory_space<vmem>> -> memref<128xf32, #tpu.memory_space<vmem>>
    %dma_wait3A_667 = arith.constant 128 : i32
    %dma_wait3A_668 = tpu.memref_slice %arg13[%dma_wait3A_667] : memref<256xi32, #tpu.memory_space<vmem>> -> memref<128xi32, #tpu.memory_space<vmem>>
    %dma_wait3A_669 = tpu.memref_slice %arg3[%mul3A_328] : memref<8388608xf32, #tpu.memory_space<hbm>> -> memref<16384xf32, #tpu.memory_space<hbm>>
    %dma_wait3A_670 = arith.constant 0 : i32
    %dma_wait3A_671 = tpu.memref_slice %dma_wait3A_669[%dma_wait3A_670] : memref<16384xf32, #tpu.memory_space<hbm>> -> memref<16384xf32, #tpu.memory_space<hbm>>
    tpu.wait_indirect_dma semaphore(%arg23 : memref<!tpu.dma_semaphore, #tpu.memory_space<semaphore_mem>>) src(%dma_wait3A_671 : memref<16384xf32, #tpu.memory_space<hbm>>) dst(%dma_wait3A_666 : memref<128xf32, #tpu.memory_space<vmem>>)
    %dma_wait3A_672 = arith.constant 1920 : i32
    %dma_wait3A_673 = tpu.memref_slice %arg19[%dma_wait3A_672] : memref<2048xf32, #tpu.memory_space<vmem>> -> memref<128xf32, #tpu.memory_space<vmem>>
    %dma_wait3A_674 = arith.constant 128 : i32
    %dma_wait3A_675 = tpu.memref_slice %arg12[%dma_wait3A_674] : memref<256xi32, #tpu.memory_space<vmem>> -> memref<128xi32, #tpu.memory_space<vmem>>
    %dma_wait3A_676 = tpu.memref_slice %arg2[%mul3A_350] : memref<8388608xf32, #tpu.memory_space<hbm>> -> memref<16384xf32, #tpu.memory_space<hbm>>
    %dma_wait3A_677 = arith.constant 0 : i32
    %dma_wait3A_678 = tpu.memref_slice %dma_wait3A_676[%dma_wait3A_677] : memref<16384xf32, #tpu.memory_space<hbm>> -> memref<16384xf32, #tpu.memory_space<hbm>>
    tpu.wait_indirect_dma semaphore(%arg23 : memref<!tpu.dma_semaphore, #tpu.memory_space<semaphore_mem>>) src(%dma_wait3A_678 : memref<16384xf32, #tpu.memory_space<hbm>>) dst(%dma_wait3A_673 : memref<128xf32, #tpu.memory_space<vmem>>)
    %dma_wait3A_679 = arith.constant 1920 : i32
    %dma_wait3A_680 = tpu.memref_slice %arg20[%dma_wait3A_679] : memref<2048xf32, #tpu.memory_space<vmem>> -> memref<128xf32, #tpu.memory_space<vmem>>
    %dma_wait3A_681 = arith.constant 128 : i32
    %dma_wait3A_682 = tpu.memref_slice %arg13[%dma_wait3A_681] : memref<256xi32, #tpu.memory_space<vmem>> -> memref<128xi32, #tpu.memory_space<vmem>>
    %dma_wait3A_683 = tpu.memref_slice %arg3[%mul3A_350] : memref<8388608xf32, #tpu.memory_space<hbm>> -> memref<16384xf32, #tpu.memory_space<hbm>>
    %dma_wait3A_684 = arith.constant 0 : i32
    %dma_wait3A_685 = tpu.memref_slice %dma_wait3A_683[%dma_wait3A_684] : memref<16384xf32, #tpu.memory_space<hbm>> -> memref<16384xf32, #tpu.memory_space<hbm>>
    tpu.wait_indirect_dma semaphore(%arg23 : memref<!tpu.dma_semaphore, #tpu.memory_space<semaphore_mem>>) src(%dma_wait3A_685 : memref<16384xf32, #tpu.memory_space<hbm>>) dst(%dma_wait3A_680 : memref<128xf32, #tpu.memory_space<vmem>>)
    %scan3A_686 = arith.constant 0 : i32
    %scan3A_687 = arith.constant 64 : i32
    %scan3A_688 = arith.addi %scan3A_686, %scan3A_687 : i32
    %scan3A_689 = arith.constant 2 : i32
    %scan3A_690:4 = scf.for %scan3A_736 = %scan3A_686 to %scan3A_688 step %scan3A_689 iter_args(%scan3A_737 = %scan3A_572#0, %scan3A_738 = %scan3A_572#1, %scan3A_739 = %scan3A_572#2, %scan3A_740 = %scan3A_572#3) -> (vector<16xf32>, vector<16xf32>, vector<16xf32>, vector<16xf32>)  : i32 {
      %mul3A_741 = arith.constant 1 : i32
      %mul3A_742 = arith.muli %scan3A_736, %mul3A_741 : i32
      %add3A_743 = arith.constant 64 : i32
      %add3A_744 = arith.addi %add3A_743, %mul3A_742 : i32
      %shift_right_arithmetic3A_745 = arith.constant 6 : i32
      %shift_right_arithmetic3A_746 = arith.shrsi %add3A_744, %shift_right_arithmetic3A_745 : i32
      %shift_right_arithmetic3A_747 = arith.constant 3 : i32
      %shift_right_arithmetic3A_748 = arith.shrsi %add3A_744, %shift_right_arithmetic3A_747 : i32
      %and3A_749 = arith.constant 7 : i32
      %and3A_750 = arith.andi %shift_right_arithmetic3A_748, %and3A_749 : i32
      %and3A_751 = arith.constant 7 : i32
      %and3A_752 = arith.andi %add3A_744, %and3A_751 : i32
      %mul3A_753 = arith.constant 16 : i32
      %mul3A_754 = arith.muli %and3A_752, %mul3A_753 : i32
      %mul3A_755 = arith.constant 128 : i32
      %mul3A_756 = arith.muli %shift_right_arithmetic3A_746, %mul3A_755 : i32
      %add3A_757 = arith.addi %mul3A_756, %mul3A_754 : i32
      %get3A = arith.index_cast %add3A_757 : i32 to index
      %get3A_758 = tpu.vector_load %arg15[%get3A] {strides = array<i32>} : memref<256xi32, #tpu.memory_space<vmem>>, vector<16xi32>,
      %convert_element_type3A = arith.sitofp %get3A_758 : vector<16xi32> to vector<16xf32>
      %get3A_759 = arith.index_cast %add3A_757 : i32 to index
      %get3A_760 = tpu.vector_load %arg16[%get3A_759] {strides = array<i32>} : memref<256xi32, #tpu.memory_space<vmem>>, vector<16xi32>,
      %mul3A_761 = arith.constant 4 : i32
      %mul3A_762 = arith.muli %mul3A_761, %mul3A_754 : i32
      %shift_right_arithmetic3A_763 = arith.constant 7 : i32
      %shift_right_arithmetic3A_764 = arith.shrsi %mul3A_762, %shift_right_arithmetic3A_763 : i32
      %mul3A_765 = arith.constant 256 : i32
      %mul3A_766 = arith.muli %shift_right_arithmetic3A_764, %mul3A_765 : i32
      %mul3A_767 = arith.constant 128 : i32
      %mul3A_768 = arith.muli %shift_right_arithmetic3A_746, %mul3A_767 : i32
      %add3A_769 = arith.addi %mul3A_766, %mul3A_768 : i32
      %mul3A_770 = arith.constant 4 : i32
      %mul3A_771 = arith.muli %mul3A_770, %mul3A_754 : i32
      %and3A_772 = arith.constant 127 : i32
      %and3A_773 = arith.andi %mul3A_771, %and3A_772 : i32
      %add3A_774 = arith.addi %add3A_769, %and3A_773 : i32
      %shift_right_arithmetic3A_775 = arith.constant 1 : i32
      %shift_right_arithmetic3A_776 = arith.shrsi %and3A_750, %shift_right_arithmetic3A_775 : i32
      %add3A_777 = arith.addi %add3A_774, %shift_right_arithmetic3A_776 : i32
      %mul3A_778 = arith.constant 4 : i32
      %mul3A_779 = vector.broadcast %mul3A_778 : i32 to vector<16xi32>
      %mul3A_780 = arith.muli %mul3A_779, %iota3A : vector<16xi32>
      %add3A_781 = vector.broadcast %add3A_777 : i32 to vector<16xi32>
      %add3A_782 = arith.addi %add3A_781, %mul3A_780 : vector<16xi32>
      %gather3A = tpu.vector_load_idx %arg14[%add3A_782] : memref<1024xi32, #tpu.memory_space<vmem>>[vector<16xi32>], vector<16xi32>,
      %mul3A_783 = arith.constant 2 : i32
      %mul3A_784 = vector.broadcast %mul3A_783 : i32 to vector<16xi32>
      %mul3A_785 = arith.muli %mul3A_784, %gather3A : vector<16xi32>
      %and3A_786 = arith.constant 1 : i32
      %and3A_787 = arith.andi %and3A_750, %and3A_786 : i32
      %add3A_788 = vector.broadcast %and3A_787 : i32 to vector<16xi32>
      %add3A_789 = arith.addi %mul3A_785, %add3A_788 : vector<16xi32>
      %mul3A_790 = arith.constant 1024 : i32
      %mul3A_791 = arith.muli %shift_right_arithmetic3A_746, %mul3A_790 : i32
      %and3A_792 = arith.constant 7 : i32
      %and3A_793 = vector.broadcast %and3A_792 : i32 to vector<16xi32>
      %and3A_794 = arith.andi %add3A_789, %and3A_793 : vector<16xi32>
      %mul3A_795 = arith.constant 128 : i32
      %mul3A_796 = vector.broadcast %mul3A_795 : i32 to vector<16xi32>
      %mul3A_797 = arith.muli %and3A_794, %mul3A_796 : vector<16xi32>
      %add3A_798 = vector.broadcast %mul3A_791 : i32 to vector<16xi32>
      %add3A_799 = arith.addi %add3A_798, %mul3A_797 : vector<16xi32>
      %shift_right_arithmetic3A_800 = arith.constant 3 : i32
      %shift_right_arithmetic3A_801 = vector.broadcast %shift_right_arithmetic3A_800 : i32 to vector<16xi32>
      %shift_right_arithmetic3A_802 = arith.shrsi %add3A_789, %shift_right_arithmetic3A_801 : vector<16xi32>
      %add3A_803 = arith.addi %add3A_799, %shift_right_arithmetic3A_802 : vector<16xi32>
      %gather3A_804 = tpu.vector_load_idx %arg20[%add3A_803] : memref<2048xf32, #tpu.memory_space<vmem>>[vector<16xi32>], vector<16xf32>,
      %gather3A_805 = tpu.vector_load_idx %arg18[%add3A_803] : memref<2048xf32, #tpu.memory_space<vmem>>[vector<16xi32>], vector<16xf32>,
      %mul3A_806 = arith.constant 16 : i32
      %mul3A_807 = arith.muli %add3A_744, %mul3A_806 : i32
      %get3A_808 = arith.index_cast %mul3A_807 : i32 to index
      %get3A_809 = tpu.vector_load %arg19[%get3A_808] {strides = array<i32>} : memref<2048xf32, #tpu.memory_space<vmem>>, vector<16xf32>,
      %get3A_810 = arith.index_cast %mul3A_807 : i32 to index
      %get3A_811 = tpu.vector_load %arg17[%get3A_810] {strides = array<i32>} : memref<2048xf32, #tpu.memory_space<vmem>>, vector<16xf32>,
      %get3A_812 = arith.index_cast %mul3A_807 : i32 to index
      %get3A_813 = tpu.vector_load %arg20[%get3A_812] {strides = array<i32>} : memref<2048xf32, #tpu.memory_space<vmem>>, vector<16xf32>,
      %get3A_814 = arith.index_cast %mul3A_807 : i32 to index
      %get3A_815 = tpu.vector_load %arg18[%get3A_814] {strides = array<i32>} : memref<2048xf32, #tpu.memory_space<vmem>>, vector<16xf32>,
      %sub3A = arith.subf %get3A_809, %get3A_811 : vector<16xf32>
      %abs3A = math.absf %sub3A : vector<16xf32>
      %sub3A_816 = arith.subf %gather3A_804, %gather3A_805 : vector<16xf32>
      %abs3A_817 = math.absf %sub3A_816 : vector<16xf32>
      %add3A_818 = arith.addf %abs3A, %abs3A_817 : vector<16xf32>
      %abs3A_819 = math.absf %get3A_811 : vector<16xf32>
      %add3A_820 = arith.constant 9.99999974E-5 : f32
      %add3A_821 = vector.broadcast %add3A_820 : f32 to vector<16xf32>
      %add3A_822 = arith.addf %abs3A_819, %add3A_821 : vector<16xf32>
      %div3A = arith.divf %add3A_818, %add3A_822 : vector<16xf32>
      %mul3A_823 = arith.mulf %div3A, %div3A : vector<16xf32>
      %gt3A = arith.constant 1.000000e+00 : f32
      %gt3A_824 = vector.broadcast %gt3A : f32 to vector<16xf32>
      %gt3A_825 = arith.cmpf ogt, %mul3A_823, %gt3A_824 : vector<16xf32>
      %jit3A_826 = arith.constant 0.000000e+00 : f32
      %jit3A_827 = arith.constant 1.000000e+00 : f32
      %broadcast_in_dim3A_828 = vector.broadcast %jit3A_826 : f32 to vector<16xf32>
      %broadcast_in_dim3A_829 = vector.broadcast %jit3A_827 : f32 to vector<16xf32>
      %select_n3A_830 = arith.select %gt3A_825, %broadcast_in_dim3A_828, %broadcast_in_dim3A_829 : vector<16xi1>, vector<16xf32>
      %mul3A_831 = arith.mulf %mul3A_823, %select_n3A_830 : vector<16xf32>
      %sub3A_832 = arith.constant 1.000000e+00 : f32
      %sub3A_833 = vector.broadcast %sub3A_832 : f32 to vector<16xf32>
      %sub3A_834 = arith.subf %sub3A_833, %select_n3A_830 : vector<16xf32>
      %add3A_835 = arith.addf %mul3A_831, %sub3A_834 : vector<16xf32>
      %mul3A_836 = arith.constant -3.140000e+00 : f32
      %mul3A_837 = vector.broadcast %mul3A_836 : f32 to vector<16xf32>
      %mul3A_838 = arith.mulf %mul3A_837, %add3A_835 : vector<16xf32>
      %exp3A = math.exp %mul3A_838 : vector<16xf32>
      %sub3A_839 = arith.constant 1.000000e+00 : f32
      %sub3A_840 = vector.broadcast %sub3A_839 : f32 to vector<16xf32>
      %sub3A_841 = arith.subf %sub3A_840, %exp3A : vector<16xf32>
      %mul3A_842 = arith.mulf %convert_element_type3A, %sub3A_841 : vector<16xf32>
      %mul3A_843 = arith.mulf %get3A_809, %mul3A_842 : vector<16xf32>
      %mul3A_844 = arith.mulf %get3A_811, %mul3A_842 : vector<16xf32>
      %sub3A_845 = arith.subf %mul3A_843, %mul3A_844 : vector<16xf32>
      %abs3A_846 = math.absf %sub3A_845 : vector<16xf32>
      %add3A_847 = arith.addf %scan3A_737, %abs3A_846 : vector<16xf32>
      %mul3A_848 = arith.mulf %gather3A_804, %mul3A_842 : vector<16xf32>
      %mul3A_849 = arith.mulf %gather3A_805, %mul3A_842 : vector<16xf32>
      %sub3A_850 = arith.subf %mul3A_848, %mul3A_849 : vector<16xf32>
      %abs3A_851 = math.absf %sub3A_850 : vector<16xf32>
      %add3A_852 = arith.addf %scan3A_738, %abs3A_851 : vector<16xf32>
      %eq3A_853 = arith.constant 0.000000e+00 : f32
      %eq3A_854 = vector.broadcast %eq3A_853 : f32 to vector<16xf32>
      %eq3A_855 = arith.cmpf oeq, %get3A_815, %eq3A_854 : vector<16xf32>
      %convert_element_type3A_856 = arith.extui %eq3A_855 : vector<16xi1> to vector<16xi32>
      %eq3A_857 = arith.cmpi eq, %convert_element_type3A_856, %get3A_760 : vector<16xi32>
      %jit3A_858 = arith.constant 1.000000e+00 : f32
      %jit3A_859 = arith.constant 0.000000e+00 : f32
      %broadcast_in_dim3A_860 = vector.broadcast %jit3A_858 : f32 to vector<16xf32>
      %broadcast_in_dim3A_861 = vector.broadcast %jit3A_859 : f32 to vector<16xf32>
      %select_n3A_862 = arith.select %eq3A_857, %broadcast_in_dim3A_860, %broadcast_in_dim3A_861 : vector<16xi1>, vector<16xf32>
      %mul3A_863 = arith.mulf %get3A_813, %select_n3A_862 : vector<16xf32>
      %mul3A_864 = arith.mulf %get3A_815, %select_n3A_862 : vector<16xf32>
      %sub3A_865 = arith.subf %mul3A_863, %mul3A_864 : vector<16xf32>
      %abs3A_866 = math.absf %sub3A_865 : vector<16xf32>
      %add3A_867 = arith.addf %scan3A_739, %abs3A_866 : vector<16xf32>
      %add3A_868 = arith.addf %scan3A_740, %convert_element_type3A : vector<16xf32>
      %scan3A_869 = arith.constant 1 : i32
      %scan3A_870 = arith.addi %scan3A_736, %scan3A_869 : i32
      %mul3A_871 = arith.constant 1 : i32
      %mul3A_872 = arith.muli %scan3A_870, %mul3A_871 : i32
      %add3A_873 = arith.constant 64 : i32
      %add3A_874 = arith.addi %add3A_873, %mul3A_872 : i32
      %shift_right_arithmetic3A_875 = arith.constant 6 : i32
      %shift_right_arithmetic3A_876 = arith.shrsi %add3A_874, %shift_right_arithmetic3A_875 : i32
      %shift_right_arithmetic3A_877 = arith.constant 3 : i32
      %shift_right_arithmetic3A_878 = arith.shrsi %add3A_874, %shift_right_arithmetic3A_877 : i32
      %and3A_879 = arith.constant 7 : i32
      %and3A_880 = arith.andi %shift_right_arithmetic3A_878, %and3A_879 : i32
      %and3A_881 = arith.constant 7 : i32
      %and3A_882 = arith.andi %add3A_874, %and3A_881 : i32
      %mul3A_883 = arith.constant 16 : i32
      %mul3A_884 = arith.muli %and3A_882, %mul3A_883 : i32
      %mul3A_885 = arith.constant 128 : i32
      %mul3A_886 = arith.muli %shift_right_arithmetic3A_876, %mul3A_885 : i32
      %add3A_887 = arith.addi %mul3A_886, %mul3A_884 : i32
      %get3A_888 = arith.index_cast %add3A_887 : i32 to index
      %get3A_889 = tpu.vector_load %arg15[%get3A_888] {strides = array<i32>} : memref<256xi32, #tpu.memory_space<vmem>>, vector<16xi32>,
      %convert_element_type3A_890 = arith.sitofp %get3A_889 : vector<16xi32> to vector<16xf32>
      %get3A_891 = arith.index_cast %add3A_887 : i32 to index
      %get3A_892 = tpu.vector_load %arg16[%get3A_891] {strides = array<i32>} : memref<256xi32, #tpu.memory_space<vmem>>, vector<16xi32>,
      %mul3A_893 = arith.constant 4 : i32
      %mul3A_894 = arith.muli %mul3A_893, %mul3A_884 : i32
      %shift_right_arithmetic3A_895 = arith.constant 7 : i32
      %shift_right_arithmetic3A_896 = arith.shrsi %mul3A_894, %shift_right_arithmetic3A_895 : i32
      %mul3A_897 = arith.constant 256 : i32
      %mul3A_898 = arith.muli %shift_right_arithmetic3A_896, %mul3A_897 : i32
      %mul3A_899 = arith.constant 128 : i32
      %mul3A_900 = arith.muli %shift_right_arithmetic3A_876, %mul3A_899 : i32
      %add3A_901 = arith.addi %mul3A_898, %mul3A_900 : i32
      %mul3A_902 = arith.constant 4 : i32
      %mul3A_903 = arith.muli %mul3A_902, %mul3A_884 : i32
      %and3A_904 = arith.constant 127 : i32
      %and3A_905 = arith.andi %mul3A_903, %and3A_904 : i32
      %add3A_906 = arith.addi %add3A_901, %and3A_905 : i32
      %shift_right_arithmetic3A_907 = arith.constant 1 : i32
      %shift_right_arithmetic3A_908 = arith.shrsi %and3A_880, %shift_right_arithmetic3A_907 : i32
      %add3A_909 = arith.addi %add3A_906, %shift_right_arithmetic3A_908 : i32
      %mul3A_910 = arith.constant 4 : i32
      %mul3A_911 = vector.broadcast %mul3A_910 : i32 to vector<16xi32>
      %mul3A_912 = arith.muli %mul3A_911, %iota3A : vector<16xi32>
      %add3A_913 = vector.broadcast %add3A_909 : i32 to vector<16xi32>
      %add3A_914 = arith.addi %add3A_913, %mul3A_912 : vector<16xi32>
      %gather3A_915 = tpu.vector_load_idx %arg14[%add3A_914] : memref<1024xi32, #tpu.memory_space<vmem>>[vector<16xi32>], vector<16xi32>,
      %mul3A_916 = arith.constant 2 : i32
      %mul3A_917 = vector.broadcast %mul3A_916 : i32 to vector<16xi32>
      %mul3A_918 = arith.muli %mul3A_917, %gather3A_915 : vector<16xi32>
      %and3A_919 = arith.constant 1 : i32
      %and3A_920 = arith.andi %and3A_880, %and3A_919 : i32
      %add3A_921 = vector.broadcast %and3A_920 : i32 to vector<16xi32>
      %add3A_922 = arith.addi %mul3A_918, %add3A_921 : vector<16xi32>
      %mul3A_923 = arith.constant 1024 : i32
      %mul3A_924 = arith.muli %shift_right_arithmetic3A_876, %mul3A_923 : i32
      %and3A_925 = arith.constant 7 : i32
      %and3A_926 = vector.broadcast %and3A_925 : i32 to vector<16xi32>
      %and3A_927 = arith.andi %add3A_922, %and3A_926 : vector<16xi32>
      %mul3A_928 = arith.constant 128 : i32
      %mul3A_929 = vector.broadcast %mul3A_928 : i32 to vector<16xi32>
      %mul3A_930 = arith.muli %and3A_927, %mul3A_929 : vector<16xi32>
      %add3A_931 = vector.broadcast %mul3A_924 : i32 to vector<16xi32>
      %add3A_932 = arith.addi %add3A_931, %mul3A_930 : vector<16xi32>
      %shift_right_arithmetic3A_933 = arith.constant 3 : i32
      %shift_right_arithmetic3A_934 = vector.broadcast %shift_right_arithmetic3A_933 : i32 to vector<16xi32>
      %shift_right_arithmetic3A_935 = arith.shrsi %add3A_922, %shift_right_arithmetic3A_934 : vector<16xi32>
      %add3A_936 = arith.addi %add3A_932, %shift_right_arithmetic3A_935 : vector<16xi32>
      %gather3A_937 = tpu.vector_load_idx %arg20[%add3A_936] : memref<2048xf32, #tpu.memory_space<vmem>>[vector<16xi32>], vector<16xf32>,
      %gather3A_938 = tpu.vector_load_idx %arg18[%add3A_936] : memref<2048xf32, #tpu.memory_space<vmem>>[vector<16xi32>], vector<16xf32>,
      %mul3A_939 = arith.constant 16 : i32
      %mul3A_940 = arith.muli %add3A_874, %mul3A_939 : i32
      %get3A_941 = arith.index_cast %mul3A_940 : i32 to index
      %get3A_942 = tpu.vector_load %arg19[%get3A_941] {strides = array<i32>} : memref<2048xf32, #tpu.memory_space<vmem>>, vector<16xf32>,
      %get3A_943 = arith.index_cast %mul3A_940 : i32 to index
      %get3A_944 = tpu.vector_load %arg17[%get3A_943] {strides = array<i32>} : memref<2048xf32, #tpu.memory_space<vmem>>, vector<16xf32>,
      %get3A_945 = arith.index_cast %mul3A_940 : i32 to index
      %get3A_946 = tpu.vector_load %arg20[%get3A_945] {strides = array<i32>} : memref<2048xf32, #tpu.memory_space<vmem>>, vector<16xf32>,
      %get3A_947 = arith.index_cast %mul3A_940 : i32 to index
      %get3A_948 = tpu.vector_load %arg18[%get3A_947] {strides = array<i32>} : memref<2048xf32, #tpu.memory_space<vmem>>, vector<16xf32>,
      %sub3A_949 = arith.subf %get3A_942, %get3A_944 : vector<16xf32>
      %abs3A_950 = math.absf %sub3A_949 : vector<16xf32>
      %sub3A_951 = arith.subf %gather3A_937, %gather3A_938 : vector<16xf32>
      %abs3A_952 = math.absf %sub3A_951 : vector<16xf32>
      %add3A_953 = arith.addf %abs3A_950, %abs3A_952 : vector<16xf32>
      %abs3A_954 = math.absf %get3A_944 : vector<16xf32>
      %add3A_955 = arith.constant 9.99999974E-5 : f32
      %add3A_956 = vector.broadcast %add3A_955 : f32 to vector<16xf32>
      %add3A_957 = arith.addf %abs3A_954, %add3A_956 : vector<16xf32>
      %div3A_958 = arith.divf %add3A_953, %add3A_957 : vector<16xf32>
      %mul3A_959 = arith.mulf %div3A_958, %div3A_958 : vector<16xf32>
      %gt3A_960 = arith.constant 1.000000e+00 : f32
      %gt3A_961 = vector.broadcast %gt3A_960 : f32 to vector<16xf32>
      %gt3A_962 = arith.cmpf ogt, %mul3A_959, %gt3A_961 : vector<16xf32>
      %jit3A_963 = arith.constant 0.000000e+00 : f32
      %jit3A_964 = arith.constant 1.000000e+00 : f32
      %broadcast_in_dim3A_965 = vector.broadcast %jit3A_963 : f32 to vector<16xf32>
      %broadcast_in_dim3A_966 = vector.broadcast %jit3A_964 : f32 to vector<16xf32>
      %select_n3A_967 = arith.select %gt3A_962, %broadcast_in_dim3A_965, %broadcast_in_dim3A_966 : vector<16xi1>, vector<16xf32>
      %mul3A_968 = arith.mulf %mul3A_959, %select_n3A_967 : vector<16xf32>
      %sub3A_969 = arith.constant 1.000000e+00 : f32
      %sub3A_970 = vector.broadcast %sub3A_969 : f32 to vector<16xf32>
      %sub3A_971 = arith.subf %sub3A_970, %select_n3A_967 : vector<16xf32>
      %add3A_972 = arith.addf %mul3A_968, %sub3A_971 : vector<16xf32>
      %mul3A_973 = arith.constant -3.140000e+00 : f32
      %mul3A_974 = vector.broadcast %mul3A_973 : f32 to vector<16xf32>
      %mul3A_975 = arith.mulf %mul3A_974, %add3A_972 : vector<16xf32>
      %exp3A_976 = math.exp %mul3A_975 : vector<16xf32>
      %sub3A_977 = arith.constant 1.000000e+00 : f32
      %sub3A_978 = vector.broadcast %sub3A_977 : f32 to vector<16xf32>
      %sub3A_979 = arith.subf %sub3A_978, %exp3A_976 : vector<16xf32>
      %mul3A_980 = arith.mulf %convert_element_type3A_890, %sub3A_979 : vector<16xf32>
      %mul3A_981 = arith.mulf %get3A_942, %mul3A_980 : vector<16xf32>
      %mul3A_982 = arith.mulf %get3A_944, %mul3A_980 : vector<16xf32>
      %sub3A_983 = arith.subf %mul3A_981, %mul3A_982 : vector<16xf32>
      %abs3A_984 = math.absf %sub3A_983 : vector<16xf32>
      %add3A_985 = arith.addf %add3A_847, %abs3A_984 : vector<16xf32>
      %mul3A_986 = arith.mulf %gather3A_937, %mul3A_980 : vector<16xf32>
      %mul3A_987 = arith.mulf %gather3A_938, %mul3A_980 : vector<16xf32>
      %sub3A_988 = arith.subf %mul3A_986, %mul3A_987 : vector<16xf32>
      %abs3A_989 = math.absf %sub3A_988 : vector<16xf32>
      %add3A_990 = arith.addf %add3A_852, %abs3A_989 : vector<16xf32>
      %eq3A_991 = arith.constant 0.000000e+00 : f32
      %eq3A_992 = vector.broadcast %eq3A_991 : f32 to vector<16xf32>
      %eq3A_993 = arith.cmpf oeq, %get3A_948, %eq3A_992 : vector<16xf32>
      %convert_element_type3A_994 = arith.extui %eq3A_993 : vector<16xi1> to vector<16xi32>
      %eq3A_995 = arith.cmpi eq, %convert_element_type3A_994, %get3A_892 : vector<16xi32>
      %jit3A_996 = arith.constant 1.000000e+00 : f32
      %jit3A_997 = arith.constant 0.000000e+00 : f32
      %broadcast_in_dim3A_998 = vector.broadcast %jit3A_996 : f32 to vector<16xf32>
      %broadcast_in_dim3A_999 = vector.broadcast %jit3A_997 : f32 to vector<16xf32>
      %select_n3A_1000 = arith.select %eq3A_995, %broadcast_in_dim3A_998, %broadcast_in_dim3A_999 : vector<16xi1>, vector<16xf32>
      %mul3A_1001 = arith.mulf %get3A_946, %select_n3A_1000 : vector<16xf32>
      %mul3A_1002 = arith.mulf %get3A_948, %select_n3A_1000 : vector<16xf32>
      %sub3A_1003 = arith.subf %mul3A_1001, %mul3A_1002 : vector<16xf32>
      %abs3A_1004 = math.absf %sub3A_1003 : vector<16xf32>
      %add3A_1005 = arith.addf %add3A_867, %abs3A_1004 : vector<16xf32>
      %add3A_1006 = arith.addf %add3A_868, %convert_element_type3A_890 : vector<16xf32>
      scf.yield %add3A_985, %add3A_990, %add3A_1005, %add3A_1006 : vector<16xf32>, vector<16xf32>, vector<16xf32>, vector<16xf32>
    }
    %scan3A_691 = arith.constant 64 : i32
    %reduce_sum3A = arith.constant true
    %reduce_sum3A_692 = vector.broadcast %reduce_sum3A : i1 to vector<16xi1>
    %reduce_sum3A_693 = tpu.scan <sum>, %scan3A_690#0 masked %reduce_sum3A_692 : vector<16xf32>, vector<16xi1> -> vector<16xf32>
    %reduce_sum3A_694 = vector.extract %reduce_sum3A_693[15] : f32 from vector<16xf32>
    %reduce_sum3A_695 = arith.constant true
    %reduce_sum3A_696 = vector.broadcast %reduce_sum3A_695 : i1 to vector<16xi1>
    %reduce_sum3A_697 = tpu.scan <sum>, %scan3A_690#1 masked %reduce_sum3A_696 : vector<16xf32>, vector<16xi1> -> vector<16xf32>
    %reduce_sum3A_698 = vector.extract %reduce_sum3A_697[15] : f32 from vector<16xf32>
    %reduce_sum3A_699 = arith.constant true
    %reduce_sum3A_700 = vector.broadcast %reduce_sum3A_699 : i1 to vector<16xi1>
    %reduce_sum3A_701 = tpu.scan <sum>, %scan3A_690#2 masked %reduce_sum3A_700 : vector<16xf32>, vector<16xi1> -> vector<16xf32>
    %reduce_sum3A_702 = vector.extract %reduce_sum3A_701[15] : f32 from vector<16xf32>
    %reduce_sum3A_703 = arith.constant true
    %reduce_sum3A_704 = vector.broadcast %reduce_sum3A_703 : i1 to vector<16xi1>
    %reduce_sum3A_705 = tpu.scan <sum>, %scan3A_690#3 masked %reduce_sum3A_704 : vector<16xf32>, vector<16xi1> -> vector<16xf32>
    %reduce_sum3A_706 = vector.extract %reduce_sum3A_705[15] : f32 from vector<16xf32>
    %eq3A = arith.constant 0 : i32
    %eq3A_707 = vector.broadcast %eq3A : i32 to vector<16xi32>
    %eq3A_708 = arith.cmpi eq, %iota3A, %eq3A_707 : vector<16xi32>
    %jit3A = arith.constant 0.000000e+00 : f32
    %broadcast_in_dim3A_709 = vector.broadcast %reduce_sum3A_694 : f32 to vector<16xf32>
    %broadcast_in_dim3A_710 = vector.broadcast %jit3A : f32 to vector<16xf32>
    %select_n3A = arith.select %eq3A_708, %broadcast_in_dim3A_709, %broadcast_in_dim3A_710 : vector<16xi1>, vector<16xf32>
    %eq3A_711 = arith.constant 1 : i32
    %eq3A_712 = vector.broadcast %eq3A_711 : i32 to vector<16xi32>
    %eq3A_713 = arith.cmpi eq, %iota3A, %eq3A_712 : vector<16xi32>
    %jit3A_714 = arith.constant 0.000000e+00 : f32
    %broadcast_in_dim3A_715 = vector.broadcast %reduce_sum3A_698 : f32 to vector<16xf32>
    %broadcast_in_dim3A_716 = vector.broadcast %jit3A_714 : f32 to vector<16xf32>
    %select_n3A_717 = arith.select %eq3A_713, %broadcast_in_dim3A_715, %broadcast_in_dim3A_716 : vector<16xi1>, vector<16xf32>
    %add3A_718 = arith.addf %select_n3A, %select_n3A_717 : vector<16xf32>
    %eq3A_719 = arith.constant 2 : i32
    %eq3A_720 = vector.broadcast %eq3A_719 : i32 to vector<16xi32>
    %eq3A_721 = arith.cmpi eq, %iota3A, %eq3A_720 : vector<16xi32>
    %jit3A_722 = arith.constant 0.000000e+00 : f32
    %broadcast_in_dim3A_723 = vector.broadcast %reduce_sum3A_702 : f32 to vector<16xf32>
    %broadcast_in_dim3A_724 = vector.broadcast %jit3A_722 : f32 to vector<16xf32>
    %select_n3A_725 = arith.select %eq3A_721, %broadcast_in_dim3A_723, %broadcast_in_dim3A_724 : vector<16xi1>, vector<16xf32>
    %add3A_726 = arith.addf %add3A_718, %select_n3A_725 : vector<16xf32>
    %eq3A_727 = arith.constant 3 : i32
    %eq3A_728 = vector.broadcast %eq3A_727 : i32 to vector<16xi32>
    %eq3A_729 = arith.cmpi eq, %iota3A, %eq3A_728 : vector<16xi32>
    %jit3A_730 = arith.constant 0.000000e+00 : f32
    %broadcast_in_dim3A_731 = vector.broadcast %reduce_sum3A_706 : f32 to vector<16xf32>
    %broadcast_in_dim3A_732 = vector.broadcast %jit3A_730 : f32 to vector<16xf32>
    %select_n3A_733 = arith.select %eq3A_729, %broadcast_in_dim3A_731, %broadcast_in_dim3A_732 : vector<16xi1>, vector<16xf32>
    %add3A_734 = arith.addf %add3A_726, %select_n3A_733 : vector<16xf32>
    %swap3A = arith.constant 0 : index
    %swap3A_735 = tpu.vector_load %arg21[%swap3A] {strides = array<i32>} : memref<16xf32, #tpu.memory_space<vmem>>, vector<16xf32>,
    tpu.vector_store %arg21[%swap3A], %add3A_734 {strides = array<i32>} : memref<16xf32, #tpu.memory_space<vmem>>, vector<16xf32>,
    "tpu.region"() ({
      %run_scoped3A = tpu.sem_alloc : memref<!tpu.dma_semaphore, #tpu.memory_space<semaphore_mem>>
      %dma_start3A_736 = arith.constant 0 : i32
      %dma_start3A_737 = tpu.memref_slice %arg11[%add3A, %dma_start3A_736] : memref<32x16xf32, #tpu.memory_space<hbm>> -> memref<1x16xf32, #tpu.memory_space<hbm>>
      %dma_start3A_738 = tpu.memref_squeeze %dma_start3A_737 : memref<1x16xf32, #tpu.memory_space<hbm>> -> memref<16xf32, #tpu.memory_space<hbm>>
      %dma_start3A_739 = arith.constant 0 : i32
      %dma_start3A_740 = tpu.memref_slice %arg11[%add3A, %dma_start3A_739] : memref<32x16xf32, #tpu.memory_space<hbm>> -> memref<1x16xf32, #tpu.memory_space<hbm>>
      %dma_start3A_741 = tpu.memref_squeeze %dma_start3A_740 : memref<1x16xf32, #tpu.memory_space<hbm>> -> memref<16xf32, #tpu.memory_space<hbm>>
      tpu.enqueue_dma source(%arg21 : memref<16xf32, #tpu.memory_space<vmem>>) target(%dma_start3A_741 : memref<16xf32, #tpu.memory_space<hbm>>) target_semaphore(%run_scoped3A : memref<!tpu.dma_semaphore, #tpu.memory_space<semaphore_mem>>)
      %dma_wait3A_742 = arith.constant 0 : i32
      %dma_wait3A_743 = tpu.memref_slice %arg11[%add3A, %dma_wait3A_742] : memref<32x16xf32, #tpu.memory_space<hbm>> -> memref<1x16xf32, #tpu.memory_space<hbm>>
      %dma_wait3A_744 = tpu.memref_squeeze %dma_wait3A_743 : memref<1x16xf32, #tpu.memory_space<hbm>> -> memref<16xf32, #tpu.memory_space<hbm>>
      %dma_wait3A_745 = arith.constant 0 : i32
      %dma_wait3A_746 = tpu.memref_slice %arg11[%add3A, %dma_wait3A_745] : memref<32x16xf32, #tpu.memory_space<hbm>> -> memref<1x16xf32, #tpu.memory_space<hbm>>
      %dma_wait3A_747 = tpu.memref_squeeze %dma_wait3A_746 : memref<1x16xf32, #tpu.memory_space<hbm>> -> memref<16xf32, #tpu.memory_space<hbm>>
      tpu.wait_dma2 semaphore(%run_scoped3A : memref<!tpu.dma_semaphore, #tpu.memory_space<semaphore_mem>>) src(%arg21 : memref<16xf32, #tpu.memory_space<vmem>>) dst(%dma_wait3A_747 : memref<16xf32, #tpu.memory_space<hbm>>)
      tpu.yield
    }) : () -> ()
    return
  }
}

</mosaic_0001>

<sc_bundles>
// kernel: kernel.3.cloned.1.call-start
scs
__scs_entry_jumppad:
0x0: {  	(pc) =	sbr.rel $0x88, $3  }
0x1: {  	(tag) =	ssettag $0x0;
	lr =	simm.s32 $0x1  }
0x2: {  	[smem:$0x3F98] =	sst lr;
	_ =	strace $0xD0000000  }
0x3: {  	_ = 	snop  }
0x4: {  	_ = 	snop  }
0x5: {  	_ = 	snop  }
0x6: {  	_ = 	snop  }
0x7: {  	_ = 	snop  }
__scs_overlays_trampoline_lowered:
0x8: {  	[smem:$0x3FA7] =	sst s0  }
0x9: {  	[smem:$0x3FA8] =	sst s1  }
0xa: {  	[smem:$0x3FA9] =	sst s2  }
0xb: {  	[smem:$0x3FAA] =	sst s3  }
0xc: {  	[smem:$0x3FAB] =	sst s4  }
0xd: {  	[smem:$0x3FAC] =	sst s5  }
0xe: {  	[smem:$0x3FAD] =	sst s6  }
0xf: {  	[smem:$0x3FAE] =	sst s7  }
0x10: {  	[smem:$0x3FAF] =	sst s8  }
0x11: {  	[smem:$0x3FB0] =	sst s9;
	s0 =	simm.s32 @!p0 $0x0  }
0x12: {  	s1 =	sld [smem:$0x3F96];
	s0 =	simm.s32 @p0 $0x1  }
0x13: {  	[smem:$0x3FB1] =	sst s0;
	s0 =	simm.s32 @!p1 $0x0  }
0x14: {  	s2 =	sld [smem:$0x3F95];
	s0 =	simm.s32 @p1 $0x1  }
0x15: {  	[smem:$0x3FB2] =	sst s0;
	s0 =	simm.s32 @!p2 $0x0  }
0x16: {  	s3 =	sld [smem:$0x3FDB];
	s0 =	simm.s32 @p2 $0x1  }
0x17: {  	s4 =	simm.s32 $0x1BF5;
	[smem:$0x3FB4] =	sst s0  }
0x18: {  	s0 =	sld [smem:$0x3F97];
	_ =	swait.ge [sflag:s4], $0x0  }
0x19: {  	s7 =	sld [smem:$0x3F98]  }
0x1a: {  	s8 =	sadd.s32 $0xFFFFE003, lr  }
0x1b: {  	s9 =	sadd.s32 $0xFFFFFEF7, lr;
	s5 =	simm.s32 $0xFFFFFFFF;
	p2 =	slt.u32 s8, $0xFFFFF086  }
0x1c: {  	p1 =	slt.u32 s9, $0xF7A;
	s5 =	simm.s32 @!p2 $0x0  }
0x1d: {  	s5 =	simm.s32 @p1 $0x1;
	p0 =	seq.s32 s7, s2  }
0x1e: {  	s7 =	smul.u32 @!p0 $0xF7A, s2;
	p2 =	seq.s32 @!p0 s5, $0x0  }
0x1f: {  	s9 =	smul.u32 $0xF7A, s1;
	s8 =	simm.s32 @!p0 $0x1BF5;
	p2 =	por !p2, p0  }
0x20: {  	[sflag:s8] =	ssyncset.s32 @!p0 $0xFFFFF086;
	s6 =	sadd.s32 @!p0 s3, s7;
	s7 =	simm.s32 @!p0 $0x108  }
0x21: {  	s3 =	sadd.s32 s3, s9;
	s6 =	sadd.s32 @!p0 $0x88, s6;
	s7 =	simm.s32 @p2 $0x1082  }
0x22: {  	[simem:s7], [sflag:s8] =	dma.local @!p0 [hbm:s6], $0xF7A  }
0x23: {  	s9 =	sor.u32 $0xD0000000, s2;
	s6 =	simm.s32 $0x108;
	_ =	swait.ge @!p0 [sflag:s8], $0x0  }
0x24: {  	s3 =	sadd.s32 $0x88, s3;
	s6 =	simm.s32 @!p1 $0x1082;
	[sflag:s4] =	ssyncset.s32 $0xFFFFF086  }
0x25: {  	[simem:s6], [sflag:s4] =	dma.local [hbm:s3], $0xF7A  }
0x26: {  	[smem:$0x3F98] =	sst s1;
	(tag) =	ssettag s2;
	_ =	strace s9  }
0x27: {  	s1 =	sld [smem:$0x3FA8]  }
0x28: {  	s2 =	sld [smem:$0x3FA9]  }
0x29: {  	s4 =	sld [smem:$0x3FAB]  }
0x2a: {  	p0 =	seq.s32 s5, $0x0;
	s5 =	sld [smem:$0x3FAC]  }
0x2b: {  	s6 =	sld [smem:$0x3FAD]  }
0x2c: {  	s7 =	sld [smem:$0x3FAE]  }
0x2d: {  	s3 =	simm.s32 $0x108;
	s8 =	sld [smem:$0x3FAF]  }
0x2e: {  	s3 =	simm.s32 @!p0 $0x1082;
	s9 =	sld [smem:$0x3FB0]  }
0x2f: {  	lr =	sadd.s32 s0, s3;
	s0 =	sld [smem:$0x3FA7]  }
0x30: {  	s3 =	sld [smem:$0x3FAA]  }
0x31: {  	[smem:$0x3FB3] =	sst s10  }
0x32: {  	s10 =	sld [smem:$0x3FB1];
	_ =	sdelay $0x3  }
0x33: {  	p0 =	seq.s32 s10, $0x1;
	s10 =	sld [smem:$0x3FB3];
	_ =	sdelay $0x3  }
0x34: {  	[smem:$0x3FB3] =	sst s10  }
0x35: {  	s10 =	sld [smem:$0x3FB2];
	_ =	sdelay $0x3  }
0x36: {  	p1 =	seq.s32 s10, $0x1;
	s10 =	sld [smem:$0x3FB3];
	_ =	sdelay $0x3  }
0x37: {  	[smem:$0x3FB3] =	sst s10  }
0x38: {  	s10 =	sld [smem:$0x3FB4]  }
0x39: {  	_ = 	snop;
	(pc) =	sbr.ind lr, $3  }
0x3a: {  	_ = 	snop  }
0x3b: {  	_ = 	snop  }
0x3c: {  	p2 =	seq.s32 s10, $0x1;
	s10 =	sld [smem:$0x3FB3]  }
0x3d: {  	_ =	shalt  }
0x3e: {  	_ =	shalt  }
0x3f: {  	_ =	shalt  }
0x40: {  	_ =	shalt  }
0x41: {  	_ =	shalt  }
0x42: {  	_ =	shalt  }
0x43: {  	_ =	shalt  }
0x44: {  	_ =	shalt  }
0x45: {  	_ =	shalt  }
0x46: {  	_ =	shalt  }
0x47: {  	_ =	shalt  }
0x48: {  	_ =	shalt  }
0x49: {  	_ =	shalt  }
0x4a: {  	_ =	shalt  }
0x4b: {  	_ =	shalt  }
0x4c: {  	_ =	shalt  }
0x4d: {  	_ =	shalt  }
0x4e: {  	_ =	shalt  }
0x4f: {  	_ =	shalt  }
0x50: {  	_ =	shalt  }
0x51: {  	_ =	shalt  }
0x52: {  	_ =	shalt  }
0x53: {  	_ =	shalt  }
0x54: {  	_ =	shalt  }
0x55: {  	_ =	shalt  }
0x56: {  	_ =	shalt  }
0x57: {  	_ =	shalt  }
0x58: {  	_ =	shalt  }
0x59: {  	_ =	shalt  }
0x5a: {  	_ =	shalt  }
0x5b: {  	_ =	shalt  }
0x5c: {  	_ =	shalt  }
0x5d: {  	_ =	shalt  }
0x5e: {  	_ =	shalt  }
0x5f: {  	_ =	shalt  }
0x60: {  	_ =	shalt  }
0x61: {  	_ =	shalt  }
0x62: {  	_ =	shalt  }
0x63: {  	_ =	shalt  }
0x64: {  	_ =	shalt  }
0x65: {  	_ =	shalt  }
0x66: {  	_ =	shalt  }
0x67: {  	_ =	shalt  }
0x68: {  	_ =	shalt  }
0x69: {  	_ =	shalt  }
0x6a: {  	_ =	shalt  }
0x6b: {  	_ =	shalt  }
0x6c: {  	_ =	shalt  }
0x6d: {  	_ =	shalt  }
0x6e: {  	_ =	shalt  }
0x6f: {  	_ =	shalt  }
0x70: {  	_ =	shalt  }
0x71: {  	_ =	shalt  }
0x72: {  	_ =	shalt  }
0x73: {  	_ =	shalt  }
0x74: {  	_ =	shalt  }
0x75: {  	_ =	shalt  }
0x76: {  	_ =	shalt  }
0x77: {  	_ =	shalt  }
0x78: {  	_ =	shalt  }
0x79: {  	_ =	shalt  }
0x7a: {  	_ =	shalt  }
0x7b: {  	_ =	shalt  }
0x7c: {  	_ =	shalt  }
0x7d: {  	_ =	shalt  }
0x7e: {  	_ =	shalt  }
0x7f: {  	_ =	shalt  }
0x80: {  	_ =	shalt  }
0x81: {  	_ =	shalt  }
0x82: {  	_ =	shalt  }
0x83: {  	_ =	shalt  }
0x84: {  	_ =	shalt  }
0x85: {  	_ =	shalt  }
0x86: {  	_ =	shalt  }
0x87: {  	_ =	shalt  }
.Lfunc_end0:
.L_simem_size_0:
called_computation_lowered:
.L_overlay_start_0:
0x88: {  	s2 =	sld [smem:$0x3FD9]  }
0x89: {  	s3 =	sld [smem:$0x3FFE];
	_ =	sdelay $0x1  }
0x8a: {  	s1 =	srdreg.scid  }
0x8b: {  	s0 =	sand.u32 $0x1, s1  }
0x8c: {  	s17 =	sshll.u32 s0, $0xA;
	s2 =	sadd.s32 s3, s2  }
0x8d: {  	s2 =	sadd.s32 s2, s17  }
0x8e: {  	[smem:$0x3FBF] =	sst s2  }
0x8f: {  	_ = 	snop  }
0x90: {  	s2 =	sld [smem:$0x3FC9]  }
0x91: {  	s18 =	sld [smem:$0x3FC8]  }
0x92: {  	s4 =	sld [smem:$0x3FC7]  }
0x93: {  	s5 =	sld [smem:$0x3FC6]  }
0x94: {  	s6 =	sld [smem:$0x3FC5]  }
0x95: {  	s7 =	sld [smem:$0x3FC4]  }
0x96: {  	s8 =	sld [smem:$0x3FC3]  }
0x97: {  	s9 =	sld [smem:$0x3FC2]  }
0x98: {  	s10 =	sld [smem:$0x3FC1];
	(tm) =	ssettm $0x1  }
0x99: {  	s11 =	sld [smem:$0x3FFB];
	_ =	sdelay $0x3  }
0x9a: {  	_ =	strace s11  }
0x9b: {  	s11 =	sld [smem:$0x3FFC];
	_ =	sdelay $0x3  }
0x9c: {  	_ =	strace s11  }
0x9d: {  	s11 =	sld [smem:$0x3FFD];
	_ =	sdelay $0x3  }
0x9e: {  	_ =	strace s11  }
0x9f: {  	_ =	strace $0x8FFFFFFF  }
0xa0: {  	s19 =	sld [smem:$0x3FDB];
	_ =	sdelay $0x1  }
0xa1: {  	s12 =	simm.s32 $_scs_section_size  }
0xa2: {  	s13 =	simm.s32 $_size__tile_overlayer_lowered;
	s14 =	simm.s32 $_tile_overlayer_lowered  }
0xa3: {  	s22 =	simm.s32 $0x1BFF;
	s21 =	sshll.u32 s14, $0x1;
	s11 =	sadd.s32 s12, s19  }
0xa4: {  	s15 =	simm.s32 $0x0;
	s20 =	sshll.u32 s13, $0x1;
	s13 =	sadd.s32 s21, s11  }
0xa5: {  	[timem:s15], [sflag:s22] =	dma.local [hbm:s13], s20  }
0xa6: {  	_ =	swait.ge [sflag:s22], s20  }
0xa7: {  	s12 =	ssub.s32 $0x0, s20;
	[sflag:s22] =	ssyncset.done $0x0  }
0xa8: {  	[sflag:s22] =	ssyncadd.s32 s12;
	_ =	sdelay $0x1  }
0xa9: {  	s23 =	simm.s32 $0x1B8B  }
0xaa: {  	_ =	swait.ge [sflag:s23], $0x1  }
0xab: {  	[sflag:s23] =	ssyncset.done $0x0  }
0xac: {  	s25 =	simm.s32 $0x1B8E;
	s24 =	sld [smem:$0x3FFE];
	[sflag:s23] =	ssyncadd.s32 $0xFFFFFFFF  }
0xad: {  	s26 =	simm.s32 $execute0_lowered;
	[smem:$0x3FD2] =	sst s25  }
0xae: {  	s13 =	sshll.u32 s26, $0x1;
	_ =	strace $0x80000046;
	[dreg:$0x1] =	wrdreg $0xFFFFFFFF  }
0xaf: {  	s28 =	simm.s32 $_size_execute0_lowered;
	s11 =	sadd.s32 s11, s13;
	[dreg:$0x0] =	wrdreg $0x0  }
0xb0: {  	s13 =	sshll.u32 s28, $0x1;
	[dreg:$0x2] =	wrdreg s11  }
0xb1: {  	[dreg:$0x3] =	wrdreg s13  }
0xb2: {  	[dreg:$0x4] =	wrdreg $0xC0  }
0xb3: {  	_ =	task [dreg:s15], $0x5FFFF  }
0xb4: {  	[dreg:$0x1] =	wrdreg $0xFFFFFFFF  }
0xb5: {  	[dreg:$0x0] =	wrdreg $0x60  }
0xb6: {  	[dreg:$0x2] =	wrdreg s2  }
0xb7: {  	[dreg:$0x3] =	wrdreg s4  }
0xb8: {  	[dreg:$0x4] =	wrdreg s18  }
0xb9: {  	[dreg:$0x5] =	wrdreg s5  }
0xba: {  	[dreg:$0x6] =	wrdreg s6  }
0xbb: {  	[dreg:$0x7] =	wrdreg s7  }
0xbc: {  	[dreg:$0x8] =	wrdreg s8  }
0xbd: {  	[dreg:$0x9] =	wrdreg s9  }
0xbe: {  	[dreg:$0xa] =	wrdreg s10  }
0xbf: {  	[dreg:$0xb] =	wrdreg s24  }
0xc0: {  	[dreg:$0xc] =	wrdreg $0x9  }
0xc1: {  	_ =	task.clear_ibuf [dreg:s15], $0xDFFFF;
	_ =	strace $0x90000046  }
0xc2: {  	s29 =	simm.s32 $0x9;
	_ =	strace $0x80000048  }
0xc3: {  	_ =	swait.ge [sflag:s29], $0x1  }
0xc4: {  	[sflag:s29] =	ssyncadd.s32 $0xFFFFFFFF  }
0xc5: {  	_ =	strace $0x90000048  }
0xc6: {  	_ =	sfence  }
0xc7: {  	s30 =	sld [smem:$0x0];
	_ =	sdelay $0x2  }
0xc8: {  	s31 =	sshll.u32 s1, $0xD;
	s1 =	sshrl.u32 s1, $0x2  }
0xc9: {  	s3 =	sand.u32 $0x4000, s31;
	s1 =	sadd.s32 s1, s30  }
0xca: {  	s0 =	sor.u32 s3, s0;
	s1 =	sshll.u32 s1, $0x11  }
0xcb: {  	s0 =	sor.u32 s1, s0  }
0xcc: {  	s0 =	sadd.s32 $0x8F2B, s0  }
0xcd: {  	[sflag:s0] =	ssyncadd.remote.s32 $0x1  }
0xce: {  	_ =	sfence.sel $0xFFFF  }
0xcf: {  	[dreg:$0x0] =	wrdreg $0xFFFFFFFF;
	(pc) =	sbr.abs _section_cstart, $3  }
0xd0: {  	[dreg:$0x1] =	wrdreg $0xFFFFFFFF  }
0xd1: {  	_ =	task.clear_ibuf [dreg:s15], $0x2FFFF;
	_ =	strace $0x9FFFFFFF  }
0xd2: {  	(tm) =	ssettm $0x7FFFFFFF  }
0xd3: {  	_ =	shalt  }
tec
execute0_lowered:
.L_overlay_start_1:
0x0: {  	(tag) =	ssettag $0x1  }
0x1: {  	s2 =	srdreg.scid;
	s9 =	stileid.u32  }
0x2: {  	s4 =	rddreg [dreg:$0x0];
	s2 =	sand.u32 $0x1, s2;
	s5 =	sshll.u32 s9, $0x1  }
0x3: {  	s3 =	rddreg [dreg:$0x1];
	s5 =	sor.u32 s2, s5  }
0x4: {  	s0 =	rddreg [dreg:$0x9];
	s1 =	simm.s32 $0x0;
	s7 =	sshll.u32 s5, $0xF  }
0x5: {  	[smem:$0x7FF] =	sst s1;
	s2 =	ssub.s32 $0x2, s2;
	s8 =	sor.u32 $0x800, s7  }
0x6: {  	s6 =	sshll.u32 s5, $0x4;
	s31 =	sshrl.u32 s2, $0x1;
	s10 =	sadd.s32 s4, s8  }
0x7: {  	s11 =	sor.u32 $0x1000, s7;
	s8 =	sadd.s32 s3, s8;
	[dreg:$0xb] =	wrdreg s10  }
0x8: {  	s0 =	sadd.s32 s6, s0;
	s12 =	sadd.s32 s4, s11;
	[dreg:$0xc] =	wrdreg s8  }
0x9: {  	s13 =	sor.u32 $0x1800, s7;
	s6 =	sadd.s32 s3, s11;
	[dreg:$0xd] =	wrdreg s12  }
0xa: {  	s15 =	sor.u32 $0x2000, s7;
	s14 =	sadd.s32 s4, s13;
	[dreg:$0xe] =	wrdreg s6  }
0xb: {  	s17 =	sor.u32 $0x2800, s7;
	s16 =	sadd.s32 s4, s15;
	[dreg:$0xf] =	wrdreg s14  }
0xc: {  	s19 =	sor.u32 $0x3000, s7;
	s18 =	sadd.s32 s4, s17;
	[dreg:$0x11] =	wrdreg s16  }
0xd: {  	s21 =	sor.u32 $0x3800, s7;
	s20 =	sadd.s32 s4, s19;
	[dreg:$0x13] =	wrdreg s18  }
0xe: {  	s25 =	sor.u32 $0x4000, s7;
	s23 =	sadd.s32 s4, s21;
	[dreg:$0x15] =	wrdreg s20  }
0xf: {  	s28 =	sor.u32 $0x4800, s7;
	s26 =	sadd.s32 s4, s25;
	[dreg:$0x17] =	wrdreg s23  }
0x10: {  	s30 =	sor.u32 $0x5000, s7;
	s29 =	sadd.s32 s4, s28;
	[dreg:$0x19] =	wrdreg s26  }
0x11: {  	s2 =	ssub.s32 s2, s31;
	s31 =	sadd.s32 s4, s30;
	[dreg:$0x1b] =	wrdreg s29  }
0x12: {  	[dreg:$0x1d] =	wrdreg s31  }
0x13: {  	s8 =	sadd.s32 s3, s13;
	s23 =	rddreg [dreg:$0x6]  }
0x14: {  	s11 =	sor.u32 $0x5800, s7;
	s6 =	sadd.s32 s3, s15;
	[dreg:$0x10] =	wrdreg s8  }
0x15: {  	s12 =	sadd.s32 s4, s11;
	[dreg:$0x12] =	wrdreg s6  }
0x16: {  	[dreg:$0x1f] =	wrdreg s12  }
0x17: {  	s18 =	sadd.s32 s4, s7;
	s8 =	sadd.s32 s3, s17;
	s17 =	rddreg [dreg:$0x2]  }
0x18: {  	[smem:$0x7F2] =	sst s18  }
0x19: {  	s13 =	sor.u32 $0x6000, s7;
	s6 =	sadd.s32 s3, s19;
	[dreg:$0x14] =	wrdreg s8  }
0x1a: {  	s15 =	sor.u32 $0x6800, s7;
	s14 =	sadd.s32 s4, s13;
	[dreg:$0x16] =	wrdreg s6  }
0x1b: {  	s16 =	sadd.s32 s4, s15;
	[smem:$0x7EE] =	sst s14  }
0x1c: {  	s20 =	sor.u32 $0x7000, s7;
	s19 =	sadd.s32 s3, s7;
	[smem:$0x7F0] =	sst s16  }
0x1d: {  	s12 =	sadd.s32 s4, s20;
	[smem:$0x7F3] =	sst s19  }
0x1e: {  	s22 =	sshll.u32 s9, $0xB;
	s9 =	sadd.s32 s3, s20;
	[smem:$0x7F4] =	sst s12  }
0x1f: {  	[smem:$0x7F5] =	sst s9  }
0x20: {  	s7 =	sor.u32 $0x7800, s7;
	s6 =	sadd.s32 s3, s21;
	s21 =	rddreg [dreg:$0x4]  }
0x21: {  	s10 =	sshll.u32 s5, $0x8;
	s4 =	sadd.s32 s4, s7;
	[dreg:$0x18] =	wrdreg s6  }
0x22: {  	s24 =	sand.u32 $0x300, s10;
	[smem:$0x7F6] =	sst s4  }
0x23: {  	s8 =	sand.u32 $0x7000, s22;
	s6 =	sadd.s32 s3, s25;
	s25 =	rddreg [dreg:$0x5]  }
0x24: {  	s8 =	sor.u32 s8, s24;
	[dreg:$0x1a] =	wrdreg s6  }
0x25: {  	s24 =	sshll.u32 s5, $0x5;
	s6 =	sadd.s32 s3, s28;
	s28 =	rddreg [dreg:$0x7]  }
0x26: {  	s29 =	sadd.s32 s21, s24;
	[dreg:$0x1c] =	wrdreg s6  }
0x27: {  	s18 =	simm.s32 $0x80;
	[smem:$0x7FA] =	sst s29  }
0x28: {  	s20 =	simm.s32 $0x180;
	s6 =	sadd.s32 s3, s30;
	s30 =	rddreg [dreg:$0x8]  }
0x29: {  	s12 =	smax.u32 s2, $0x1;
	s16 =	simm.s32 $0x100;
	[dreg:$0x1e] =	wrdreg s6  }
0x2a: {  	s31 =	sadd.s32 s28, s10;
	s6 =	sadd.s32 s3, s11;
	s11 =	rddreg [dreg:$0x3]  }
0x2b: {  	s19 =	simm.s32 $0x2000;
	s22 =	sshrl.u32 s8, $0x3;
	[smem:$0x7FC] =	sst s31  }
0x2c: {  	s21 =	simm.s32 $0x200;
	[smem:$0x7ED] =	sst s6;
	s6 =	sadd.s32 s3, s13  }
0x2d: {  	s4 =	sadd.s32 s23, s22;
	s26 =	sadd.s32 s11, s24;
	[smem:$0x7EF] =	sst s6  }
0x2e: {  	s22 =	simm.s32 $0x1000;
	s6 =	sadd.s32 s3, s15;
	[smem:$0x7F9] =	sst s26  }
0x2f: {  	s23 =	simm.s32 $0x2;
	s3 =	sadd.s32 s3, s7;
	[smem:$0x7F1] =	sst s6  }
0x30: {  	s14 =	sadd.s32 $0x100, s4;
	[smem:$0x7F7] =	sst s3;
	s6 =	sadd.s32 s17, s24  }
0x31: {  	s11 =	sadd.s32 $0x200, s0;
	s3 =	sadd.s32 s25, s24;
	[smem:$0x7F8] =	sst s6  }
0x32: {  	v0 =	vlaneseq.u32;
	v1 =	vimm.f32 $1.000000000e+00;
	v2 =	vimm.f32 $0.0e+00;
	s13 =	sadd.s32 $0x80, s4;
	[smem:$0x7FB] =	sst s3;
	s3 =	sadd.s32 s30, s10  }
0x33: {  	v3 =	vimm.s32 $0x0;
	vm0 =	vmmov $0x1;
	vm1 =	vcmask $0x704;
	s15 =	sadd.s32 $0x180, s4;
	s17 =	simm.s32 $0x1;
	[smem:$0x7FD] =	sst s3  }
0x34: {  	vm2 =	vcmask $0xB08;
	vm3 =	vcmask $0xF0C;
	v0 =	vmul.u32 $0x4, v0;
	s24 =	simm.s32 $0x3;
	s25 =	simm.s32 $0x0;
	_ =	strace $0x80000047  }
.LBB2_1:
0x35: {  	s0 =	sld [smem:$0x7F8];
	_ =	sdelay $0x1  }
0x36: {  	s10 =	sld [smem:$0x7F9]  }
0x37: {  	[tilespmem:s1], [sflag:$0x1] =	stream.linear.gather [hbm4b:s0+s1], $0x100, $0x38;
	[tilespmem:$0x2880] =	vst v63  }
0x38: {  	_ = 	snop  }
0x39: {  	[tilespmem:s16], [sflag:$0x1] =	stream.linear.gather [hbm4b:s10+s1], $0x100, $0x38;
	[tilespmem:$0x2880] =	vst v63  }
0x3a: {  	_ =	swait.ge [sflag:s17], $0x100  }
0x3b: {  	[sflag:s17] =	ssyncset.done $0x0  }
0x3c: {  	[sflag:s17] =	ssyncadd.s32 $0xFFFFFF00  }
0x3d: {  	_ =	swait.ge [sflag:s17], $0x100  }
0x3e: {  	s26 =	sld [smem:$0x7F2]  }
0x3f: {  	[sflag:s17] =	ssyncset.done $0x0  }
0x40: {  	s2 =	simm.s32 $0x1800;
	[sflag:s17] =	ssyncadd.s32 $0xFFFFFF00  }
0x41: {  	[tilespmem:s2], [sflag:$0x1] =	stream.indirect.gather [hbm4b:s26+s18], $0x1, s1, s18, $0xb8;
	[tilespmem:$0x2880] =	vst v63  }
0x42: {  	s2 =	sld [smem:$0x7F3];
	_ =	sdelay $0x1  }
0x43: {  	s3 =	rddreg [dreg:$0xb]  }
0x44: {  	[tilespmem:s19], [sflag:$0x1] =	stream.indirect.gather [hbm4b:s2+s18], $0x1, s16, s18, $0xb8;
	[tilespmem:$0x2880] =	vst v63  }
0x45: {  	s5 =	simm.s32 $0x1880;
	s6 =	rddreg [dreg:$0xc]  }
0x46: {  	[tilespmem:s5], [sflag:$0x1] =	stream.indirect.gather [hbm4b:s3+s18], $0x1, s1, s18, $0xb8;
	[tilespmem:$0x2880] =	vst v63  }
0x47: {  	s7 =	simm.s32 $0x2080;
	s8 =	rddreg [dreg:$0xd]  }
0x48: {  	[tilespmem:s7], [sflag:$0x1] =	stream.indirect.gather [hbm4b:s6+s18], $0x1, s16, s18, $0xb8;
	[tilespmem:$0x2880] =	vst v63  }
0x49: {  	s9 =	simm.s32 $0x1900;
	s10 =	rddreg [dreg:$0xe]  }
0x4a: {  	[tilespmem:s9], [sflag:$0x1] =	stream.indirect.gather [hbm4b:s8+s18], $0x1, s1, s18, $0xb8;
	[tilespmem:$0x2880] =	vst v63  }
0x4b: {  	s26 =	simm.s32 $0x2100;
	s3 =	rddreg [dreg:$0xf]  }
0x4c: {  	[tilespmem:s26], [sflag:$0x1] =	stream.indirect.gather [hbm4b:s10+s18], $0x1, s16, s18, $0xb8;
	[tilespmem:$0x2880] =	vst v63  }
0x4d: {  	s5 =	simm.s32 $0x1980;
	s6 =	rddreg [dreg:$0x10]  }
0x4e: {  	[tilespmem:s5], [sflag:$0x1] =	stream.indirect.gather [hbm4b:s3+s18], $0x1, s1, s18, $0xb8;
	[tilespmem:$0x2880] =	vst v63  }
0x4f: {  	s7 =	simm.s32 $0x2180;
	s8 =	rddreg [dreg:$0x11]  }
0x50: {  	[tilespmem:s7], [sflag:$0x1] =	stream.indirect.gather [hbm4b:s6+s18], $0x1, s16, s18, $0xb8;
	[tilespmem:$0x2880] =	vst v63  }
0x51: {  	s9 =	simm.s32 $0x1A00;
	s10 =	rddreg [dreg:$0x12]  }
0x52: {  	[tilespmem:s9], [sflag:$0x1] =	stream.indirect.gather [hbm4b:s8+s18], $0x1, s1, s18, $0xb8;
	[tilespmem:$0x2880] =	vst v63  }
0x53: {  	s26 =	simm.s32 $0x2200;
	s3 =	rddreg [dreg:$0x13]  }
0x54: {  	[tilespmem:s26], [sflag:$0x1] =	stream.indirect.gather [hbm4b:s10+s18], $0x1, s16, s18, $0xb8;
	[tilespmem:$0x2880] =	vst v63  }
0x55: {  	s5 =	simm.s32 $0x1A80;
	s6 =	rddreg [dreg:$0x14]  }
0x56: {  	[tilespmem:s5], [sflag:$0x1] =	stream.indirect.gather [hbm4b:s3+s18], $0x1, s1, s18, $0xb8;
	[tilespmem:$0x2880] =	vst v63  }
0x57: {  	s7 =	simm.s32 $0x2280;
	s8 =	rddreg [dreg:$0x15]  }
0x58: {  	[tilespmem:s7], [sflag:$0x1] =	stream.indirect.gather [hbm4b:s6+s18], $0x1, s16, s18, $0xb8;
	[tilespmem:$0x2880] =	vst v63  }
0x59: {  	s9 =	simm.s32 $0x1B00;
	s10 =	rddreg [dreg:$0x16]  }
0x5a: {  	[tilespmem:s9], [sflag:$0x1] =	stream.indirect.gather [hbm4b:s8+s18], $0x1, s1, s18, $0xb8;
	[tilespmem:$0x2880] =	vst v63  }
0x5b: {  	s26 =	simm.s32 $0x2300;
	s3 =	rddreg [dreg:$0x17]  }
0x5c: {  	[tilespmem:s26], [sflag:$0x1] =	stream.indirect.gather [hbm4b:s10+s18], $0x1, s16, s18, $0xb8;
	[tilespmem:$0x2880] =	vst v63  }
0x5d: {  	s5 =	simm.s32 $0x1B80;
	s6 =	rddreg [dreg:$0x18]  }
0x5e: {  	[tilespmem:s5], [sflag:$0x1] =	stream.indirect.gather [hbm4b:s3+s18], $0x1, s1, s18, $0xb8;
	[tilespmem:$0x2880] =	vst v63  }
0x5f: {  	s7 =	simm.s32 $0x2380;
	s8 =	rddreg [dreg:$0x19]  }
0x60: {  	[tilespmem:s7], [sflag:$0x1] =	stream.indirect.gather [hbm4b:s6+s18], $0x1, s16, s18, $0xb8;
	[tilespmem:$0x2880] =	vst v63  }
0x61: {  	s9 =	simm.s32 $0x1C00;
	s10 =	rddreg [dreg:$0x1a]  }
0x62: {  	[tilespmem:s9], [sflag:$0x2] =	stream.indirect.gather [hbm4b:s8+s18], $0x1, s18, s18, $0xb8;
	[tilespmem:$0x2880] =	vst v63  }
0x63: {  	s26 =	simm.s32 $0x2400;
	s3 =	rddreg [dreg:$0x1b]  }
0x64: {  	[tilespmem:s26], [sflag:$0x2] =	stream.indirect.gather [hbm4b:s10+s18], $0x1, s20, s18, $0xb8;
	[tilespmem:$0x2880] =	vst v63  }
0x65: {  	s5 =	simm.s32 $0x1C80;
	s6 =	rddreg [dreg:$0x1c]  }
0x66: {  	[tilespmem:s5], [sflag:$0x2] =	stream.indirect.gather [hbm4b:s3+s18], $0x1, s18, s18, $0xb8;
	[tilespmem:$0x2880] =	vst v63  }
0x67: {  	s7 =	simm.s32 $0x2480;
	s8 =	rddreg [dreg:$0x1d]  }
0x68: {  	[tilespmem:s7], [sflag:$0x2] =	stream.indirect.gather [hbm4b:s6+s18], $0x1, s20, s18, $0xb8;
	[tilespmem:$0x2880] =	vst v63  }
0x69: {  	s9 =	simm.s32 $0x1D00;
	s10 =	rddreg [dreg:$0x1e]  }
0x6a: {  	[tilespmem:s9], [sflag:$0x2] =	stream.indirect.gather [hbm4b:s8+s18], $0x1, s18, s18, $0xb8;
	[tilespmem:$0x2880] =	vst v63  }
0x6b: {  	s26 =	simm.s32 $0x2500;
	s3 =	rddreg [dreg:$0x1f]  }
0x6c: {  	[tilespmem:s26], [sflag:$0x2] =	stream.indirect.gather [hbm4b:s10+s18], $0x1, s20, s18, $0xb8;
	[tilespmem:$0x2880] =	vst v63  }
0x6d: {  	s5 =	simm.s32 $0x1D80;
	s6 =	sld [smem:$0x7ED]  }
0x6e: {  	[tilespmem:s5], [sflag:$0x2] =	stream.indirect.gather [hbm4b:s3+s18], $0x1, s18, s18, $0xb8;
	[tilespmem:$0x2880] =	vst v63  }
0x6f: {  	s7 =	simm.s32 $0x2580;
	s8 =	sld [smem:$0x7EE]  }
0x70: {  	[tilespmem:s7], [sflag:$0x2] =	stream.indirect.gather [hbm4b:s6+s18], $0x1, s20, s18, $0xb8;
	[tilespmem:$0x2880] =	vst v63  }
0x71: {  	s9 =	simm.s32 $0x1E00;
	s10 =	sld [smem:$0x7EF]  }
0x72: {  	[tilespmem:s9], [sflag:$0x2] =	stream.indirect.gather [hbm4b:s8+s18], $0x1, s18, s18, $0xb8;
	[tilespmem:$0x2880] =	vst v63  }
0x73: {  	s26 =	simm.s32 $0x2600;
	s3 =	sld [smem:$0x7F0]  }
0x74: {  	[tilespmem:s26], [sflag:$0x2] =	stream.indirect.gather [hbm4b:s10+s18], $0x1, s20, s18, $0xb8;
	[tilespmem:$0x2880] =	vst v63  }
0x75: {  	s5 =	simm.s32 $0x1E80;
	s6 =	sld [smem:$0x7F1]  }
0x76: {  	[tilespmem:s5], [sflag:$0x2] =	stream.indirect.gather [hbm4b:s3+s18], $0x1, s18, s18, $0xb8;
	[tilespmem:$0x2880] =	vst v63  }
0x77: {  	s7 =	simm.s32 $0x2680;
	s8 =	sld [smem:$0x7F4]  }
0x78: {  	[tilespmem:s7], [sflag:$0x2] =	stream.indirect.gather [hbm4b:s6+s18], $0x1, s20, s18, $0xb8;
	[tilespmem:$0x2880] =	vst v63  }
0x79: {  	s9 =	simm.s32 $0x1F00;
	s10 =	sld [smem:$0x7F5]  }
0x7a: {  	[tilespmem:s9], [sflag:$0x2] =	stream.indirect.gather [hbm4b:s8+s18], $0x1, s18, s18, $0xb8;
	[tilespmem:$0x2880] =	vst v63  }
0x7b: {  	s2 =	sld [smem:$0x7F6];
	s26 =	simm.s32 $0x2700  }
0x7c: {  	[tilespmem:s26], [sflag:$0x2] =	stream.indirect.gather [hbm4b:s10+s18], $0x1, s20, s18, $0xb8;
	[tilespmem:$0x2880] =	vst v63  }
0x7d: {  	s3 =	simm.s32 $0x1F80;
	s5 =	sld [smem:$0x7F7]  }
0x7e: {  	[tilespmem:s3], [sflag:$0x2] =	stream.indirect.gather [hbm4b:s2+s18], $0x1, s18, s18, $0xb8;
	[tilespmem:$0x2880] =	vst v63  }
0x7f: {  	s6 =	simm.s32 $0x2780  }
0x80: {  	[tilespmem:s6], [sflag:$0x2] =	stream.indirect.gather [hbm4b:s5+s18], $0x1, s20, s18, $0xb8;
	[tilespmem:$0x2880] =	vst v63  }
0x81: {  	_ = 	snop  }
0x82: {  	[tilespmem:s21], [sflag:$0x1] =	stream.linear.gather [hbm4b:s4+s1], $0x100, $0x38;
	[tilespmem:$0x2880] =	vst v63  }
0x83: {  	s7 =	simm.s32 $0x300  }
0x84: {  	[tilespmem:s7], [sflag:$0x1] =	stream.linear.gather [hbm4b:s13+s1], $0x100, $0x38;
	[tilespmem:$0x2880] =	vst v63  }
0x85: {  	s8 =	simm.s32 $0x400  }
0x86: {  	[tilespmem:s8], [sflag:$0x1] =	stream.linear.gather [hbm4b:s14+s1], $0x100, $0x38;
	[tilespmem:$0x2880] =	vst v63  }
0x87: {  	s9 =	simm.s32 $0x500;
	s10 =	sld [smem:$0x7FA]  }
0x88: {  	[tilespmem:s9], [sflag:$0x1] =	stream.linear.gather [hbm4b:s15+s1], $0x100, $0x38;
	[tilespmem:$0x2880] =	vst v63  }
0x89: {  	s26 =	simm.s32 $0x600;
	s2 =	sld [smem:$0x7FB]  }
0x8a: {  	[tilespmem:s26], [sflag:$0x1] =	stream.linear.gather [hbm4b:s10+s1], $0x100, $0x38;
	[tilespmem:$0x2880] =	vst v63  }
0x8b: {  	s3 =	simm.s32 $0x700;
	s5 =	sld [smem:$0x7FC]  }
0x8c: {  	[tilespmem:s3], [sflag:$0x1] =	stream.linear.gather [hbm4b:s2+s1], $0x100, $0x38;
	[tilespmem:$0x2880] =	vst v63  }
0x8d: {  	s6 =	simm.s32 $0x800;
	s7 =	sld [smem:$0x7FD]  }
0x8e: {  	[tilespmem:s6], [sflag:$0x1] =	stream.linear.gather [hbm4b:s5+s1], $0x800, $0x38;
	[tilespmem:$0x2880] =	vst v63  }
0x8f: {  	_ = 	snop  }
0x90: {  	[tilespmem:s22], [sflag:$0x1] =	stream.linear.gather [hbm4b:s7+s1], $0x800, $0x38;
	[tilespmem:$0x2880] =	vst v63  }
0x91: {  	_ =	swait.ge [sflag:s17], $0x80  }
0x92: {  	[sflag:s17] =	ssyncset.done $0x0  }
0x93: {  	[sflag:s17] =	ssyncadd.s32 $0xFFFFFF80  }
0x94: {  	_ =	swait.ge [sflag:s17], $0x80  }
0x95: {  	[sflag:s17] =	ssyncset.done $0x0  }
0x96: {  	[sflag:s17] =	ssyncadd.s32 $0xFFFFFF80  }
0x97: {  	_ =	swait.ge [sflag:s17], $0x80  }
0x98: {  	[sflag:s17] =	ssyncset.done $0x0  }
0x99: {  	[sflag:s17] =	ssyncadd.s32 $0xFFFFFF80  }
0x9a: {  	_ =	swait.ge [sflag:s17], $0x80  }
0x9b: {  	[sflag:s17] =	ssyncset.done $0x0  }
0x9c: {  	[sflag:s17] =	ssyncadd.s32 $0xFFFFFF80  }
0x9d: {  	_ =	swait.ge [sflag:s17], $0x80  }
0x9e: {  	[sflag:s17] =	ssyncset.done $0x0  }
0x9f: {  	[sflag:s17] =	ssyncadd.s32 $0xFFFFFF80  }
0xa0: {  	_ =	swait.ge [sflag:s17], $0x80  }
0xa1: {  	[sflag:s17] =	ssyncset.done $0x0  }
0xa2: {  	[sflag:s17] =	ssyncadd.s32 $0xFFFFFF80  }
0xa3: {  	_ =	swait.ge [sflag:s17], $0x80  }
0xa4: {  	[sflag:s17] =	ssyncset.done $0x0  }
0xa5: {  	[sflag:s17] =	ssyncadd.s32 $0xFFFFFF80  }
0xa6: {  	_ =	swait.ge [sflag:s17], $0x80  }
0xa7: {  	[sflag:s17] =	ssyncset.done $0x0  }
0xa8: {  	[sflag:s17] =	ssyncadd.s32 $0xFFFFFF80  }
0xa9: {  	_ =	swait.ge [sflag:s17], $0x80  }
0xaa: {  	[sflag:s17] =	ssyncset.done $0x0  }
0xab: {  	[sflag:s17] =	ssyncadd.s32 $0xFFFFFF80  }
0xac: {  	_ =	swait.ge [sflag:s17], $0x80  }
0xad: {  	[sflag:s17] =	ssyncset.done $0x0  }
0xae: {  	[sflag:s17] =	ssyncadd.s32 $0xFFFFFF80  }
0xaf: {  	_ =	swait.ge [sflag:s17], $0x80  }
0xb0: {  	[sflag:s17] =	ssyncset.done $0x0  }
0xb1: {  	[sflag:s17] =	ssyncadd.s32 $0xFFFFFF80  }
0xb2: {  	_ =	swait.ge [sflag:s17], $0x80  }
0xb3: {  	[sflag:s17] =	ssyncset.done $0x0  }
0xb4: {  	[sflag:s17] =	ssyncadd.s32 $0xFFFFFF80  }
0xb5: {  	_ =	swait.ge [sflag:s17], $0x80  }
0xb6: {  	[sflag:s17] =	ssyncset.done $0x0  }
0xb7: {  	[sflag:s17] =	ssyncadd.s32 $0xFFFFFF80  }
0xb8: {  	_ =	swait.ge [sflag:s17], $0x80  }
0xb9: {  	[sflag:s17] =	ssyncset.done $0x0  }
0xba: {  	[sflag:s17] =	ssyncadd.s32 $0xFFFFFF80  }
0xbb: {  	_ =	swait.ge [sflag:s17], $0x80  }
0xbc: {  	[sflag:s17] =	ssyncset.done $0x0  }
0xbd: {  	[sflag:s17] =	ssyncadd.s32 $0xFFFFFF80  }
0xbe: {  	_ =	swait.ge [sflag:s17], $0x80  }
0xbf: {  	[sflag:s17] =	ssyncset.done $0x0  }
0xc0: {  	[sflag:s17] =	ssyncadd.s32 $0xFFFFFF80  }
0xc1: {  	_ =	swait.ge [sflag:s17], $0x100  }
0xc2: {  	[sflag:s17] =	ssyncset.done $0x0  }
0xc3: {  	[sflag:s17] =	ssyncadd.s32 $0xFFFFFF00  }
0xc4: {  	_ =	swait.ge [sflag:s17], $0x100  }
0xc5: {  	[sflag:s17] =	ssyncset.done $0x0  }
0xc6: {  	[sflag:s17] =	ssyncadd.s32 $0xFFFFFF00  }
0xc7: {  	_ =	swait.ge [sflag:s17], $0x100  }
0xc8: {  	[sflag:s17] =	ssyncset.done $0x0  }
0xc9: {  	[sflag:s17] =	ssyncadd.s32 $0xFFFFFF00  }
0xca: {  	_ =	swait.ge [sflag:s17], $0x100  }
0xcb: {  	[sflag:s17] =	ssyncset.done $0x0  }
0xcc: {  	[sflag:s17] =	ssyncadd.s32 $0xFFFFFF00  }
0xcd: {  	_ =	swait.ge [sflag:s17], $0x100  }
0xce: {  	[sflag:s17] =	ssyncset.done $0x0  }
0xcf: {  	[sflag:s17] =	ssyncadd.s32 $0xFFFFFF00  }
0xd0: {  	s8 =	simm.s32 $0x0;
	_ =	swait.ge [sflag:s17], $0x100  }
0xd1: {  	s2 =	sand.u32 $0x6, s8;
	[sflag:s17] =	ssyncset.done $0x0  }
0xd2: {  	s0 =	sshll.u32 s2, $0x7;
	[sflag:s17] =	ssyncadd.s32 $0xFFFFFF00  }
0xd3: {  	s0 =	sadd.s32 $0x0, s0;
	_ =	swait.ge [sflag:s17], $0x800  }
0xd4: {  	v4 =	vor.u32 s0, v0;
	[sflag:s17] =	ssyncset.done $0x0  }
0xd5: {  	s3 =	simm.s32 $0x0;
	s5 =	sand.u32 $0x300, s1;
	[sflag:s17] =	ssyncadd.s32 $0xFFFFF800  }
0xd6: {  	s9 =	sor.u32 s5, s3;
	_ =	swait.ge [sflag:s17], $0x800  }
0xd7: {  	s0 =	sor.u32 $0x40, s9;
	[sflag:s17] =	ssyncset.done $0x0  }
0xd8: {  	v5 =	vor.u32 s0, v0;
	[sflag:s17] =	ssyncadd.s32 $0xFFFFF800  }
0xd9: {  	v4 =	vld.idx.msk [tilespmem:v4+s21+$0x0], $0xffff;
	_ =	sdelay $0x3  }
0xda: {  	s10 =	simm.s32 $0x0;
	v5 =	vld.idx.msk [tilespmem:v5+s21+$0x0], $0xffff  }
0xdb: {  	s0 =	sand.u32 $0x1, s10;
	v4 =	vshll.u32 v4, $0x1  }
0xdc: {  	s26 =	simm.s32 $0x810;
	v6 =	vor.u32 s0, v4  }
0xdd: {  	v15 =	vld [tilespmem:s26+$0xFFFFFFF0];
	v6 =	vshll.u32 v6, $0x7  }
0xde: {  	v4 =	vshra.s32 v4, $0x3;
	v6 =	vand.u32 $0x380, v6  }
0xdf: {  	v5 =	vshll.u32 v5, $0x1;
	v4 =	vadd.s32 v4, v6  }
0xe0: {  	v6 =	vor.u32 s0, v5  }
0xe1: {  	v6 =	vshll.u32 v6, $0x7  }
0xe2: {  	s5 =	simm.s32 $0x1810;
	v8 =	vld [tilespmem:s26+$0x0];
	v7 =	vand.u32 $0x7FFFFFFF, v15;
	v5 =	vshra.s32 v5, $0x3;
	v6 =	vand.u32 $0x380, v6  }
0xe3: {  	s6 =	simm.s32 $0x2;
	v23 =	vld [tilespmem:s5+$0xFFFFFFF0];
	v5 =	vadd.s32 v5, v6;
	v6 =	vadd.f32 $9.999999740e-05, v7  }
0xe4: {  	s26 =	sand.u32 $0x6, s6;
	v18 =	vld.idx.msk [tilespmem:v4+s19+$0x0], $0xffff  }
0xe5: {  	s3 =	sshll.u32 s26, $0x7;
	v20 =	vld.idx.msk [tilespmem:v4+s22+$0x0], $0xffff;
	(erf) = vrcp.f32 v6  }
0xe6: {  	s7 =	sadd.s32 $0x0, s3  }
0xe7: {  	v4 =	vand.u32 $0x7FFFFFFF, v8;
	v6 =	vor.u32 s7, v0  }
0xe8: {  	v17 =	vld [tilespmem:s5+$0x0];
	v4 =	vadd.f32 $9.999999740e-05, v4  }
0xe9: {  	v16 =	vld.idx.msk [tilespmem:v5+s19+$0x0], $0xffff  }
0xea: {  	(erf) = vrcp.f32 v4;
	v19 =	vld.idx.msk [tilespmem:v5+s22+$0x0], $0xffff;
	v4 =	vsub.f32 v23, v15;
	v5 =	vsub.f32 v18, v20;
	_ =	sdelay $0x1  }
0xeb: {  	v6 =	vld.idx.msk [tilespmem:v6+s21+$0x0], $0xffff;
	v4 =	vand.u32 $0x7FFFFFFF, v4;
	v5 =	vand.u32 $0x7FFFFFFF, v5  }
0xec: {  	v4 =	vadd.f32 v4, v5  }
0xed: {  	s8 =	simm.s32 $0x100;
	v7 =	vsub.f32 v17, v8;
	v9 =	vpop (erf)  }
0xee: {  	s9 =	simm.s32 $0x0;
	s0 =	sand.u32 $0x300, s8;
	v5 =	vsub.f32 v16, v19;
	v4 =	vmul.f32 v9, v4  }
0xef: {  	s10 =	simm.s32 $0x1010;
	s6 =	simm.s32 $0x0;
	s0 =	sor.u32 s0, s9;
	v7 =	vand.u32 $0x7FFFFFFF, v7  }
0xf0: {  	v22 =	vld [tilespmem:s10+$0xFFFFFFF0];
	s5 =	sand.u32 $0x1, s6;
	s0 =	sor.u32 $0x40, s0;
	v5 =	vand.u32 $0x7FFFFFFF, v5;
	v9 =	vshll.u32 v6, $0x1;
	v10 =	vmul.f32 v4, v4  }
0xf1: {  	s2 =	sshll.u32 s2, $0x4;
	v5 =	vadd.f32 v7, v5;
	v7 =	vor.u32 s0, v0;
	v6 =	vor.u32 s5, v9  }
0xf2: {  	v29 =	vld [tilespmem:s2+$0x700];
	s6 =	simm.s32 $0x830;
	v6 =	vshll.u32 v6, $0x7;
	v4 =	vpop (erf);
	vm4 =	vgt.f32 v10, $1.000000000e+00  }
0xf3: {  	v11 =	vand.u32 $0x380, v6;
	v6 =	vld [tilespmem:s6+$0xFFFFFFF0];
	v4 =	vmul.f32 v4, v5;
	v13 =	vsel vm4, $0x0, v1  }
0xf4: {  	v12 =	vld [tilespmem:s10+$0x0];
	s7 =	simm.s32 $0x1830;
	v21 =	vsub.f32 $1.000000000e+00, v13;
	v10 =	vmul.f32 v13, v10  }
0xf5: {  	s31 =	simm.s32 $0x200;
	vm5 =	veq.f32 v22, $0.0e+00;
	v9 =	vshra.s32 v9, $0x3;
	v5 =	vld [tilespmem:s7+$0x0];
	v14 =	vmul.f32 v4, v4  }
0xf6: {  	s29 =	sand.u32 $0x300, s31;
	v33 =	vsel vm5, $0x1, v3;
	s8 =	simm.s32 $0x0;
	s0 =	simm.s32 $0x4;
	v11 =	vadd.s32 v9, v11;
	v13 =	vld.idx.msk [tilespmem:v7+s21+$0x0], $0xffff;
	v9 =	vadd.f32 v21, v10  }
0xf7: {  	vm5 =	veq.s32 v29, v33;
	s28 =	sand.u32 $0x6, s0;
	v4 =	vld [tilespmem:s6+$0x0];
	s6 =	sor.u32 s29, s8;
	s29 =	simm.s32 $0x10;
	vm4 =	vgt.f32 v14, $1.000000000e+00  }
0xf8: {  	s30 =	sshll.u32 s28, $0x7;
	v7 =	vld [tilespmem:s7+$0xFFFFFFF0];
	s9 =	sand.u32 $0x70, s29;
	v27 =	vand.u32 $0x7FFFFFFF, v6;
	v10 =	vsel vm4, $0x0, v1;
	v28 =	vmul.f32 $-3.140000100e+00, v9  }
0xf9: {  	s30 =	sadd.s32 $0x0, s30;
	v25 =	vld [tilespmem:s9+$0x700];
	v27 =	vadd.f32 $9.999999740e-05, v27;
	v14 =	vmul.f32 v10, v14;
	v10 =	vsub.f32 $1.000000000e+00, v10  }
0xfa: {  	v24 =	vor.u32 s30, v0;
	v26 =	vld [tilespmem:s9+$0x600];
	vm4 =	veq.f32 v12, $0.0e+00;
	v28 =	vmul.f32 $1.442695020e+00, v28  }
0xfb: {  	v9 =	vld.idx.msk [tilespmem:v11+s19+$0x0], $0xffff;
	v13 =	vshll.u32 v13, $0x1;
	(erf) = vrcp.f32 v27;
	v14 =	vadd.f32 v10, v14  }
0xfc: {  	v30 =	vsub.f32 v5, v4;
	v10 =	vld.idx.msk [tilespmem:v11+s22+$0x0], $0xffff;
	v11 =	vor.u32 s5, v13;
	(erf) = vpow2.f32 v28  }
0xfd: {  	v27 =	vsub.f32 v7, v6;
	v11 =	vshll.u32 v11, $0x7;
	v14 =	vmul.f32 $-3.140000100e+00, v14  }
0xfe: {  	v31 =	vld [tilespmem:s2+$0x600];
	s30 =	simm.s32 $0x2010;
	v13 =	vshra.s32 v13, $0x3;
	v29 =	vand.u32 $0x7FFFFFFF, v30;
	v11 =	vand.u32 $0x380, v11  }
0xff: {  	v32 =	vld [tilespmem:s30+$0x0];
	v30 =	vsel vm5, $0x3F800000, v2;
	v28 =	vadd.s32 v13, v11;
	v14 =	vmul.f32 $1.442695020e+00, v14  }
0x100: {  	v24 =	vld.idx.msk [tilespmem:v24+s21+$0x0], $0xffff;
	v11 =	vand.u32 $0x7FFFFFFF, v4;
	v13 =	vcvt.s32.f32 v26;
	v26 =	vsel vm4, $0x1, v3  }
0x101: {  	v34 =	vld [tilespmem:s30+$0xFFFFFFF0];
	vm4 =	veq.s32 v25, v26;
	v25 =	vsub.f32 v9, v10;
	(erf) = vpow2.f32 v14  }
0x102: {  	v22 =	vmul.f32 v30, v22;
	v11 =	vadd.f32 $9.999999740e-05, v11  }
0x103: {  	v26 =	vand.u32 $0x7FFFFFFF, v27;
	v27 =	vsel vm4, $0x3F800000, v2;
	v25 =	vand.u32 $0x7FFFFFFF, v25  }
0x104: {  	v14 =	vcvt.s32.f32 v31;
	(erf) = vrcp.f32 v11;
	v31 =	vpop (erf);
	v25 =	vadd.f32 v26, v25  }
0x105: {  	s10 =	simm.s32 $0x0;
	v24 =	vshll.u32 v24, $0x1;
	v11 =	vld.idx.msk [tilespmem:v28+s19+$0x0], $0xffff;
	v26 =	vmul.f32 v27, v32;
	v27 =	vmul.f32 v27, v12;
	v63 =	vpop (erf)  }
0x106: {  	s6 =	sor.u32 $0x40, s6;
	s5 =	sand.u32 $0x1, s10;
	v12 =	vld.idx.msk [tilespmem:v28+s22+$0x0], $0xffff;
	v28 =	vmul.f32 v30, v34;
	v25 =	vmul.f32 v31, v25;
	v31 =	vsub.f32 $1.000000000e+00, v63  }
0x107: {  	v21 =	vor.u32 s6, v0;
	v30 =	vor.u32 s5, v24;
	v24 =	vshra.s32 v24, $0x3  }
0x108: {  	v30 =	vshll.u32 v30, $0x7;
	v27 =	vsub.f32 v26, v27;
	v22 =	vsub.f32 v28, v22  }
0x109: {  	v30 =	vand.u32 $0x380, v30;
	v26 =	vmul.f32 v25, v25;
	v25 =	vmul.f32 v14, v31  }
0x10a: {  	v24 =	vadd.s32 v24, v30;
	v28 =	vand.u32 $0x7FFFFFFF, v22;
	v22 =	vand.u32 $0x7FFFFFFF, v27;
	v31 =	vpop (erf)  }
0x10b: {  	v23 =	vmul.f32 v25, v23;
	v15 =	vmul.f32 v25, v15;
	v27 =	vsub.f32 $1.000000000e+00, v31  }
0x10c: {  	v18 =	vmul.f32 v25, v18;
	v20 =	vmul.f32 v25, v20;
	v31 =	vsub.f32 v11, v12  }
0x10d: {  	vm4 =	vgt.f32 v26, $1.000000000e+00;
	v15 =	vsub.f32 v23, v15;
	v30 =	vmul.f32 v13, v27  }
0x10e: {  	v23 =	vsub.f32 v18, v20;
	v31 =	vand.u32 $0x7FFFFFFF, v31;
	v27 =	vsel vm4, $0x0, v1  }
0x10f: {  	v25 =	vadd.f32 v29, v31;
	v17 =	vmul.f32 v30, v17;
	v8 =	vmul.f32 v30, v8  }
0x110: {  	s2 =	simm.s32 $0x1030;
	v29 =	vsub.f32 $1.000000000e+00, v27;
	v16 =	vmul.f32 v30, v16;
	v19 =	vmul.f32 v30, v19  }
0x111: {  	v20 =	vld [tilespmem:s2+$0x0];
	v18 =	vpop (erf);
	v35 =	vand.u32 $0x7FFFFFFF, v15;
	v37 =	vand.u32 $0x7FFFFFFF, v23;
	v15 =	vimm.f32 $0.0e+00  }
0x112: {  	s3 =	simm.s32 $0x1850;
	v32 =	vmul.f32 v18, v25;
	v18 =	vld [tilespmem:s2+$0xFFFFFFF0];
	v30 =	vsub.f32 v17, v8;
	v31 =	vsub.f32 v16, v19  }
0x113: {  	s6 =	simm.s32 $0x850;
	v17 =	vimm.f32 $0.0e+00;
	v8 =	vld [tilespmem:s3+$0x0];
	v19 =	vimm.f32 $0.0e+00;
	v16 =	vimm.f32 $0.0e+00  }
.LBB2_2:
0x114: {  	s0 =	sadd.s32 $0x2, s0;
	v23 =	vld [tilespmem:s6+$0x0];
	s31 =	sadd.s32 $0x100, s31;
	v17 =	vadd.f32 v35, v17;
	v19 =	vadd.f32 v37, v19;
	v30 =	vand.u32 $0x7FFFFFFF, v30  }
0x115: {  	v15 =	vadd.f32 v28, v15;
	v14 =	vadd.f32 v14, v16;
	s7 =	sand.u32 $0x6, s0;
	s8 =	sshrl.u32 s0, $0x4;
	s9 =	sand.u32 $0x300, s31;
	v25 =	vld [tilespmem:s6+$0xFFFFFFF0];
	v16 =	vand.u32 $0x7FFFFFFF, v31  }
0x116: {  	p0 =	slt.u32 s0, $0x3E;
	v31 =	vmul.f32 v32, v32;
	s10 =	sshll.u32 s7, $0x7;
	s9 =	sor.u32 s9, s8;
	v28 =	vld.idx.msk [tilespmem:v21+s21+$0x0], $0xffff;
	v17 =	vadd.f32 v30, v17;
	v19 =	vadd.f32 v16, v19  }
0x117: {  	v26 =	vmul.f32 v27, v26;
	s29 =	sadd.s32 $0x20, s29;
	v15 =	vadd.f32 v22, v15;
	v16 =	vadd.f32 v13, v14;
	s8 =	sadd.s32 s8, s10;
	s9 =	sor.u32 $0x40, s9  }
0x118: {  	vm4 =	vgt.f32 v31, $1.000000000e+00;
	v13 =	vor.u32 s8, v0;
	v21 =	vor.u32 s9, v0;
	v30 =	vld [tilespmem:s3+$0xFFFFFFF0];
	s8 =	sand.u32 $0x70, s29  }
0x119: {  	v14 =	vadd.f32 v29, v26;
	v26 =	vsel vm4, $0x0, v1;
	vm4 =	veq.f32 v20, $0.0e+00;
	v22 =	vld [tilespmem:s8+$0x700]  }
0x11a: {  	vm5 =	veq.f32 v18, $0.0e+00;
	s9 =	sshll.u32 s26, $0x4;
	s26 =	smov.u32 s28;
	s28 =	smov.u32 s7;
	v29 =	vmul.f32 v26, v31;
	v26 =	vsub.f32 $1.000000000e+00, v26;
	v27 =	vld [tilespmem:s8+$0x600]  }
0x11b: {  	v14 =	vmul.f32 $-3.140000100e+00, v14;
	v32 =	vsub.f32 v8, v23;
	v31 =	vand.u32 $0x7FFFFFFF, v25;
	v33 =	vld [tilespmem:s9+$0x700]  }
0x11c: {  	v31 =	vadd.f32 $9.999999740e-05, v31;
	v28 =	vshll.u32 v28, $0x1;
	v26 =	vadd.f32 v26, v29;
	v34 =	vld.idx.msk [tilespmem:v24+s19+$0x0], $0xffff  }
0x11d: {  	v14 =	vmul.f32 $1.442695020e+00, v14;
	v29 =	vor.u32 s5, v28;
	v35 =	vld.idx.msk [tilespmem:v24+s22+$0x0], $0xffff;
	v24 =	vsub.f32 v30, v25  }
0x11e: {  	v29 =	vshll.u32 v29, $0x7;
	v26 =	vmul.f32 $-3.140000100e+00, v26;
	(erf) = vrcp.f32 v31;
	v31 =	vld [tilespmem:s9+$0x600]  }
0x11f: {  	s30 =	sadd.s32 $0x20, s30;
	v28 =	vshra.s32 v28, $0x3;
	v29 =	vand.u32 $0x380, v29;
	(erf) = vpow2.f32 v14  }
0x120: {  	v28 =	vadd.s32 v28, v29;
	v14 =	vand.u32 $0x7FFFFFFF, v23;
	v26 =	vmul.f32 $1.442695020e+00, v26;
	v29 =	vld [tilespmem:s30+$0x0]  }
0x121: {  	v37 =	vsel vm5, $0x1, v3;
	v36 =	vld.idx.msk [tilespmem:v13+s21+$0x0], $0xffff;
	v13 =	vcvt.s32.f32 v27;
	v27 =	vsel vm4, $0x1, v3  }
0x122: {  	v38 =	vadd.f32 $9.999999740e-05, v14;
	v39 =	vld [tilespmem:s30+$0xFFFFFFF0];
	vm4 =	veq.s32 v22, v27;
	(erf) = vpow2.f32 v26  }
0x123: {  	vm5 =	veq.s32 v33, v37;
	v22 =	vsub.f32 v34, v35;
	v14 =	vcvt.s32.f32 v31  }
0x124: {  	v24 =	vand.u32 $0x7FFFFFFF, v24;
	v31 =	vand.u32 $0x7FFFFFFF, v32;
	v26 =	vsel vm4, $0x3F800000, v2  }
0x125: {  	v27 =	vsel vm5, $0x3F800000, v2;
	v22 =	vand.u32 $0x7FFFFFFF, v22;
	v33 =	vld.idx.msk [tilespmem:v28+s19+$0x0], $0xffff;
	(erf) = vrcp.f32 v38  }
0x126: {  	s5 =	sshrl.u32 s0, $0x3;
	v20 =	vmul.f32 v26, v20;
	v22 =	vadd.f32 v24, v22;
	v32 =	vmul.f32 v26, v29;
	v38 =	vld.idx.msk [tilespmem:v28+s22+$0x0], $0xffff  }
0x127: {  	s5 =	sand.u32 $0x1, s5;
	v18 =	vmul.f32 v27, v18;
	v26 =	vshll.u32 v36, $0x1;
	v28 =	vpop (erf);
	v29 =	vmul.f32 v27, v39  }
0x128: {  	v27 =	vor.u32 s5, v26;
	v20 =	vsub.f32 v32, v20;
	v22 =	vmul.f32 v28, v22;
	v24 =	vpop (erf)  }
0x129: {  	v27 =	vshll.u32 v27, $0x7;
	v24 =	vsub.f32 $1.000000000e+00, v24;
	v36 =	vsub.f32 v29, v18  }
0x12a: {  	v27 =	vand.u32 $0x380, v27;
	v29 =	vshra.s32 v26, $0x3;
	v26 =	vmul.f32 v22, v22  }
0x12b: {  	v22 =	vand.u32 $0x7FFFFFFF, v20;
	v32 =	vmul.f32 v14, v24;
	v28 =	vand.u32 $0x7FFFFFFF, v36;
	v18 =	vpop (erf)  }
0x12c: {  	v20 =	vsub.f32 v33, v38;
	vm4 =	vgt.f32 v26, $1.000000000e+00;
	v18 =	vsub.f32 $1.000000000e+00, v18  }
0x12d: {  	v24 =	vadd.s32 v29, v27;
	v27 =	vsel vm4, $0x0, v1;
	v29 =	vmul.f32 v32, v7;
	v7 =	vmovc v30  }
0x12e: {  	v20 =	vand.u32 $0x7FFFFFFF, v20;
	v36 =	vmul.f32 v32, v6;
	v30 =	vpop (erf);
	v18 =	vmul.f32 v13, v18  }
.Ltmp0:
0x12f: {  	v37 =	vmul.f32 v32, v9;
	v40 =	vmul.f32 v32, v10;
	v6 =	vmovc v25;
	v31 =	vadd.f32 v31, v20;
	(pc) =	sbr.rel @p0 .LBB2_2-.Ltmp0, $4  }
0x130: {  	s2 =	sadd.s32 $0x20, s2;
	v25 =	vsub.f32 v29, v36;
	v41 =	vmul.f32 v18, v5;
	v36 =	vmul.f32 v18, v4;
	v4 =	vmovc v23  }
0x131: {  	v9 =	vmovc v34;
	v23 =	vsub.f32 v37, v40;
	v39 =	vmul.f32 v18, v11;
	v40 =	vmul.f32 v18, v12;
	v20 =	vld [tilespmem:s2+$0x0]  }
0x132: {  	s3 =	sadd.s32 $0x20, s3;
	v10 =	vmovc v35;
	v29 =	vsub.f32 $1.000000000e+00, v27;
	v32 =	vmul.f32 v30, v31;
	v11 =	vmovc v33;
	v18 =	vld [tilespmem:s2+$0xFFFFFFF0];
	v30 =	vsub.f32 v41, v36  }
0x133: {  	s6 =	sadd.s32 $0x20, s6;
	v12 =	vmovc v38;
	v5 =	vmovc v8;
	v35 =	vand.u32 $0x7FFFFFFF, v25;
	v37 =	vand.u32 $0x7FFFFFFF, v23;
	v31 =	vsub.f32 v39, v40;
	v8 =	vld [tilespmem:s3+$0x0]  }
0x134: {  	_ =	sdelay $0x3  }
0x135: {  	v21 =	vld.idx.msk [tilespmem:v21+s21+$0x0], $0xffff;
	_ =	sdelay $0x1  }
0x136: {  	v25 =	vmul.f32 v32, v32;
	_ =	sdelay $0x1  }
0x137: {  	v23 =	vld [tilespmem:s6+$0xFFFFFFF0];
	vm4 =	vgt.f32 v25, $1.000000000e+00  }
0x138: {  	v26 =	vmul.f32 v27, v26;
	v27 =	vsel vm4, $0x0, v1;
	v46 =	vshll.u32 v21, $0x1  }
0x139: {  	v25 =	vmul.f32 v27, v25;
	v27 =	vsub.f32 $1.000000000e+00, v27;
	v33 =	vor.u32 s5, v46  }
0x13a: {  	v26 =	vadd.f32 v29, v26;
	v21 =	vld [tilespmem:s6+$0x0];
	v47 =	vshll.u32 v33, $0x7  }
0x13b: {  	v25 =	vadd.f32 v27, v25;
	v48 =	vshra.s32 v46, $0x3;
	v27 =	vand.u32 $0x380, v47  }
0x13c: {  	v26 =	vmul.f32 $-3.140000100e+00, v26;
	v49 =	vand.u32 $0x7FFFFFFF, v23;
	v50 =	vadd.s32 v48, v27  }
0x13d: {  	v25 =	vmul.f32 $-3.140000100e+00, v25;
	v27 =	vadd.f32 $9.999999740e-05, v49  }
0x13e: {  	v29 =	vld [tilespmem:s3+$0xFFFFFFF0];
	v51 =	vmul.f32 $1.442695020e+00, v26  }
0x13f: {  	v26 =	vld.idx.msk [tilespmem:v24+s19+$0x0], $0xffff;
	v34 =	vand.u32 $0x7FFFFFFF, v21;
	v25 =	vmul.f32 $1.442695020e+00, v25;
	(erf) = vrcp.f32 v27  }
0x140: {  	v27 =	vld.idx.msk [tilespmem:v24+s22+$0x0], $0xffff;
	v52 =	vadd.f32 $9.999999740e-05, v34;
	(erf) = vpow2.f32 v51  }
0x141: {  	(erf) = vpow2.f32 v25;
	v24 =	vld.idx.msk [tilespmem:v50+s19+$0x0], $0xffff  }
0x142: {  	(erf) = vrcp.f32 v52;
	v25 =	vld.idx.msk [tilespmem:v50+s22+$0x0], $0xffff;
	_ =	sdelay $0x3  }
0x143: {  	v53 =	vsub.f32 v29, v23;
	v54 =	vsub.f32 v26, v27  }
0x144: {  	v55 =	vsub.f32 v8, v21;
	v36 =	vsub.f32 v24, v25  }
0x145: {  	v32 =	vand.u32 $0x7FFFFFFF, v53;
	v33 =	vand.u32 $0x7FFFFFFF, v54;
	v38 =	vpop (erf)  }
0x146: {  	v34 =	vand.u32 $0x7FFFFFFF, v55;
	v32 =	vadd.f32 v32, v33;
	v44 =	vpop (erf);
	v56 =	vand.u32 $0x7FFFFFFF, v36  }
0x147: {  	v45 =	vpop (erf);
	v33 =	vadd.f32 v34, v56  }
0x148: {  	v32 =	vmul.f32 v38, v32;
	v57 =	vpop (erf)  }
0x149: {  	v33 =	vmul.f32 v57, v33  }
0x14a: {  	v32 =	vmul.f32 v32, v32  }
0x14b: {  	v33 =	vmul.f32 v33, v33  }
0x14c: {  	vm4 =	vgt.f32 v32, $1.000000000e+00  }
0x14d: {  	v58 =	vsel vm4, $0x0, v1;
	vm4 =	vgt.f32 v33, $1.000000000e+00  }
0x14e: {  	v59 =	vsub.f32 $1.000000000e+00, v58;
	v32 =	vmul.f32 v58, v32;
	v60 =	vsel vm4, $0x0, v1  }
0x14f: {  	v33 =	vmul.f32 v60, v33;
	v34 =	vsub.f32 $1.000000000e+00, v60  }
0x150: {  	v32 =	vadd.f32 v59, v32  }
0x151: {  	v33 =	vadd.f32 v34, v33  }
0x152: {  	v32 =	vmul.f32 $-3.140000100e+00, v32  }
0x153: {  	s10 =	sshll.u32 s28, $0x4;
	v33 =	vmul.f32 $-3.140000100e+00, v33  }
0x154: {  	s9 =	sadd.s32 $0x20, s30;
	v41 =	vld [tilespmem:s10+$0x700];
	v32 =	vmul.f32 $1.442695020e+00, v32  }
0x155: {  	s0 =	sadd.s32 $0x20, s29;
	s8 =	sshll.u32 s26, $0x4;
	v43 =	vld [tilespmem:s10+$0x600];
	s26 =	sadd.s32 $0x20, s9;
	v33 =	vmul.f32 $1.442695020e+00, v33  }
0x156: {  	s7 =	sand.u32 $0x70, s0;
	s0 =	sadd.s32 $0x20, s0;
	v40 =	vld [tilespmem:s26+$0x0];
	(erf) = vpow2.f32 v32  }
0x157: {  	s0 =	sand.u32 $0x70, s0;
	v39 =	vld [tilespmem:s26+$0xFFFFFFF0];
	(erf) = vpow2.f32 v33  }
0x158: {  	v42 =	vld [tilespmem:s0+$0x700]  }
0x159: {  	v61 =	vld [tilespmem:s0+$0x600]  }
0x15a: {  	v46 =	vld [tilespmem:s7+$0x700]  }
0x15b: {  	v47 =	vld [tilespmem:s7+$0x600]  }
0x15c: {  	v48 =	vld [tilespmem:s8+$0x700]  }
0x15d: {  	v49 =	vld [tilespmem:s8+$0x600]  }
0x15e: {  	v51 =	vld [tilespmem:s9+$0xFFFFFFF0]  }
0x15f: {  	s2 =	sadd.s32 $0x20, s2;
	v50 =	vld [tilespmem:s9+$0x0];
	v62 =	vpop (erf)  }
0x160: {  	v36 =	vld [tilespmem:s2+$0x0];
	v63 =	vpop (erf)  }
0x161: {  	v33 =	vld [tilespmem:s2+$0xFFFFFFF0];
	_ =	swait.ge [sflag:s23], $0x80  }
0x162: {  	[sflag:s23] =	ssyncset.done $0x0  }
0x163: {  	[sflag:s23] =	ssyncadd.s32 $0xFFFFFF80  }
0x164: {  	_ =	swait.ge [sflag:s23], $0x80  }
0x165: {  	[sflag:s23] =	ssyncset.done $0x0  }
0x166: {  	[sflag:s23] =	ssyncadd.s32 $0xFFFFFF80  }
0x167: {  	_ =	swait.ge [sflag:s23], $0x80  }
0x168: {  	[sflag:s23] =	ssyncset.done $0x0  }
0x169: {  	[sflag:s23] =	ssyncadd.s32 $0xFFFFFF80  }
0x16a: {  	_ =	swait.ge [sflag:s23], $0x80  }
0x16b: {  	[sflag:s23] =	ssyncset.done $0x0  }
0x16c: {  	[sflag:s23] =	ssyncadd.s32 $0xFFFFFF80  }
0x16d: {  	_ =	swait.ge [sflag:s23], $0x80  }
0x16e: {  	[sflag:s23] =	ssyncset.done $0x0  }
0x16f: {  	[sflag:s23] =	ssyncadd.s32 $0xFFFFFF80  }
0x170: {  	_ =	swait.ge [sflag:s23], $0x80  }
0x171: {  	[sflag:s23] =	ssyncset.done $0x0  }
0x172: {  	[sflag:s23] =	ssyncadd.s32 $0xFFFFFF80  }
0x173: {  	_ =	swait.ge [sflag:s23], $0x80  }
0x174: {  	[sflag:s23] =	ssyncset.done $0x0  }
0x175: {  	[sflag:s23] =	ssyncadd.s32 $0xFFFFFF80  }
0x176: {  	_ =	swait.ge [sflag:s23], $0x80  }
0x177: {  	[sflag:s23] =	ssyncset.done $0x0  }
0x178: {  	[sflag:s23] =	ssyncadd.s32 $0xFFFFFF80  }
0x179: {  	_ =	swait.ge [sflag:s23], $0x80  }
0x17a: {  	[sflag:s23] =	ssyncset.done $0x0  }
0x17b: {  	[sflag:s23] =	ssyncadd.s32 $0xFFFFFF80  }
0x17c: {  	_ =	swait.ge [sflag:s23], $0x80  }
0x17d: {  	[sflag:s23] =	ssyncset.done $0x0  }
0x17e: {  	[sflag:s23] =	ssyncadd.s32 $0xFFFFFF80  }
0x17f: {  	v17 =	vadd.f32 v35, v17;
	_ =	swait.ge [sflag:s23], $0x80  }
0x180: {  	v19 =	vadd.f32 v37, v19;
	v14 =	vadd.f32 v14, v16;
	v16 =	vand.u32 $0x7FFFFFFF, v30;
	[sflag:s23] =	ssyncset.done $0x0  }
0x181: {  	v16 =	vadd.f32 v16, v17;
	v53 =	vand.u32 $0x7FFFFFFF, v31;
	[sflag:s23] =	ssyncadd.s32 $0xFFFFFF80  }
0x182: {  	v17 =	vadd.f32 v53, v19;
	v19 =	vcvt.s32.f32 v49;
	v56 =	vsub.f32 $1.000000000e+00, v44;
	_ =	swait.ge [sflag:s23], $0x80  }
0x183: {  	v15 =	vadd.f32 v28, v15;
	vm5 =	veq.f32 v18, $0.0e+00;
	[sflag:s23] =	ssyncset.done $0x0  }
0x184: {  	v54 =	vsel vm5, $0x1, v3;
	v30 =	vmul.f32 v19, v56;
	[sflag:s23] =	ssyncadd.s32 $0xFFFFFF80  }
0x185: {  	v15 =	vadd.f32 v22, v15;
	vm5 =	veq.s32 v48, v54;
	vm4 =	veq.f32 v20, $0.0e+00;
	_ =	swait.ge [sflag:s23], $0x80  }
0x186: {  	v7 =	vmul.f32 v30, v7;
	v6 =	vmul.f32 v30, v6;
	v52 =	vsel vm4, $0x1, v3;
	[sflag:s23] =	ssyncset.done $0x0  }
0x187: {  	v9 =	vmul.f32 v30, v9;
	v10 =	vmul.f32 v30, v10;
	vm4 =	veq.s32 v46, v52;
	s2 =	simm.s32 $0x0;
	[sflag:s23] =	ssyncadd.s32 $0xFFFFFF80  }
0x188: {  	v58 =	vsel vm5, $0x3F800000, v2;
	v59 =	vcvt.s32.f32 v47;
	v55 =	vsel vm4, $0x3F800000, v2;
	s0 =	sand.u32 $0x6, s2;
	_ =	swait.ge [sflag:s23], $0x80  }
0x189: {  	v60 =	vsub.f32 $1.000000000e+00, v45;
	v57 =	vmul.f32 v55, v50;
	v20 =	vmul.f32 v55, v20;
	s3 =	sshll.u32 s0, $0x7;
	[sflag:s23] =	ssyncset.done $0x0  }
0x18a: {  	v13 =	vadd.f32 v13, v14;
	v22 =	vmul.f32 v58, v51;
	v18 =	vmul.f32 v58, v18;
	s2 =	sadd.s32 $0x0, s3;
	[sflag:s23] =	ssyncadd.s32 $0xFFFFFF80  }
0x18b: {  	s5 =	simm.s32 $0x0;
	v6 =	vsub.f32 v7, v6;
	v14 =	vsub.f32 v57, v20;
	v20 =	vmul.f32 v59, v60;
	s2 =	sadd.s32 $0x80, s2;
	_ =	swait.ge [sflag:s23], $0x80  }
0x18c: {  	s6 =	simm.s32 $0x0;
	s7 =	sand.u32 $0x300, s5;
	v7 =	vsub.f32 v9, v10;
	v18 =	vsub.f32 v22, v18;
	v22 =	vor.u32 s2, v0;
	[sflag:s23] =	ssyncset.done $0x0  }
0x18d: {  	v5 =	vmul.f32 v20, v5;
	v4 =	vmul.f32 v20, v4;
	s2 =	sor.u32 s7, s6;
	[sflag:s23] =	ssyncadd.s32 $0xFFFFFF80  }
0x18e: {  	v6 =	vand.u32 $0x7FFFFFFF, v6;
	v7 =	vand.u32 $0x7FFFFFFF, v7;
	v9 =	vmul.f32 v20, v11;
	s2 =	sor.u32 $0xC0, s2;
	_ =	swait.ge [sflag:s23], $0x80  }
0x18f: {  	v10 =	vmul.f32 v20, v12;
	v4 =	vsub.f32 v5, v4;
	v5 =	vor.u32 s2, v0;
	[sflag:s23] =	ssyncset.done $0x0  }
0x190: {  	v6 =	vadd.f32 v6, v16;
	v7 =	vadd.f32 v7, v17;
	vm4 =	veq.f32 v36, $0.0e+00;
	[sflag:s23] =	ssyncadd.s32 $0xFFFFFF80  }
0x191: {  	v11 =	vand.u32 $0x7FFFFFFF, v18;
	v12 =	vadd.f32 v19, v13;
	v9 =	vsub.f32 v9, v10;
	v10 =	vld.idx.msk [tilespmem:v22+s21+$0x0], $0xffff  }
0x192: {  	v13 =	vand.u32 $0x7FFFFFFF, v14;
	v20 =	vcvt.s32.f32 v43;
	v4 =	vand.u32 $0x7FFFFFFF, v4  }
0x193: {  	v11 =	vadd.f32 v11, v15;
	v9 =	vand.u32 $0x7FFFFFFF, v9;
	v4 =	vadd.f32 v4, v6  }
0x194: {  	v6 =	vadd.f32 v9, v7;
	v9 =	vadd.f32 v59, v12;
	v12 =	vsel vm4, $0x1, v3;
	v5 =	vld.idx.msk [tilespmem:v5+s21+$0x0], $0xffff  }
0x195: {  	s8 =	simm.s32 $0x0;
	v7 =	vadd.f32 v13, v11;
	vm5 =	veq.f32 v33, $0.0e+00;
	vm4 =	veq.s32 v42, v12  }
0x196: {  	v11 =	vsel vm5, $0x1, v3;
	v9 =	vadd.f32 v20, v9;
	s2 =	sand.u32 $0x1, s8;
	v10 =	vshll.u32 v10, $0x1  }
0x197: {  	vm5 =	veq.s32 v41, v11;
	v11 =	vsel vm4, $0x3F800000, v2;
	v12 =	vor.u32 s2, v10  }
0x198: {  	s9 =	simm.s32 $0xC10;
	v18 =	vsub.f32 $1.000000000e+00, v62;
	v14 =	vsel vm5, $0x3F800000, v2;
	v12 =	vshll.u32 v12, $0x7  }
0x199: {  	v5 =	vshll.u32 v5, $0x1;
	v10 =	vshra.s32 v10, $0x3;
	v13 =	vand.u32 $0x380, v12;
	v12 =	vld [tilespmem:s9+$0xFFFFFFF0]  }
0x19a: {  	v15 =	vmul.f32 v11, v40;
	v10 =	vadd.s32 v13, v10;
	v13 =	vor.u32 s2, v5  }
0x19b: {  	v11 =	vmul.f32 v11, v36;
	v10 =	vadd.s32 $0x400, v10;
	v17 =	vshll.u32 v13, $0x7  }
0x19c: {  	v16 =	vmul.f32 v14, v39;
	v5 =	vshra.s32 v5, $0x3;
	v13 =	vld [tilespmem:s9+$0x0];
	v17 =	vand.u32 $0x380, v17  }
0x19d: {  	v19 =	vmul.f32 v14, v33;
	v11 =	vsub.f32 v15, v11;
	v5 =	vadd.s32 v17, v5  }
0x19e: {  	s10 =	simm.s32 $0x1C10;
	v17 =	vmul.f32 v20, v18;
	v15 =	vand.u32 $0x7FFFFFFF, v12;
	v5 =	vadd.s32 $0x400, v5  }
0x19f: {  	v61 =	vcvt.s32.f32 v61;
	v14 =	vld [tilespmem:s10+$0xFFFFFFF0];
	v18 =	vsub.f32 $1.000000000e+00, v63;
	v22 =	vadd.f32 $9.999999740e-05, v15  }
0x1a0: {  	s26 =	simm.s32 $0x2;
	v19 =	vsub.f32 v16, v19;
	v29 =	vmul.f32 v17, v29;
	v23 =	vmul.f32 v17, v23;
	v15 =	vld.idx.msk [tilespmem:v10+s19+$0x0], $0xffff  }
0x1a1: {  	s26 =	sand.u32 $0x6, s26;
	v62 =	vmul.f32 v61, v18;
	v16 =	vld.idx.msk [tilespmem:v10+s22+$0x0], $0xffff;
	v10 =	vand.u32 $0x7FFFFFFF, v13;
	(erf) = vrcp.f32 v22  }
0x1a2: {  	s3 =	sshll.u32 s26, $0x7;
	v22 =	vmul.f32 v17, v26;
	v26 =	vmul.f32 v17, v27;
	v17 =	vld [tilespmem:s10+$0x0];
	v10 =	vadd.f32 $9.999999740e-05, v10  }
0x1a3: {  	s2 =	sadd.s32 $0x0, s3;
	v27 =	vand.u32 $0x7FFFFFFF, v19;
	v23 =	vsub.f32 v29, v23;
	v8 =	vmul.f32 v62, v8;
	v18 =	vld.idx.msk [tilespmem:v5+s19+$0x0], $0xffff  }
0x1a4: {  	s2 =	sadd.s32 $0x80, s2;
	v21 =	vmul.f32 v62, v21;
	v22 =	vsub.f32 v22, v26;
	v19 =	vld.idx.msk [tilespmem:v5+s22+$0x0], $0xffff;
	(erf) = vrcp.f32 v10  }
0x1a5: {  	v5 =	vmul.f32 v62, v24;
	v10 =	vmul.f32 v62, v25;
	v24 =	vor.u32 s2, v0  }
0x1a6: {  	s5 =	simm.s32 $0x100;
	v25 =	vsub.f32 v14, v12;
	v26 =	vsub.f32 v15, v16  }
0x1a7: {  	s6 =	simm.s32 $0x0;
	v8 =	vsub.f32 v8, v21;
	v21 =	vand.u32 $0x7FFFFFFF, v23;
	s2 =	sand.u32 $0x300, s5;
	v5 =	vsub.f32 v5, v10  }
0x1a8: {  	s2 =	sor.u32 s2, s6;
	v23 =	vand.u32 $0x7FFFFFFF, v25;
	v10 =	vsub.f32 v17, v13;
	v25 =	vand.u32 $0x7FFFFFFF, v26  }
0x1a9: {  	v22 =	vand.u32 $0x7FFFFFFF, v22;
	s2 =	sor.u32 $0xC0, s2;
	v23 =	vadd.f32 v23, v25;
	v25 =	vsub.f32 v18, v19  }
0x1aa: {  	v4 =	vadd.f32 v21, v4;
	v6 =	vadd.f32 v22, v6;
	v26 =	vor.u32 s2, v0;
	v24 =	vld.idx.msk [tilespmem:v24+s21+$0x0], $0xffff;
	v21 =	vpop (erf)  }
0x1ab: {  	v10 =	vand.u32 $0x7FFFFFFF, v10;
	v22 =	vand.u32 $0x7FFFFFFF, v25;
	v21 =	vmul.f32 v21, v23  }
0x1ac: {  	v11 =	vand.u32 $0x7FFFFFFF, v11;
	v7 =	vadd.f32 v27, v7;
	v10 =	vadd.f32 v10, v22  }
0x1ad: {  	v8 =	vand.u32 $0x7FFFFFFF, v8;
	v5 =	vand.u32 $0x7FFFFFFF, v5;
	v23 =	vpop (erf);
	v20 =	vmul.f32 v21, v21  }
0x1ae: {  	s0 =	sshll.u32 s0, $0x4;
	v22 =	vadd.f32 v5, v6;
	v21 =	vadd.f32 v8, v4;
	v4 =	vmul.f32 v23, v10  }
0x1af: {  	s8 =	simm.s32 $0x0;
	v41 =	vld [tilespmem:s0+$0x780];
	v23 =	vadd.f32 v11, v7;
	v6 =	vshll.u32 v24, $0x1;
	vm4 =	vgt.f32 v20, $1.000000000e+00  }
0x1b0: {  	s29 =	simm.s32 $0x410;
	s3 =	sand.u32 $0x1, s8;
	v8 =	vld.idx.msk [tilespmem:v26+s21+$0x0], $0xffff;
	v26 =	vadd.f32 v61, v9;
	v10 =	vmul.f32 v4, v4;
	v7 =	vsel vm4, $0x0, v1  }
0x1b1: {  	s31 =	simm.s32 $0x4;
	v42 =	vld [tilespmem:s0+$0x680];
	s6 =	sand.u32 $0x70, s29;
	v5 =	vor.u32 s3, v6;
	v11 =	vmul.f32 v7, v20;
	v7 =	vsub.f32 $1.000000000e+00, v7  }
0x1b2: {  	s30 =	simm.s32 $0xC30;
	s28 =	sand.u32 $0x6, s31;
	v27 =	vld [tilespmem:s6+$0x780];
	v6 =	vshra.s32 v6, $0x3;
	v4 =	vshll.u32 v5, $0x7;
	vm4 =	vgt.f32 v10, $1.000000000e+00  }
0x1b3: {  	s7 =	simm.s32 $0x1410;
	s10 =	sshll.u32 s28, $0x7;
	v5 =	vld [tilespmem:s30+$0xFFFFFFF0];
	v9 =	vand.u32 $0x380, v4;
	v20 =	vsel vm4, $0x0, v1;
	v11 =	vadd.f32 v7, v11  }
0x1b4: {  	s5 =	sadd.s32 $0x0, s10;
	v25 =	vld [tilespmem:s7+$0xFFFFFFF0];
	v6 =	vadd.s32 v9, v6;
	v9 =	vmul.f32 v20, v10;
	v10 =	vsub.f32 $1.000000000e+00, v20  }
0x1b5: {  	s9 =	simm.s32 $0x1C30;
	s2 =	sadd.s32 $0x80, s5;
	v24 =	vld [tilespmem:s7+$0x0];
	v8 =	vshll.u32 v8, $0x1;
	v20 =	vadd.s32 $0x400, v6;
	v11 =	vmul.f32 $-3.140000100e+00, v11  }
0x1b6: {  	v63 =	vor.u32 s2, v0;
	v4 =	vld [tilespmem:s9+$0x0];
	v39 =	vor.u32 s3, v8;
	v9 =	vadd.f32 v10, v9  }
0x1b7: {  	v6 =	vld [tilespmem:s30+$0x0];
	s3 =	simm.s32 $0x200;
	v8 =	vshra.s32 v8, $0x3;
	v29 =	vshll.u32 v39, $0x7;
	v11 =	vmul.f32 $1.442695020e+00, v11  }
0x1b8: {  	v40 =	vand.u32 $0x7FFFFFFF, v5;
	v10 =	vld [tilespmem:s6+$0x680];
	v29 =	vand.u32 $0x380, v29;
	v9 =	vmul.f32 $-3.140000100e+00, v9  }
0x1b9: {  	s7 =	simm.s32 $0x0;
	v7 =	vld [tilespmem:s9+$0xFFFFFFF0];
	s8 =	sand.u32 $0x300, s3;
	v30 =	vadd.f32 $9.999999740e-05, v40;
	v29 =	vadd.s32 v29, v8;
	(erf) = vpow2.f32 v11  }
0x1ba: {  	v51 =	vcvt.s32.f32 v42;
	s2 =	sor.u32 s8, s7;
	v8 =	vld.idx.msk [tilespmem:v20+s19+$0x0], $0xffff;
	v11 =	vadd.s32 $0x400, v29;
	v44 =	vmul.f32 $1.442695020e+00, v9  }
0x1bb: {  	s0 =	simm.s32 $0x2410;
	vm4 =	veq.f32 v25, $0.0e+00;
	vm5 =	veq.f32 v24, $0.0e+00;
	s9 =	sor.u32 $0xC0, s2;
	v9 =	vld.idx.msk [tilespmem:v20+s22+$0x0], $0xffff;
	(erf) = vrcp.f32 v30  }
0x1bc: {  	v48 =	vld [tilespmem:s0+$0xFFFFFFF0];
	v50 =	vsel vm4, $0x1, v3;
	v43 =	vor.u32 s9, v0;
	(erf) = vpow2.f32 v44  }
0x1bd: {  	v46 =	vld [tilespmem:s0+$0x0];
	v45 =	vsub.f32 v4, v6;
	v49 =	vcvt.s32.f32 v10;
	v10 =	vsel vm5, $0x1, v3  }
0x1be: {  	v47 =	vand.u32 $0x7FFFFFFF, v6;
	v20 =	vsub.f32 v7, v5;
	vm4 =	veq.s32 v27, v10;
	v27 =	vld.idx.msk [tilespmem:v63+s21+$0x0], $0xffff  }
0x1bf: {  	v29 =	vadd.f32 $9.999999740e-05, v47;
	vm5 =	veq.s32 v41, v50;
	v30 =	vand.u32 $0x7FFFFFFF, v45;
	v10 =	vld.idx.msk [tilespmem:v11+s19+$0x0], $0xffff  }
0x1c0: {  	v20 =	vand.u32 $0x7FFFFFFF, v20;
	v54 =	vsel vm5, $0x3F800000, v2;
	v52 =	vsub.f32 v8, v9;
	v11 =	vld.idx.msk [tilespmem:v11+s22+$0x0], $0xffff  }
0x1c1: {  	v53 =	vsel vm4, $0x3F800000, v2;
	v56 =	vmul.f32 v54, v48;
	v25 =	vmul.f32 v54, v25  }
0x1c2: {  	v34 =	vmul.f32 v53, v46;
	v24 =	vmul.f32 v53, v24;
	v55 =	vand.u32 $0x7FFFFFFF, v52;
	v57 =	vpop (erf)  }
0x1c3: {  	(erf) = vrcp.f32 v29;
	v29 =	vadd.f32 v20, v55;
	v32 =	vsub.f32 $1.000000000e+00, v57  }
0x1c4: {  	s10 =	simm.s32 $0x0;
	v31 =	vsub.f32 v56, v25;
	v25 =	vsub.f32 v34, v24;
	v20 =	vshll.u32 v27, $0x1;
	v27 =	vpop (erf)  }
0x1c5: {  	s6 =	sand.u32 $0x1, s10;
	v60 =	vsub.f32 v10, v11;
	v27 =	vmul.f32 v27, v29;
	v59 =	vpop (erf);
	v58 =	vmul.f32 v51, v32  }
0x1c6: {  	v61 =	vand.u32 $0x7FFFFFFF, v25;
	v24 =	vor.u32 s6, v20;
	v32 =	vsub.f32 $1.000000000e+00, v59  }
0x1c7: {  	v62 =	vand.u32 $0x7FFFFFFF, v60;
	v25 =	vmul.f32 v27, v27;
	v14 =	vmul.f32 v58, v14  }
0x1c8: {  	v27 =	vand.u32 $0x7FFFFFFF, v31;
	v12 =	vmul.f32 v58, v12;
	v32 =	vmul.f32 v49, v32  }
0x1c9: {  	v30 =	vadd.f32 v30, v62;
	v15 =	vmul.f32 v58, v15;
	v16 =	vmul.f32 v58, v16  }
0x1ca: {  	v12 =	vsub.f32 v14, v12;
	v14 =	vmul.f32 v32, v17;
	v13 =	vmul.f32 v32, v13  }
0x1cb: {  	v15 =	vsub.f32 v15, v16;
	v16 =	vmul.f32 v32, v18;
	v18 =	vmul.f32 v32, v19  }
0x1cc: {  	vm4 =	vgt.f32 v25, $1.000000000e+00;
	v13 =	vsub.f32 v14, v13;
	v12 =	vand.u32 $0x7FFFFFFF, v12  }
0x1cd: {  	v17 =	vpop (erf);
	v14 =	vand.u32 $0x7FFFFFFF, v15;
	v15 =	vsub.f32 v16, v18;
	v18 =	vadd.f32 v27, v23  }
0x1ce: {  	v63 =	vmul.f32 v17, v30;
	v12 =	vadd.f32 v12, v21;
	v14 =	vadd.f32 v14, v22  }
0x1cf: {  	s2 =	simm.s32 $0x1430;
	v19 =	vld.idx.msk [tilespmem:v43+s21+$0x0], $0xffff;
	v23 =	vadd.f32 v51, v26;
	v13 =	vand.u32 $0x7FFFFFFF, v13;
	v15 =	vand.u32 $0x7FFFFFFF, v15  }
0x1d0: {  	v17 =	vld [tilespmem:s2+$0xFFFFFFF0];
	v22 =	vsel vm4, $0x0, v1;
	v12 =	vadd.f32 v13, v12;
	v13 =	vadd.f32 v15, v14  }
0x1d1: {  	s5 =	simm.s32 $0x1C50;
	v16 =	vld [tilespmem:s2+$0x0];
	v21 =	vmul.f32 v63, v63;
	v14 =	vadd.f32 v61, v18;
	v15 =	vadd.f32 v49, v23  }
.LBB2_4:
0x1d2: {  	s31 =	sadd.s32 $0x2, s31;
	v23 =	vshll.u32 v24, $0x7;
	v18 =	vld [tilespmem:s5+$0x0];
	v24 =	vmul.f32 v22, v25;
	v22 =	vsub.f32 $1.000000000e+00, v22;
	s30 =	sadd.s32 $0x20, s30  }
0x1d3: {  	v20 =	vshra.s32 v20, $0x3;
	s7 =	sand.u32 $0x6, s31;
	p0 =	slt.u32 s31, $0x3E;
	v23 =	vand.u32 $0x380, v23;
	v26 =	vld [tilespmem:s30+$0xFFFFFFF0];
	vm4 =	vgt.f32 v21, $1.000000000e+00  }
0x1d4: {  	s29 =	sadd.s32 $0x20, s29;
	s9 =	sshrl.u32 s31, $0x4;
	s8 =	sshll.u32 s7, $0x7;
	v20 =	vadd.s32 v23, v20;
	v23 =	vld [tilespmem:s5+$0xFFFFFFF0];
	v22 =	vadd.f32 v22, v24;
	v24 =	vsel vm4, $0x0, v1  }
0x1d5: {  	s10 =	sand.u32 $0x70, s29;
	s8 =	sadd.s32 s9, s8;
	v20 =	vadd.s32 $0x400, v20;
	v27 =	vld [tilespmem:s30+$0x0];
	v21 =	vmul.f32 v24, v21;
	v24 =	vsub.f32 $1.000000000e+00, v24  }
0x1d6: {  	v19 =	vshll.u32 v19, $0x1;
	s8 =	sadd.s32 $0x80, s8;
	v22 =	vmul.f32 $-3.140000100e+00, v22;
	v25 =	vld [tilespmem:s10+$0x780]  }
0x1d7: {  	s3 =	sadd.s32 $0x100, s3;
	v29 =	vor.u32 s6, v19;
	s6 =	sshll.u32 s26, $0x4;
	s26 =	smov.u32 s28;
	v28 =	vor.u32 s8, v0;
	v30 =	vld [tilespmem:s10+$0x680];
	v21 =	vadd.f32 v24, v21  }
0x1d8: {  	s28 =	smov.u32 s7;
	s8 =	sand.u32 $0x300, s3;
	v29 =	vshll.u32 v29, $0x7;
	v24 =	vand.u32 $0x7FFFFFFF, v26;
	v31 =	vld [tilespmem:s6+$0x780];
	v22 =	vmul.f32 $1.442695020e+00, v22  }
0x1d9: {  	v19 =	vshra.s32 v19, $0x3;
	s7 =	sor.u32 s8, s9;
	v29 =	vand.u32 $0x380, v29;
	v32 =	vld [tilespmem:s6+$0x680];
	v21 =	vmul.f32 $-3.140000100e+00, v21  }
0x1da: {  	s6 =	sor.u32 $0xC0, s7;
	v24 =	vadd.f32 $9.999999740e-05, v24;
	v19 =	vadd.s32 v29, v19;
	v33 =	vld.idx.msk [tilespmem:v20+s19+$0x0], $0xffff;
	(erf) = vpow2.f32 v22  }
0x1db: {  	v22 =	vor.u32 s6, v0;
	v19 =	vadd.s32 $0x400, v19;
	v29 =	vld.idx.msk [tilespmem:v20+s22+$0x0], $0xffff;
	v20 =	vmul.f32 $1.442695020e+00, v21  }
0x1dc: {  	s0 =	sadd.s32 $0x20, s0;
	vm5 =	veq.f32 v16, $0.0e+00;
	vm4 =	veq.f32 v17, $0.0e+00;
	(erf) = vrcp.f32 v24  }
0x1dd: {  	v21 =	vsub.f32 v23, v26;
	v24 =	vsub.f32 v18, v27;
	v34 =	vld [tilespmem:s0+$0x0];
	(erf) = vpow2.f32 v20  }
0x1de: {  	v36 =	vsel vm5, $0x1, v3;
	v30 =	vcvt.s32.f32 v30;
	v20 =	vand.u32 $0x7FFFFFFF, v27;
	v35 =	vld [tilespmem:s0+$0xFFFFFFF0]  }
0x1df: {  	v37 =	vsel vm4, $0x1, v3;
	vm4 =	veq.s32 v25, v36;
	v20 =	vadd.f32 $9.999999740e-05, v20;
	v28 =	vld.idx.msk [tilespmem:v28+s21+$0x0], $0xffff  }
0x1e0: {  	v21 =	vand.u32 $0x7FFFFFFF, v21;
	vm5 =	veq.s32 v31, v37;
	v32 =	vcvt.s32.f32 v32;
	v36 =	vld.idx.msk [tilespmem:v19+s19+$0x0], $0xffff  }
0x1e1: {  	v25 =	vsub.f32 v33, v29;
	v19 =	vld.idx.msk [tilespmem:v19+s22+$0x0], $0xffff;
	(erf) = vrcp.f32 v20;
	v20 =	vsel vm4, $0x3F800000, v2  }
0x1e2: {  	v37 =	vsel vm5, $0x3F800000, v2;
	v34 =	vmul.f32 v20, v34;
	v16 =	vmul.f32 v20, v16  }
0x1e3: {  	v17 =	vmul.f32 v37, v17;
	v20 =	vand.u32 $0x7FFFFFFF, v25;
	v38 =	vmul.f32 v37, v35;
	v31 =	vpop (erf)  }
0x1e4: {  	s6 =	sshrl.u32 s31, $0x3;
	v21 =	vadd.f32 v21, v20;
	v35 =	vand.u32 $0x7FFFFFFF, v24;
	v31 =	vsub.f32 $1.000000000e+00, v31  }
0x1e5: {  	s6 =	sand.u32 $0x1, s6;
	v20 =	vshll.u32 v28, $0x1;
	v16 =	vsub.f32 v34, v16;
	v28 =	vpop (erf);
	v17 =	vsub.f32 v38, v17  }
0x1e6: {  	v24 =	vor.u32 s6, v20;
	v21 =	vmul.f32 v28, v21;
	v28 =	vmul.f32 v32, v31;
	v25 =	vpop (erf)  }
0x1e7: {  	v31 =	vsub.f32 v36, v19;
	v37 =	vand.u32 $0x7FFFFFFF, v16;
	v34 =	vsub.f32 $1.000000000e+00, v25  }
0x1e8: {  	v17 =	vand.u32 $0x7FFFFFFF, v17;
	v25 =	vmul.f32 v21, v21;
	v16 =	vmul.f32 v28, v7;
	v7 =	vmovc v23  }
0x1e9: {  	v21 =	vand.u32 $0x7FFFFFFF, v31;
	v23 =	vmul.f32 v28, v5;
	v5 =	vmovc v26;
	v31 =	vmul.f32 v30, v34  }
0x1ea: {  	v21 =	vadd.f32 v35, v21;
	v34 =	vmul.f32 v28, v8;
	v35 =	vmul.f32 v28, v9;
	v26 =	vpop (erf)  }
0x1eb: {  	v16 =	vsub.f32 v16, v23;
	v23 =	vmul.f32 v31, v4;
	v28 =	vmul.f32 v31, v6;
	v4 =	vmovc v18  }
0x1ec: {  	v18 =	vsub.f32 v34, v35;
	v34 =	vmul.f32 v31, v10;
	v31 =	vmul.f32 v31, v11;
	v6 =	vmovc v27  }
0x1ed: {  	v8 =	vmovc v33;
	v9 =	vmovc v29;
	vm4 =	vgt.f32 v25, $1.000000000e+00;
	v21 =	vmul.f32 v26, v21;
	v23 =	vsub.f32 v23, v28  }
.Ltmp1:
0x1ee: {  	v10 =	vmovc v36;
	v11 =	vmovc v19;
	v16 =	vand.u32 $0x7FFFFFFF, v16;
	v18 =	vand.u32 $0x7FFFFFFF, v18;
	v26 =	vsub.f32 v34, v31;
	(pc) =	sbr.rel @p0 .LBB2_4-.Ltmp1, $4  }
0x1ef: {  	s2 =	sadd.s32 $0x20, s2;
	v12 =	vadd.f32 v16, v12;
	v13 =	vadd.f32 v18, v13;
	v18 =	vand.u32 $0x7FFFFFFF, v23  }
0x1f0: {  	v15 =	vadd.f32 v32, v15;
	v14 =	vadd.f32 v17, v14;
	v17 =	vand.u32 $0x7FFFFFFF, v26;
	v16 =	vld [tilespmem:s2+$0x0]  }
0x1f1: {  	v12 =	vadd.f32 v18, v12;
	v13 =	vadd.f32 v17, v13;
	v19 =	vld.idx.msk [tilespmem:v22+s21+$0x0], $0xffff;
	v22 =	vsel vm4, $0x0, v1  }
0x1f2: {  	s5 =	sadd.s32 $0x20, s5;
	v15 =	vadd.f32 v30, v15;
	v14 =	vadd.f32 v37, v14;
	v21 =	vmul.f32 v21, v21;
	v17 =	vld [tilespmem:s2+$0xFFFFFFF0]  }
0x1f3: {  	_ = 	snop  }
0x1f4: {  	v18 =	vshll.u32 v24, $0x7;
	v23 =	vmul.f32 v22, v25;
	v35 =	vsub.f32 $1.000000000e+00, v22  }
0x1f5: {  	s3 =	sadd.s32 $0x20, s30;
	v20 =	vshra.s32 v20, $0x3;
	v24 =	vand.u32 $0x380, v18;
	vm4 =	vgt.f32 v21, $1.000000000e+00  }
0x1f6: {  	v18 =	vld [tilespmem:s3+$0xFFFFFFF0];
	v20 =	vadd.s32 v24, v20;
	v22 =	vadd.f32 v35, v23;
	v37 =	vshll.u32 v19, $0x1  }
0x1f7: {  	v36 =	vsel vm4, $0x0, v1;
	v24 =	vadd.s32 $0x400, v20;
	v19 =	vor.u32 s6, v37  }
0x1f8: {  	v38 =	vmul.f32 v36, v21;
	v23 =	vsub.f32 $1.000000000e+00, v36;
	v39 =	vshll.u32 v19, $0x7  }
0x1f9: {  	v22 =	vmul.f32 $-3.140000100e+00, v22;
	v20 =	vshra.s32 v37, $0x3;
	v19 =	vld [tilespmem:s3+$0x0];
	v40 =	vand.u32 $0x380, v39  }
0x1fa: {  	v23 =	vadd.f32 v23, v38;
	v20 =	vadd.s32 v40, v20  }
0x1fb: {  	v41 =	vand.u32 $0x7FFFFFFF, v18;
	v22 =	vmul.f32 $1.442695020e+00, v22;
	v26 =	vadd.s32 $0x400, v20  }
0x1fc: {  	v21 =	vld [tilespmem:s5+$0xFFFFFFF0];
	v25 =	vadd.f32 $9.999999740e-05, v41;
	v23 =	vmul.f32 $-3.140000100e+00, v23  }
0x1fd: {  	v20 =	vld.idx.msk [tilespmem:v24+s19+$0x0], $0xffff;
	(erf) = vpow2.f32 v22  }
0x1fe: {  	v22 =	vld.idx.msk [tilespmem:v24+s22+$0x0], $0xffff;
	(erf) = vrcp.f32 v25;
	v42 =	vmul.f32 $1.442695020e+00, v23;
	v43 =	vand.u32 $0x7FFFFFFF, v19  }
0x1ff: {  	v23 =	vld [tilespmem:s5+$0x0];
	v27 =	vadd.f32 $9.999999740e-05, v43  }
0x200: {  	(erf) = vpow2.f32 v42;
	v24 =	vld.idx.msk [tilespmem:v26+s19+$0x0], $0xffff  }
0x201: {  	v25 =	vld.idx.msk [tilespmem:v26+s22+$0x0], $0xffff;
	(erf) = vrcp.f32 v27;
	_ =	sdelay $0x1  }
0x202: {  	v44 =	vsub.f32 v21, v18;
	v45 =	vsub.f32 v20, v22  }
0x203: {  	s9 =	sadd.s32 $0x20, s29  }
0x204: {  	s10 =	sand.u32 $0x70, s9;
	v26 =	vand.u32 $0x7FFFFFFF, v44;
	v30 =	vsub.f32 v23, v19;
	v27 =	vand.u32 $0x7FFFFFFF, v45  }
0x205: {  	v28 =	vld [tilespmem:s10+$0x780];
	v26 =	vadd.f32 v26, v27;
	v29 =	vpop (erf);
	v32 =	vsub.f32 v24, v25  }
0x206: {  	s26 =	sshll.u32 s26, $0x4;
	v31 =	vpop (erf)  }
0x207: {  	s0 =	sadd.s32 $0x20, s0;
	v46 =	vld [tilespmem:s26+$0x780];
	v30 =	vand.u32 $0x7FFFFFFF, v30;
	v26 =	vmul.f32 v31, v26;
	v47 =	vand.u32 $0x7FFFFFFF, v32  }
0x208: {  	v33 =	vld [tilespmem:s0+$0x0];
	vm5 =	veq.f32 v16, $0.0e+00;
	v35 =	vpop (erf);
	v30 =	vadd.f32 v30, v47  }
0x209: {  	s2 =	sadd.s32 $0x20, s2;
	v48 =	vld [tilespmem:s26+$0x680];
	v34 =	vsel vm5, $0x1, v3;
	vm4 =	veq.f32 v17, $0.0e+00;
	v26 =	vmul.f32 v26, v26;
	v50 =	vpop (erf)  }
0x20a: {  	v62 =	vld [tilespmem:s2+$0x0];
	v36 =	vsel vm4, $0x1, v3;
	vm4 =	veq.s32 v28, v34;
	v28 =	vmul.f32 v50, v30  }
0x20b: {  	v51 =	vld [tilespmem:s0+$0xFFFFFFF0];
	v52 =	vsel vm4, $0x3F800000, v2;
	vm4 =	vgt.f32 v26, $1.000000000e+00  }
0x20c: {  	vm5 =	veq.s32 v46, v36;
	v54 =	vsel vm4, $0x0, v1;
	v28 =	vmul.f32 v28, v28  }
0x20d: {  	v53 =	vmul.f32 v52, v33;
	v26 =	vmul.f32 v54, v26;
	v33 =	vsub.f32 $1.000000000e+00, v54  }
0x20e: {  	v56 =	vcvt.s32.f32 v48;
	v57 =	vsel vm5, $0x3F800000, v2;
	vm4 =	vgt.f32 v28, $1.000000000e+00  }
0x20f: {  	v49 =	vld [tilespmem:s10+$0x680];
	vm5 =	veq.f32 v62, $0.0e+00;
	v26 =	vadd.f32 v33, v26;
	v59 =	vsel vm4, $0x0, v1  }
0x210: {  	v58 =	vmul.f32 v57, v51;
	v28 =	vmul.f32 v59, v28;
	v34 =	vsub.f32 $1.000000000e+00, v59  }
0x211: {  	v60 =	vmul.f32 v57, v17;
	v29 =	vsub.f32 $1.000000000e+00, v29;
	v26 =	vmul.f32 $-3.140000100e+00, v26  }
0x212: {  	v41 =	vadd.f32 v56, v15;
	v55 =	vmul.f32 v52, v16;
	v28 =	vadd.f32 v34, v28  }
0x213: {  	v17 =	vsub.f32 v58, v60;
	v29 =	vmul.f32 v56, v29;
	v26 =	vmul.f32 $1.442695020e+00, v26  }
0x214: {  	v16 =	vsub.f32 v53, v55;
	v31 =	vcvt.s32.f32 v49;
	v28 =	vmul.f32 $-3.140000100e+00, v28  }
0x215: {  	v61 =	vsub.f32 $1.000000000e+00, v35;
	v7 =	vmul.f32 v29, v7;
	(erf) = vpow2.f32 v26  }
0x216: {  	s30 =	sshll.u32 s28, $0x4;
	v17 =	vand.u32 $0x7FFFFFFF, v17;
	v5 =	vmul.f32 v29, v5;
	v63 =	vmul.f32 $1.442695020e+00, v28  }
0x217: {  	v38 =	vld [tilespmem:s30+$0x680];
	v16 =	vand.u32 $0x7FFFFFFF, v16;
	v8 =	vmul.f32 v29, v8;
	v32 =	vmul.f32 v31, v61  }
0x218: {  	s3 =	sadd.s32 $0x20, s9;
	v40 =	vadd.f32 v17, v14;
	v9 =	vmul.f32 v29, v9;
	v34 =	vld [tilespmem:s2+$0xFFFFFFF0];
	(erf) = vpow2.f32 v63  }
0x219: {  	s29 =	sand.u32 $0x70, s3;
	v39 =	vld [tilespmem:s30+$0x780];
	v5 =	vsub.f32 v7, v5;
	v4 =	vmul.f32 v32, v4;
	v6 =	vmul.f32 v32, v6  }
0x21a: {  	v36 =	vld [tilespmem:s29+$0x780];
	v51 =	vadd.f32 v16, v40;
	v8 =	vsub.f32 v8, v9;
	v29 =	vmul.f32 v32, v10  }
0x21b: {  	s0 =	sadd.s32 $0x20, s0;
	v37 =	vld [tilespmem:s29+$0x680];
	v35 =	vmul.f32 v32, v11;
	v5 =	vand.u32 $0x7FFFFFFF, v5;
	v4 =	vsub.f32 v4, v6  }
0x21c: {  	v42 =	vld [tilespmem:s0+$0x0];
	v14 =	vadd.f32 v31, v41;
	v8 =	vand.u32 $0x7FFFFFFF, v8;
	v5 =	vadd.f32 v5, v12  }
0x21d: {  	v43 =	vld [tilespmem:s0+$0xFFFFFFF0];
	v7 =	vsub.f32 v29, v35;
	v4 =	vand.u32 $0x7FFFFFFF, v4;
	vm4 =	veq.f32 v34, $0.0e+00  }
0x21e: {  	v4 =	vadd.f32 v4, v5;
	v5 =	vsel vm5, $0x1, v3;
	v44 =	vsel vm4, $0x1, v3;
	v45 =	vpop (erf)  }
0x21f: {  	vm4 =	veq.s32 v36, v5;
	v5 =	vcvt.s32.f32 v38;
	v46 =	vsub.f32 $1.000000000e+00, v45  }
0x220: {  	v6 =	vcvt.s32.f32 v37;
	vm5 =	veq.s32 v39, v44;
	v11 =	vsel vm4, $0x3F800000, v2  }
0x221: {  	v12 =	vsel vm5, $0x3F800000, v2;
	v15 =	vmul.f32 v11, v42;
	v9 =	vmul.f32 v5, v46;
	v47 =	vpop (erf)  }
0x222: {  	v11 =	vmul.f32 v11, v62;
	v17 =	vmul.f32 v12, v43;
	v48 =	vsub.f32 $1.000000000e+00, v47  }
0x223: {  	v8 =	vadd.f32 v8, v13;
	v49 =	vmul.f32 v12, v34;
	v50 =	vmul.f32 v9, v21  }
0x224: {  	v7 =	vand.u32 $0x7FFFFFFF, v7;
	v52 =	vmul.f32 v9, v18;
	v53 =	vmul.f32 v6, v48  }
0x225: {  	v7 =	vadd.f32 v7, v8;
	v54 =	vmul.f32 v9, v20;
	v9 =	vmul.f32 v9, v22  }
0x226: {  	v10 =	vsub.f32 v50, v52;
	v55 =	vmul.f32 v53, v23;
	v19 =	vmul.f32 v53, v19  }
0x227: {  	v9 =	vsub.f32 v54, v9;
	v56 =	vmul.f32 v53, v24;
	v16 =	vmul.f32 v53, v25  }
0x228: {  	v8 =	vsub.f32 v17, v49;
	v10 =	vand.u32 $0x7FFFFFFF, v10;
	v13 =	vsub.f32 v55, v19  }
0x229: {  	v9 =	vand.u32 $0x7FFFFFFF, v9;
	v4 =	vadd.f32 v10, v4;
	v16 =	vsub.f32 v56, v16  }
0x22a: {  	v57 =	vsub.f32 v15, v11;
	v7 =	vadd.f32 v9, v7;
	v58 =	vand.u32 $0x7FFFFFFF, v13  }
0x22b: {  	v8 =	vand.u32 $0x7FFFFFFF, v8;
	v59 =	vand.u32 $0x7FFFFFFF, v16;
	v4 =	vadd.f32 v58, v4  }
0x22c: {  	v8 =	vadd.f32 v8, v51;
	v7 =	vadd.f32 v59, v7  }
0x22d: {  	v60 =	vand.u32 $0x7FFFFFFF, v57;
	(xrf2) =	vadd.scan.msk.f32 $0xffff, v4  }
0x22e: {  	v4 =	vadd.f32 v5, v14;
	v5 =	vadd.f32 v60, v8;
	(xrf2) =	vadd.scan.msk.f32 $0xffff, v7;
	_ =	sdelay $0x1  }
0x22f: {  	v4 =	vadd.f32 v6, v4;
	(xrf2) =	vadd.scan.msk.f32 $0xffff, v5;
	_ =	sdelay $0x1  }
0x230: {  	(xrf2) =	vadd.scan.msk.f32 $0xffff, v4;
	_ =	sdelay $0x4  }
0x231: {  	v4, _, _ =	vpop (xrf2)  }
0x232: {  	v5, _, _ =	vpop (xrf2)  }
0x233: {  	v4 =	vbroadcast v4, $0xF;
	v5 =	vbroadcast v5, $0xF  }
0x234: {  	v61, _, _ =	vpop (xrf2)  }
0x235: {  	v4 =	vnsel vm0, $0x0, v4;
	v6 =	vbroadcast v61, $0xF;
	v5 =	vnsel vm1, $0x0, v5  }
0x236: {  	v62, _, _ =	vpop (xrf2);
	v4 =	vadd.f32 v5, v4  }
0x237: {  	v5 =	vnsel vm2, $0x0, v6;
	v63 =	vbroadcast v62, $0xF  }
0x238: {  	v4 =	vadd.f32 v5, v4  }
0x239: {  	v5 =	vnsel vm3, $0x0, v63  }
0x23a: {  	s25 =	sadd.s32 $0x1, s25;
	v4 =	vadd.f32 v5, v4  }
0x23b: {  	p0 =	sne.s32 s25, s12  }
.Ltmp2:
0x23c: {  	s31 =	simm.s32 $0x2800;
	[tilespmem:$0x2800] =	vst v4;
	(pc) =	sbr.rel @p0 .LBB2_1-.Ltmp2, $4  }
0x23d: {  	[hbm4b:s11+s1] =	stream.linear.scatter [tilespmem:s31], [sflag:$0x3], $0x80, $0x38;
	[tilespmem:$0x2880] =	vst v63  }
0x23e: {  	_ =	swait.ge [sflag:s24], $0x80  }
0x23f: {  	[sflag:s24] =	ssyncset.done $0x0  }
0x240: {  	[sflag:s24] =	ssyncadd.s32 $0xFFFFFF80  }
0x241: {  	_ =	sfence.sel $0x180000  }
0x242: {  	[bflag:$0x0] =	sbarrier.arrive $0xFFFF  }
0x243: {  	_ =	strace $0x90000047  }
0x244: {  	s0 =	stileid.u32;
	[bflag:$0x2] =	sbarrier.arrive $0xFFFF  }
0x245: {  	p0 =	sne.s32 s0, $0x0;
	s0 =	rddreg [dreg:$0xa]  }
0x246: {  	s0 =	sadd.s32 @!p0 $0x100000, s0  }
0x247: {  	[sflag:s0] =	ssyncadd.tile.s32 @!p0 $0x1;
	_ =	shalt  }
.Lfunc_end2:
_tile_overlayer_lowered:
.L_overlay_start_2:
0x248: {  	(tag) =	ssettag $0x2  }
0x249: {  	s0 =	rddreg [dreg:$0x0];
	s2 =	stileid.u32  }
0x24a: {  	s1 =	rddreg [dreg:$0x1];
	p0 =	sne.s32 s2, $0x0  }
0x24b: {  	s3 =	rddreg [dreg:$0x2];
	[bflag:$0x3] =	sbarrier.arrive $0xFFFF;
	s2 =	simm.s32 @!p0 $0x1C03  }
0x24c: {  	[timem:s3], [sflag:s2] =	dma.local @!p0 [hbm:s0], s1  }
0x24d: {  	s0 =	simm.s32 @!p0 $0x3  }
0x24e: {  	_ =	swait.ge @!p0 [sflag:s0], s1  }
0x24f: {  	s1 =	ssub.s32 @!p0 $0x0, s1;
	[sflag:s0] =	ssyncset.done @!p0 $0x0  }
0x250: {  	[sflag:s0] =	ssyncadd.s32 @!p0 s1  }
0x251: {  	[bflag:$0x3] =	sbarrier.arrive $0xFFFF  }
0x252: {  	_ =	shalt  }

</sc_bundles>
